<compile_context>
chip_gen: v7x
topology: tpu7x:2x2x1
jax: 0.10.2.dev20260603
libtpu: 0.0.44.dev20260713+nightly
codegen_flags: <defaults>
</compile_context>

<pallas_src>
import functools

import jax
import jax.numpy as jnp
from jax import lax
from jax.experimental import pallas as pl
from jax.experimental.pallas import tpu as pltpu
from jax.experimental.pallas import tpu_sc as plsc

B, L = 1024, 50
HIDDEN = 768
HEAD_DIM = 64
NUM_ATT_TYPES = 8
BL = B * L

NC, NS = 2, 16
NW = NC * NS
ROWS_PER_W = BL // NW
CHUNK = 40
NCHUNK = ROWS_PER_W // CHUNK
LANES = 16
_VECS_PER_ROW = HIDDEN // LANES


def _emb_body(ids0_hbm, ids1_hbm, t0_hbm, t1_hbm, out_hbm,
              idx0_v, idx1_v, bufs0, bufs1, sems0, sems1):
    c = lax.axis_index("c")
    s = lax.axis_index("s")
    wid = s * NC + c
    base = wid * ROWS_PER_W
    pltpu.sync_copy(ids0_hbm.at[pl.ds(base, ROWS_PER_W)], idx0_v)
    pltpu.sync_copy(ids1_hbm.at[pl.ds(base, ROWS_PER_W)], idx1_v)

    def gather_pair(k, slot):
        src0 = t0_hbm.at[idx0_v.at[pl.ds(k * CHUNK, CHUNK)]]
        src1 = t1_hbm.at[idx1_v.at[pl.ds(k * CHUNK, CHUNK)]]
        return (pltpu.make_async_copy(src0, bufs0[slot], sems0[slot]),
                pltpu.make_async_copy(src1, bufs1[slot], sems1[slot]))

    d0, d1 = gather_pair(0, 0)
    d0.start()
    d1.start()

    def outer(g, carry):
        for b in (0, 1):
            k = g * 2 + b

            @pl.when(k + 1 < NCHUNK)
            def _():
                n0, n1 = gather_pair(k + 1, 1 - b)
                n0.start()
                n1.start()

            w0, w1 = gather_pair(k, b)
            w0.wait()
            w1.wait()

            def row_body(r, rc):
                for j in range(_VECS_PER_ROW):
                    plsc.addupdate(bufs0[b].at[r, pl.ds(j * LANES, LANES)],
                                   bufs1[b][r, pl.ds(j * LANES, LANES)])
                return rc

            lax.fori_loop(0, CHUNK, row_body, 0, unroll=False)
            pltpu.sync_copy(bufs0[b],
                            out_hbm.at[pl.ds(base + k * CHUNK, CHUNK)])
        return carry

    lax.fori_loop(0, NCHUNK // 2, outer, 0, unroll=False)


_emb_kernel = functools.partial(
    pl.kernel,
    out_type=jax.ShapeDtypeStruct((BL, HIDDEN), jnp.float32),
    mesh=plsc.VectorSubcoreMesh(core_axis_name="c", subcore_axis_name="s"),
    compiler_params=pltpu.CompilerParams(use_tc_tiling_on_sc=True),
    scratch_types=[
        pltpu.VMEM((ROWS_PER_W,), jnp.int32),
        pltpu.VMEM((ROWS_PER_W,), jnp.int32),
        [pltpu.VMEM((CHUNK, HIDDEN), jnp.float32)] * 2,
        [pltpu.VMEM((CHUNK, HIDDEN), jnp.float32)] * 2,
        [pltpu.SemaphoreType.DMA] * 2,
        [pltpu.SemaphoreType.DMA] * 2,
    ],
)(_emb_body)



_ROWS_BLK = 512
_NBLK = BL // _ROWS_BLK


def _pos_body(rel_ref, att_ref, freq_ref, phase_ref, table_ref, out_ref):
    rel = rel_ref[...].reshape(_ROWS_BLK, 1).astype(jnp.float32)
    x = rel / freq_ref[...] + phase_ref[...]
    posenc = jnp.sin(x)
    att = att_ref[...].reshape(_ROWS_BLK, 1)
    iota = lax.broadcasted_iota(jnp.int32, (_ROWS_BLK, NUM_ATT_TYPES), 1)
    onehot = (att == iota).astype(jnp.float32)
    att_emb = jnp.dot(onehot, table_ref[...],
                      preferred_element_type=jnp.float32)
    out_ref[...] = posenc + att_emb


def _pos_kernel(rel_ids, att_ids, freq2, phase, table):
    return pl.pallas_call(
        _pos_body,
        grid=(_NBLK,),
        in_specs=[
            pl.BlockSpec((1, _ROWS_BLK, 1), lambda i: (i, 0, 0)),
            pl.BlockSpec((1, _ROWS_BLK, 1), lambda i: (i, 0, 0)),
            pl.BlockSpec((1, HEAD_DIM), lambda i: (0, 0)),
            pl.BlockSpec((1, HEAD_DIM), lambda i: (0, 0)),
            pl.BlockSpec((NUM_ATT_TYPES, HEAD_DIM), lambda i: (0, 0)),
        ],
        out_specs=pl.BlockSpec((_ROWS_BLK, HEAD_DIM), lambda i: (i, 0)),
        out_shape=jax.ShapeDtypeStruct((BL, HEAD_DIM), jnp.float32),
    )(rel_ids, att_ids, freq2, phase, table)


def kernel(input_ids_0, input_ids_1, attention_type_ids,
           relative_position_ids, table_0, table_1, attn_type_table,
           inverse_freqs):
    ids0 = input_ids_0.reshape(BL)
    ids1 = input_ids_1.reshape(BL)
    emb = _emb_kernel(ids0, ids1, table_0, table_1)

    half = HEAD_DIM // 2
    freq2 = jnp.concatenate([inverse_freqs, inverse_freqs]).reshape(1, HEAD_DIM)
    phase = jnp.concatenate(
        [jnp.zeros((half,), jnp.float32),
         jnp.full((half,), jnp.pi / 2, jnp.float32)]).reshape(1, HEAD_DIM)
    rel = relative_position_ids.reshape(_NBLK, _ROWS_BLK, 1)
    att = attention_type_ids.reshape(_NBLK, _ROWS_BLK, 1)
    rel_att = _pos_kernel(rel, att, freq2, phase, attn_type_table)

    return (emb.reshape(B, L, HIDDEN), rel_att.reshape(B, L, HEAD_DIM))

# --- scband reference (transcript-rebuilt; emitter-appended) ---
"""Pipeline reference for scband-mo-tembeddings-58832462020711 (READ-ONLY COPY).

The authoritative reference and input builder live on the scoring server;
editing this copy changes nothing except your own understanding.
"""

import jax, jax.numpy as jnp
import numpy as np

B, L = 1024, 50
VOCAB0, VOCAB1 = 100000, 100000
HIDDEN = 768
NUM_HEADS = 12
HEAD_DIM = HIDDEN // NUM_HEADS  # 64
NUM_ATT_TYPES = 8
POS_SCALE = 100.0
INIT_RANGE = 0.02


def setup_inputs(seed: int = 0) -> dict:
    key = jax.random.key(seed)
    ks = jax.random.split(key, 8)
    inp = {}
    inp["input_ids_0"] = jax.random.randint(ks[0], (B, L), 0, VOCAB0, dtype=jnp.int32)
    inp["input_ids_1"] = jax.random.randint(ks[1], (B, L), 0, VOCAB1, dtype=jnp.int32)
    inp["attention_type_ids"] = jax.random.randint(ks[2], (B, L), 0, NUM_ATT_TYPES, dtype=jnp.int32)
    inp["relative_position_ids"] = jax.random.randint(ks[3], (B, L), 0, 50, dtype=jnp.int32)
    inp["table_0"] = jax.random.normal(ks[4], (VOCAB0, HIDDEN), dtype=jnp.float32) * INIT_RANGE
    inp["table_1"] = jax.random.normal(ks[5], (VOCAB1, HIDDEN), dtype=jnp.float32) * INIT_RANGE
    inp["attn_type_table"] = jax.random.normal(ks[6], (NUM_ATT_TYPES, HEAD_DIM), dtype=jnp.float32) * INIT_RANGE
    inp["inverse_freqs"] = (POS_SCALE ** (jnp.arange(0, HEAD_DIM, 2, dtype=jnp.float32) / HEAD_DIM)).astype(jnp.float32)
    return inp


def reference(input_ids_0, input_ids_1, attention_type_ids, relative_position_ids, table_0, table_1, attn_type_table, inverse_freqs):
    # sum of multiple input embedding lookups (dropout is identity in eval / p=0.0)
    input_embeddings = jnp.take(table_0, input_ids_0, axis=0) + jnp.take(table_1, input_ids_1, axis=0)
    # sinusoidal positional encoding on relative positions
    x = relative_position_ids[..., None].astype(jnp.float32) / inverse_freqs
    position_embeddings = jnp.concatenate((jnp.sin(x), jnp.cos(x)), axis=-1).astype(inverse_freqs.dtype)
    # attention-type embedding lookup
    attention_types = jnp.take(attn_type_table, attention_type_ids, axis=0)
    relative_attentions = position_embeddings + attention_types
    return (input_embeddings, relative_attentions)

if __name__ == "__main__":
    import jax
    _d = setup_inputs()
    print(jax.jit(kernel)(*tuple(_d.values())))

</pallas_src>

<mosaic_0001>
#map = affine_map<(d0, d1) -> (0)>
#map1 = affine_map<(d0, d1) -> (0, 0)>
module attributes {stable_mosaic.version = 14 : i64} {
  func.func @_emb_body(%arg0: i32, %arg1: i32, %arg2: memref<51200xi32, #tpu.memory_space<hbm>>, %arg3: memref<51200xi32, #tpu.memory_space<hbm>>, %arg4: memref<100000x768xf32, #tpu.memory_space<hbm>>, %arg5: memref<100000x768xf32, #tpu.memory_space<hbm>>, %arg6: memref<51200x768xf32, #tpu.memory_space<hbm>>, %arg7: memref<1600xi32, #tpu.memory_space<vmem>>, %arg8: memref<1600xi32, #tpu.memory_space<vmem>>, %arg9: memref<40x768xf32, #tpu.memory_space<vmem>>, %arg10: memref<40x768xf32, #tpu.memory_space<vmem>>, %arg11: memref<40x768xf32, #tpu.memory_space<vmem>>, %arg12: memref<40x768xf32, #tpu.memory_space<vmem>>, %arg13: memref<!tpu.dma_semaphore, #tpu.memory_space<semaphore_mem>>, %arg14: memref<!tpu.dma_semaphore, #tpu.memory_space<semaphore_mem>>, %arg15: memref<!tpu.dma_semaphore, #tpu.memory_space<semaphore_mem>>, %arg16: memref<!tpu.dma_semaphore, #tpu.memory_space<semaphore_mem>>) attributes {dimension_semantics = [#tpu.dimension_semantics<core_parallel>, #tpu.dimension_semantics<subcore_parallel>], iteration_bounds = array<i64: 2, 16>, scalar_prefetch = 0 : i64, scratch_operands = 10 : i64, tpu.core_type = #tpu.core_type<sc_vector_subcore>, window_params = [{transform_indices = #map}, {transform_indices = #map}, {transform_indices = #map1}, {transform_indices = #map1}, {transform_indices = #map1}]} {
    %mul3A = arith.constant 2 : i32
    %mul3A_0 = arith.muli %arg1, %mul3A : i32
    %add3A = arith.addi %mul3A_0, %arg0 : i32
    %mul3A_1 = arith.constant 1600 : i32
    %mul3A_2 = arith.muli %add3A, %mul3A_1 : i32
    "tpu.region"() ({
      %run_scoped3A = tpu.sem_alloc : memref<!tpu.dma_semaphore, #tpu.memory_space<semaphore_mem>>
      %dma_start3A_17 = tpu.memref_slice %arg2[%mul3A_2] : memref<51200xi32, #tpu.memory_space<hbm>> -> memref<1600xi32, #tpu.memory_space<hbm>>
      %dma_start3A_18 = tpu.memref_slice %arg2[%mul3A_2] : memref<51200xi32, #tpu.memory_space<hbm>> -> memref<1600xi32, #tpu.memory_space<hbm>>
      tpu.enqueue_dma source(%dma_start3A_18 : memref<1600xi32, #tpu.memory_space<hbm>>) target(%arg7 : memref<1600xi32, #tpu.memory_space<vmem>>) target_semaphore(%run_scoped3A : memref<!tpu.dma_semaphore, #tpu.memory_space<semaphore_mem>>)
      %dma_wait3A = tpu.memref_slice %arg2[%mul3A_2] : memref<51200xi32, #tpu.memory_space<hbm>> -> memref<1600xi32, #tpu.memory_space<hbm>>
      %dma_wait3A_19 = tpu.memref_slice %arg2[%mul3A_2] : memref<51200xi32, #tpu.memory_space<hbm>> -> memref<1600xi32, #tpu.memory_space<hbm>>
      tpu.wait_dma2 semaphore(%run_scoped3A : memref<!tpu.dma_semaphore, #tpu.memory_space<semaphore_mem>>) src(%dma_wait3A_19 : memref<1600xi32, #tpu.memory_space<hbm>>) dst(%arg7 : memref<1600xi32, #tpu.memory_space<vmem>>)
      tpu.yield
    }) : () -> ()
    "tpu.region"() ({
      %run_scoped3A = tpu.sem_alloc : memref<!tpu.dma_semaphore, #tpu.memory_space<semaphore_mem>>
      %dma_start3A_17 = tpu.memref_slice %arg3[%mul3A_2] : memref<51200xi32, #tpu.memory_space<hbm>> -> memref<1600xi32, #tpu.memory_space<hbm>>
      %dma_start3A_18 = tpu.memref_slice %arg3[%mul3A_2] : memref<51200xi32, #tpu.memory_space<hbm>> -> memref<1600xi32, #tpu.memory_space<hbm>>
      tpu.enqueue_dma source(%dma_start3A_18 : memref<1600xi32, #tpu.memory_space<hbm>>) target(%arg8 : memref<1600xi32, #tpu.memory_space<vmem>>) target_semaphore(%run_scoped3A : memref<!tpu.dma_semaphore, #tpu.memory_space<semaphore_mem>>)
      %dma_wait3A = tpu.memref_slice %arg3[%mul3A_2] : memref<51200xi32, #tpu.memory_space<hbm>> -> memref<1600xi32, #tpu.memory_space<hbm>>
      %dma_wait3A_19 = tpu.memref_slice %arg3[%mul3A_2] : memref<51200xi32, #tpu.memory_space<hbm>> -> memref<1600xi32, #tpu.memory_space<hbm>>
      tpu.wait_dma2 semaphore(%run_scoped3A : memref<!tpu.dma_semaphore, #tpu.memory_space<semaphore_mem>>) src(%dma_wait3A_19 : memref<1600xi32, #tpu.memory_space<hbm>>) dst(%arg8 : memref<1600xi32, #tpu.memory_space<vmem>>)
      tpu.yield
    }) : () -> ()
    %dma_start3A = arith.constant 0 : i32
    %dma_start3A_3 = tpu.memref_slice %arg7[%dma_start3A] : memref<1600xi32, #tpu.memory_space<vmem>> -> memref<40xi32, #tpu.memory_space<vmem>>
    %dma_start3A_4 = arith.constant 0 : i32
    %dma_start3A_5 = arith.constant 0 : i32
    %dma_start3A_6 = tpu.memref_slice %arg4[%dma_start3A_4, %dma_start3A_5] : memref<100000x768xf32, #tpu.memory_space<hbm>> -> memref<100000x768xf32, #tpu.memory_space<hbm>>
    tpu.enqueue_indirect_dma source(%dma_start3A_6 : memref<100000x768xf32, #tpu.memory_space<hbm>>) target(%arg9 : memref<40x768xf32, #tpu.memory_space<vmem>>) offsets(%dma_start3A_3 : memref<40xi32, #tpu.memory_space<vmem>>) semaphore(%arg13 : memref<!tpu.dma_semaphore, #tpu.memory_space<semaphore_mem>>)
    %dma_start3A_7 = arith.constant 0 : i32
    %dma_start3A_8 = tpu.memref_slice %arg8[%dma_start3A_7] : memref<1600xi32, #tpu.memory_space<vmem>> -> memref<40xi32, #tpu.memory_space<vmem>>
    %dma_start3A_9 = arith.constant 0 : i32
    %dma_start3A_10 = arith.constant 0 : i32
    %dma_start3A_11 = tpu.memref_slice %arg5[%dma_start3A_9, %dma_start3A_10] : memref<100000x768xf32, #tpu.memory_space<hbm>> -> memref<100000x768xf32, #tpu.memory_space<hbm>>
    tpu.enqueue_indirect_dma source(%dma_start3A_11 : memref<100000x768xf32, #tpu.memory_space<hbm>>) target(%arg11 : memref<40x768xf32, #tpu.memory_space<vmem>>) offsets(%dma_start3A_8 : memref<40xi32, #tpu.memory_space<vmem>>) semaphore(%arg15 : memref<!tpu.dma_semaphore, #tpu.memory_space<semaphore_mem>>)
    %scan3A = arith.constant 0 : i32
    %scan3A_12 = arith.constant 0 : i32
    %scan3A_13 = arith.constant 20 : i32
    %scan3A_14 = arith.addi %scan3A_12, %scan3A_13 : i32
    %scan3A_15 = arith.constant 1 : i32
    scf.for %scan3A_17 = %scan3A_12 to %scan3A_14 step %scan3A_15  : i32 {
      %mul3A_18 = arith.constant 2 : i32
      %mul3A_19 = arith.muli %scan3A_17, %mul3A_18 : i32
      %add3A_20 = arith.constant 0 : i32
      %add3A_21 = arith.addi %mul3A_19, %add3A_20 : i32
      %add3A_22 = arith.constant 1 : i32
      %add3A_23 = arith.addi %add3A_21, %add3A_22 : i32
      %lt3A = arith.constant 40 : i32
      %lt3A_24 = arith.cmpi slt, %add3A_23, %lt3A : i32
      %convert_element_type3A = arith.extui %lt3A_24 : i1 to i32
      %cond3A = arith.constant 0 : i32
      %cond3A_25 = arith.cmpi ne, %convert_element_type3A, %cond3A : i32
      scf.if %cond3A_25 {
        %add3A_78 = arith.constant 1 : i32
        %add3A_79 = arith.addi %add3A_21, %add3A_78 : i32
        %mul3A_80 = arith.constant 40 : i32
        %mul3A_81 = arith.muli %add3A_79, %mul3A_80 : i32
        %mul3A_82 = arith.constant 40 : i32
        %mul3A_83 = arith.muli %add3A_79, %mul3A_82 : i32
        %dma_start3A_84 = tpu.memref_slice %arg7[%mul3A_81] : memref<1600xi32, #tpu.memory_space<vmem>> -> memref<40xi32, #tpu.memory_space<vmem>>
        %dma_start3A_85 = arith.constant 0 : i32
        %dma_start3A_86 = arith.constant 0 : i32
        %dma_start3A_87 = tpu.memref_slice %arg4[%dma_start3A_85, %dma_start3A_86] : memref<100000x768xf32, #tpu.memory_space<hbm>> -> memref<100000x768xf32, #tpu.memory_space<hbm>>
        tpu.enqueue_indirect_dma source(%dma_start3A_87 : memref<100000x768xf32, #tpu.memory_space<hbm>>) target(%arg10 : memref<40x768xf32, #tpu.memory_space<vmem>>) offsets(%dma_start3A_84 : memref<40xi32, #tpu.memory_space<vmem>>) semaphore(%arg14 : memref<!tpu.dma_semaphore, #tpu.memory_space<semaphore_mem>>)
        %dma_start3A_88 = tpu.memref_slice %arg8[%mul3A_83] : memref<1600xi32, #tpu.memory_space<vmem>> -> memref<40xi32, #tpu.memory_space<vmem>>
        %dma_start3A_89 = arith.constant 0 : i32
        %dma_start3A_90 = arith.constant 0 : i32
        %dma_start3A_91 = tpu.memref_slice %arg5[%dma_start3A_89, %dma_start3A_90] : memref<100000x768xf32, #tpu.memory_space<hbm>> -> memref<100000x768xf32, #tpu.memory_space<hbm>>
        tpu.enqueue_indirect_dma source(%dma_start3A_91 : memref<100000x768xf32, #tpu.memory_space<hbm>>) target(%arg12 : memref<40x768xf32, #tpu.memory_space<vmem>>) offsets(%dma_start3A_88 : memref<40xi32, #tpu.memory_space<vmem>>) semaphore(%arg16 : memref<!tpu.dma_semaphore, #tpu.memory_space<semaphore_mem>>)
      } else {
      }
      %mul3A_26 = arith.constant 40 : i32
      %mul3A_27 = arith.muli %add3A_21, %mul3A_26 : i32
      %mul3A_28 = arith.constant 40 : i32
      %mul3A_29 = arith.muli %add3A_21, %mul3A_28 : i32
      %dma_wait3A = tpu.memref_slice %arg7[%mul3A_27] : memref<1600xi32, #tpu.memory_space<vmem>> -> memref<40xi32, #tpu.memory_space<vmem>>
      %dma_wait3A_30 = arith.constant 0 : i32
      %dma_wait3A_31 = arith.constant 0 : i32
      %dma_wait3A_32 = tpu.memref_slice %arg4[%dma_wait3A_30, %dma_wait3A_31] : memref<100000x768xf32, #tpu.memory_space<hbm>> -> memref<100000x768xf32, #tpu.memory_space<hbm>>
      tpu.wait_indirect_dma semaphore(%arg13 : memref<!tpu.dma_semaphore, #tpu.memory_space<semaphore_mem>>) src(%dma_wait3A_32 : memref<100000x768xf32, #tpu.memory_space<hbm>>) dst(%arg9 : memref<40x768xf32, #tpu.memory_space<vmem>>)
      %dma_wait3A_33 = tpu.memref_slice %arg8[%mul3A_29] : memref<1600xi32, #tpu.memory_space<vmem>> -> memref<40xi32, #tpu.memory_space<vmem>>
      %dma_wait3A_34 = arith.constant 0 : i32
      %dma_wait3A_35 = arith.constant 0 : i32
      %dma_wait3A_36 = tpu.memref_slice %arg5[%dma_wait3A_34, %dma_wait3A_35] : memref<100000x768xf32, #tpu.memory_space<hbm>> -> memref<100000x768xf32, #tpu.memory_space<hbm>>
      tpu.wait_indirect_dma semaphore(%arg15 : memref<!tpu.dma_semaphore, #tpu.memory_space<semaphore_mem>>) src(%dma_wait3A_36 : memref<100000x768xf32, #tpu.memory_space<hbm>>) dst(%arg11 : memref<40x768xf32, #tpu.memory_space<vmem>>)
      %scan3A_37 = arith.constant 0 : i32
      %scan3A_38 = arith.constant 0 : i32
      %scan3A_39 = arith.constant 40 : i32
      %scan3A_40 = arith.addi %scan3A_38, %scan3A_39 : i32
      %scan3A_41 = arith.constant 1 : i32
      scf.for %scan3A_78 = %scan3A_38 to %scan3A_40 step %scan3A_41  : i32 {
        %get3A = arith.index_cast %scan3A_78 : i32 to index
        %get3A_79 = arith.constant 0 : index
        %get3A_80 = tpu.vector_load %arg11[%get3A, %get3A_79] {strides = array<i32>} : memref<40x768xf32, #tpu.memory_space<vmem>>, vector<1x16xf32>,
        %get3A_81 = vector.shape_cast %get3A_80 : vector<1x16xf32> to vector<16xf32>
        %swap3A = arith.index_cast %scan3A_78 : i32 to index
        %swap3A_82 = arith.constant 0 : index
        %swap3A_83 = tpu.vector_load %arg9[%swap3A, %swap3A_82] {strides = array<i32>} : memref<40x768xf32, #tpu.memory_space<vmem>>, vector<1x16xf32>,
        %swap3A_84 = vector.shape_cast %swap3A_83 : vector<1x16xf32> to vector<16xf32>
        %swap3A_85 = vector.shape_cast %get3A_81 : vector<16xf32> to vector<1x16xf32>
        tpu.vector_store %arg9[%swap3A, %swap3A_82], %swap3A_85 {add = true, strides = array<i32>} : memref<40x768xf32, #tpu.memory_space<vmem>>, vector<1x16xf32>,
        %get3A_86 = arith.index_cast %scan3A_78 : i32 to index
        %get3A_87 = arith.constant 16 : index
        %get3A_88 = tpu.vector_load %arg11[%get3A_86, %get3A_87] {strides = array<i32>} : memref<40x768xf32, #tpu.memory_space<vmem>>, vector<1x16xf32>,
        %get3A_89 = vector.shape_cast %get3A_88 : vector<1x16xf32> to vector<16xf32>
        %swap3A_90 = arith.index_cast %scan3A_78 : i32 to index
        %swap3A_91 = arith.constant 16 : index
        %swap3A_92 = tpu.vector_load %arg9[%swap3A_90, %swap3A_91] {strides = array<i32>} : memref<40x768xf32, #tpu.memory_space<vmem>>, vector<1x16xf32>,
        %swap3A_93 = vector.shape_cast %swap3A_92 : vector<1x16xf32> to vector<16xf32>
        %swap3A_94 = vector.shape_cast %get3A_89 : vector<16xf32> to vector<1x16xf32>
        tpu.vector_store %arg9[%swap3A_90, %swap3A_91], %swap3A_94 {add = true, strides = array<i32>} : memref<40x768xf32, #tpu.memory_space<vmem>>, vector<1x16xf32>,
        %get3A_95 = arith.index_cast %scan3A_78 : i32 to index
        %get3A_96 = arith.constant 32 : index
        %get3A_97 = tpu.vector_load %arg11[%get3A_95, %get3A_96] {strides = array<i32>} : memref<40x768xf32, #tpu.memory_space<vmem>>, vector<1x16xf32>,
        %get3A_98 = vector.shape_cast %get3A_97 : vector<1x16xf32> to vector<16xf32>
        %swap3A_99 = arith.index_cast %scan3A_78 : i32 to index
        %swap3A_100 = arith.constant 32 : index
        %swap3A_101 = tpu.vector_load %arg9[%swap3A_99, %swap3A_100] {strides = array<i32>} : memref<40x768xf32, #tpu.memory_space<vmem>>, vector<1x16xf32>,
        %swap3A_102 = vector.shape_cast %swap3A_101 : vector<1x16xf32> to vector<16xf32>
        %swap3A_103 = vector.shape_cast %get3A_98 : vector<16xf32> to vector<1x16xf32>
        tpu.vector_store %arg9[%swap3A_99, %swap3A_100], %swap3A_103 {add = true, strides = array<i32>} : memref<40x768xf32, #tpu.memory_space<vmem>>, vector<1x16xf32>,
        %get3A_104 = arith.index_cast %scan3A_78 : i32 to index
        %get3A_105 = arith.constant 48 : index
        %get3A_106 = tpu.vector_load %arg11[%get3A_104, %get3A_105] {strides = array<i32>} : memref<40x768xf32, #tpu.memory_space<vmem>>, vector<1x16xf32>,
        %get3A_107 = vector.shape_cast %get3A_106 : vector<1x16xf32> to vector<16xf32>
        %swap3A_108 = arith.index_cast %scan3A_78 : i32 to index
        %swap3A_109 = arith.constant 48 : index
        %swap3A_110 = tpu.vector_load %arg9[%swap3A_108, %swap3A_109] {strides = array<i32>} : memref<40x768xf32, #tpu.memory_space<vmem>>, vector<1x16xf32>,
        %swap3A_111 = vector.shape_cast %swap3A_110 : vector<1x16xf32> to vector<16xf32>
        %swap3A_112 = vector.shape_cast %get3A_107 : vector<16xf32> to vector<1x16xf32>
        tpu.vector_store %arg9[%swap3A_108, %swap3A_109], %swap3A_112 {add = true, strides = array<i32>} : memref<40x768xf32, #tpu.memory_space<vmem>>, vector<1x16xf32>,
        %get3A_113 = arith.index_cast %scan3A_78 : i32 to index
        %get3A_114 = arith.constant 64 : index
        %get3A_115 = tpu.vector_load %arg11[%get3A_113, %get3A_114] {strides = array<i32>} : memref<40x768xf32, #tpu.memory_space<vmem>>, vector<1x16xf32>,
        %get3A_116 = vector.shape_cast %get3A_115 : vector<1x16xf32> to vector<16xf32>
        %swap3A_117 = arith.index_cast %scan3A_78 : i32 to index
        %swap3A_118 = arith.constant 64 : index
        %swap3A_119 = tpu.vector_load %arg9[%swap3A_117, %swap3A_118] {strides = array<i32>} : memref<40x768xf32, #tpu.memory_space<vmem>>, vector<1x16xf32>,
        %swap3A_120 = vector.shape_cast %swap3A_119 : vector<1x16xf32> to vector<16xf32>
        %swap3A_121 = vector.shape_cast %get3A_116 : vector<16xf32> to vector<1x16xf32>
        tpu.vector_store %arg9[%swap3A_117, %swap3A_118], %swap3A_121 {add = true, strides = array<i32>} : memref<40x768xf32, #tpu.memory_space<vmem>>, vector<1x16xf32>,
        %get3A_122 = arith.index_cast %scan3A_78 : i32 to index
        %get3A_123 = arith.constant 80 : index
        %get3A_124 = tpu.vector_load %arg11[%get3A_122, %get3A_123] {strides = array<i32>} : memref<40x768xf32, #tpu.memory_space<vmem>>, vector<1x16xf32>,
        %get3A_125 = vector.shape_cast %get3A_124 : vector<1x16xf32> to vector<16xf32>
        %swap3A_126 = arith.index_cast %scan3A_78 : i32 to index
        %swap3A_127 = arith.constant 80 : index
        %swap3A_128 = tpu.vector_load %arg9[%swap3A_126, %swap3A_127] {strides = array<i32>} : memref<40x768xf32, #tpu.memory_space<vmem>>, vector<1x16xf32>,
        %swap3A_129 = vector.shape_cast %swap3A_128 : vector<1x16xf32> to vector<16xf32>
        %swap3A_130 = vector.shape_cast %get3A_125 : vector<16xf32> to vector<1x16xf32>
        tpu.vector_store %arg9[%swap3A_126, %swap3A_127], %swap3A_130 {add = true, strides = array<i32>} : memref<40x768xf32, #tpu.memory_space<vmem>>, vector<1x16xf32>,
        %get3A_131 = arith.index_cast %scan3A_78 : i32 to index
        %get3A_132 = arith.constant 96 : index
        %get3A_133 = tpu.vector_load %arg11[%get3A_131, %get3A_132] {strides = array<i32>} : memref<40x768xf32, #tpu.memory_space<vmem>>, vector<1x16xf32>,
        %get3A_134 = vector.shape_cast %get3A_133 : vector<1x16xf32> to vector<16xf32>
        %swap3A_135 = arith.index_cast %scan3A_78 : i32 to index
        %swap3A_136 = arith.constant 96 : index
        %swap3A_137 = tpu.vector_load %arg9[%swap3A_135, %swap3A_136] {strides = array<i32>} : memref<40x768xf32, #tpu.memory_space<vmem>>, vector<1x16xf32>,
        %swap3A_138 = vector.shape_cast %swap3A_137 : vector<1x16xf32> to vector<16xf32>
        %swap3A_139 = vector.shape_cast %get3A_134 : vector<16xf32> to vector<1x16xf32>
        tpu.vector_store %arg9[%swap3A_135, %swap3A_136], %swap3A_139 {add = true, strides = array<i32>} : memref<40x768xf32, #tpu.memory_space<vmem>>, vector<1x16xf32>,
        %get3A_140 = arith.index_cast %scan3A_78 : i32 to index
        %get3A_141 = arith.constant 112 : index
        %get3A_142 = tpu.vector_load %arg11[%get3A_140, %get3A_141] {strides = array<i32>} : memref<40x768xf32, #tpu.memory_space<vmem>>, vector<1x16xf32>,
        %get3A_143 = vector.shape_cast %get3A_142 : vector<1x16xf32> to vector<16xf32>
        %swap3A_144 = arith.index_cast %scan3A_78 : i32 to index
        %swap3A_145 = arith.constant 112 : index
        %swap3A_146 = tpu.vector_load %arg9[%swap3A_144, %swap3A_145] {strides = array<i32>} : memref<40x768xf32, #tpu.memory_space<vmem>>, vector<1x16xf32>,
        %swap3A_147 = vector.shape_cast %swap3A_146 : vector<1x16xf32> to vector<16xf32>
        %swap3A_148 = vector.shape_cast %get3A_143 : vector<16xf32> to vector<1x16xf32>
        tpu.vector_store %arg9[%swap3A_144, %swap3A_145], %swap3A_148 {add = true, strides = array<i32>} : memref<40x768xf32, #tpu.memory_space<vmem>>, vector<1x16xf32>,
        %get3A_149 = arith.index_cast %scan3A_78 : i32 to index
        %get3A_150 = arith.constant 128 : index
        %get3A_151 = tpu.vector_load %arg11[%get3A_149, %get3A_150] {strides = array<i32>} : memref<40x768xf32, #tpu.memory_space<vmem>>, vector<1x16xf32>,
        %get3A_152 = vector.shape_cast %get3A_151 : vector<1x16xf32> to vector<16xf32>
        %swap3A_153 = arith.index_cast %scan3A_78 : i32 to index
        %swap3A_154 = arith.constant 128 : index
        %swap3A_155 = tpu.vector_load %arg9[%swap3A_153, %swap3A_154] {strides = array<i32>} : memref<40x768xf32, #tpu.memory_space<vmem>>, vector<1x16xf32>,
        %swap3A_156 = vector.shape_cast %swap3A_155 : vector<1x16xf32> to vector<16xf32>
        %swap3A_157 = vector.shape_cast %get3A_152 : vector<16xf32> to vector<1x16xf32>
        tpu.vector_store %arg9[%swap3A_153, %swap3A_154], %swap3A_157 {add = true, strides = array<i32>} : memref<40x768xf32, #tpu.memory_space<vmem>>, vector<1x16xf32>,
        %get3A_158 = arith.index_cast %scan3A_78 : i32 to index
        %get3A_159 = arith.constant 144 : index
        %get3A_160 = tpu.vector_load %arg11[%get3A_158, %get3A_159] {strides = array<i32>} : memref<40x768xf32, #tpu.memory_space<vmem>>, vector<1x16xf32>,
        %get3A_161 = vector.shape_cast %get3A_160 : vector<1x16xf32> to vector<16xf32>
        %swap3A_162 = arith.index_cast %scan3A_78 : i32 to index
        %swap3A_163 = arith.constant 144 : index
        %swap3A_164 = tpu.vector_load %arg9[%swap3A_162, %swap3A_163] {strides = array<i32>} : memref<40x768xf32, #tpu.memory_space<vmem>>, vector<1x16xf32>,
        %swap3A_165 = vector.shape_cast %swap3A_164 : vector<1x16xf32> to vector<16xf32>
        %swap3A_166 = vector.shape_cast %get3A_161 : vector<16xf32> to vector<1x16xf32>
        tpu.vector_store %arg9[%swap3A_162, %swap3A_163], %swap3A_166 {add = true, strides = array<i32>} : memref<40x768xf32, #tpu.memory_space<vmem>>, vector<1x16xf32>,
        %get3A_167 = arith.index_cast %scan3A_78 : i32 to index
        %get3A_168 = arith.constant 160 : index
        %get3A_169 = tpu.vector_load %arg11[%get3A_167, %get3A_168] {strides = array<i32>} : memref<40x768xf32, #tpu.memory_space<vmem>>, vector<1x16xf32>,
        %get3A_170 = vector.shape_cast %get3A_169 : vector<1x16xf32> to vector<16xf32>
        %swap3A_171 = arith.index_cast %scan3A_78 : i32 to index
        %swap3A_172 = arith.constant 160 : index
        %swap3A_173 = tpu.vector_load %arg9[%swap3A_171, %swap3A_172] {strides = array<i32>} : memref<40x768xf32, #tpu.memory_space<vmem>>, vector<1x16xf32>,
        %swap3A_174 = vector.shape_cast %swap3A_173 : vector<1x16xf32> to vector<16xf32>
        %swap3A_175 = vector.shape_cast %get3A_170 : vector<16xf32> to vector<1x16xf32>
        tpu.vector_store %arg9[%swap3A_171, %swap3A_172], %swap3A_175 {add = true, strides = array<i32>} : memref<40x768xf32, #tpu.memory_space<vmem>>, vector<1x16xf32>,
        %get3A_176 = arith.index_cast %scan3A_78 : i32 to index
        %get3A_177 = arith.constant 176 : index
        %get3A_178 = tpu.vector_load %arg11[%get3A_176, %get3A_177] {strides = array<i32>} : memref<40x768xf32, #tpu.memory_space<vmem>>, vector<1x16xf32>,
        %get3A_179 = vector.shape_cast %get3A_178 : vector<1x16xf32> to vector<16xf32>
        %swap3A_180 = arith.index_cast %scan3A_78 : i32 to index
        %swap3A_181 = arith.constant 176 : index
        %swap3A_182 = tpu.vector_load %arg9[%swap3A_180, %swap3A_181] {strides = array<i32>} : memref<40x768xf32, #tpu.memory_space<vmem>>, vector<1x16xf32>,
        %swap3A_183 = vector.shape_cast %swap3A_182 : vector<1x16xf32> to vector<16xf32>
        %swap3A_184 = vector.shape_cast %get3A_179 : vector<16xf32> to vector<1x16xf32>
        tpu.vector_store %arg9[%swap3A_180, %swap3A_181], %swap3A_184 {add = true, strides = array<i32>} : memref<40x768xf32, #tpu.memory_space<vmem>>, vector<1x16xf32>,
        %get3A_185 = arith.index_cast %scan3A_78 : i32 to index
        %get3A_186 = arith.constant 192 : index
        %get3A_187 = tpu.vector_load %arg11[%get3A_185, %get3A_186] {strides = array<i32>} : memref<40x768xf32, #tpu.memory_space<vmem>>, vector<1x16xf32>,
        %get3A_188 = vector.shape_cast %get3A_187 : vector<1x16xf32> to vector<16xf32>
        %swap3A_189 = arith.index_cast %scan3A_78 : i32 to index
        %swap3A_190 = arith.constant 192 : index
        %swap3A_191 = tpu.vector_load %arg9[%swap3A_189, %swap3A_190] {strides = array<i32>} : memref<40x768xf32, #tpu.memory_space<vmem>>, vector<1x16xf32>,
        %swap3A_192 = vector.shape_cast %swap3A_191 : vector<1x16xf32> to vector<16xf32>
        %swap3A_193 = vector.shape_cast %get3A_188 : vector<16xf32> to vector<1x16xf32>
        tpu.vector_store %arg9[%swap3A_189, %swap3A_190], %swap3A_193 {add = true, strides = array<i32>} : memref<40x768xf32, #tpu.memory_space<vmem>>, vector<1x16xf32>,
        %get3A_194 = arith.index_cast %scan3A_78 : i32 to index
        %get3A_195 = arith.constant 208 : index
        %get3A_196 = tpu.vector_load %arg11[%get3A_194, %get3A_195] {strides = array<i32>} : memref<40x768xf32, #tpu.memory_space<vmem>>, vector<1x16xf32>,
        %get3A_197 = vector.shape_cast %get3A_196 : vector<1x16xf32> to vector<16xf32>
        %swap3A_198 = arith.index_cast %scan3A_78 : i32 to index
        %swap3A_199 = arith.constant 208 : index
        %swap3A_200 = tpu.vector_load %arg9[%swap3A_198, %swap3A_199] {strides = array<i32>} : memref<40x768xf32, #tpu.memory_space<vmem>>, vector<1x16xf32>,
        %swap3A_201 = vector.shape_cast %swap3A_200 : vector<1x16xf32> to vector<16xf32>
        %swap3A_202 = vector.shape_cast %get3A_197 : vector<16xf32> to vector<1x16xf32>
        tpu.vector_store %arg9[%swap3A_198, %swap3A_199], %swap3A_202 {add = true, strides = array<i32>} : memref<40x768xf32, #tpu.memory_space<vmem>>, vector<1x16xf32>,
        %get3A_203 = arith.index_cast %scan3A_78 : i32 to index
        %get3A_204 = arith.constant 224 : index
        %get3A_205 = tpu.vector_load %arg11[%get3A_203, %get3A_204] {strides = array<i32>} : memref<40x768xf32, #tpu.memory_space<vmem>>, vector<1x16xf32>,
        %get3A_206 = vector.shape_cast %get3A_205 : vector<1x16xf32> to vector<16xf32>
        %swap3A_207 = arith.index_cast %scan3A_78 : i32 to index
        %swap3A_208 = arith.constant 224 : index
        %swap3A_209 = tpu.vector_load %arg9[%swap3A_207, %swap3A_208] {strides = array<i32>} : memref<40x768xf32, #tpu.memory_space<vmem>>, vector<1x16xf32>,
        %swap3A_210 = vector.shape_cast %swap3A_209 : vector<1x16xf32> to vector<16xf32>
        %swap3A_211 = vector.shape_cast %get3A_206 : vector<16xf32> to vector<1x16xf32>
        tpu.vector_store %arg9[%swap3A_207, %swap3A_208], %swap3A_211 {add = true, strides = array<i32>} : memref<40x768xf32, #tpu.memory_space<vmem>>, vector<1x16xf32>,
        %get3A_212 = arith.index_cast %scan3A_78 : i32 to index
        %get3A_213 = arith.constant 240 : index
        %get3A_214 = tpu.vector_load %arg11[%get3A_212, %get3A_213] {strides = array<i32>} : memref<40x768xf32, #tpu.memory_space<vmem>>, vector<1x16xf32>,
        %get3A_215 = vector.shape_cast %get3A_214 : vector<1x16xf32> to vector<16xf32>
        %swap3A_216 = arith.index_cast %scan3A_78 : i32 to index
        %swap3A_217 = arith.constant 240 : index
        %swap3A_218 = tpu.vector_load %arg9[%swap3A_216, %swap3A_217] {strides = array<i32>} : memref<40x768xf32, #tpu.memory_space<vmem>>, vector<1x16xf32>,
        %swap3A_219 = vector.shape_cast %swap3A_218 : vector<1x16xf32> to vector<16xf32>
        %swap3A_220 = vector.shape_cast %get3A_215 : vector<16xf32> to vector<1x16xf32>
        tpu.vector_store %arg9[%swap3A_216, %swap3A_217], %swap3A_220 {add = true, strides = array<i32>} : memref<40x768xf32, #tpu.memory_space<vmem>>, vector<1x16xf32>,
        %get3A_221 = arith.index_cast %scan3A_78 : i32 to index
        %get3A_222 = arith.constant 256 : index
        %get3A_223 = tpu.vector_load %arg11[%get3A_221, %get3A_222] {strides = array<i32>} : memref<40x768xf32, #tpu.memory_space<vmem>>, vector<1x16xf32>,
        %get3A_224 = vector.shape_cast %get3A_223 : vector<1x16xf32> to vector<16xf32>
        %swap3A_225 = arith.index_cast %scan3A_78 : i32 to index
        %swap3A_226 = arith.constant 256 : index
        %swap3A_227 = tpu.vector_load %arg9[%swap3A_225, %swap3A_226] {strides = array<i32>} : memref<40x768xf32, #tpu.memory_space<vmem>>, vector<1x16xf32>,
        %swap3A_228 = vector.shape_cast %swap3A_227 : vector<1x16xf32> to vector<16xf32>
        %swap3A_229 = vector.shape_cast %get3A_224 : vector<16xf32> to vector<1x16xf32>
        tpu.vector_store %arg9[%swap3A_225, %swap3A_226], %swap3A_229 {add = true, strides = array<i32>} : memref<40x768xf32, #tpu.memory_space<vmem>>, vector<1x16xf32>,
        %get3A_230 = arith.index_cast %scan3A_78 : i32 to index
        %get3A_231 = arith.constant 272 : index
        %get3A_232 = tpu.vector_load %arg11[%get3A_230, %get3A_231] {strides = array<i32>} : memref<40x768xf32, #tpu.memory_space<vmem>>, vector<1x16xf32>,
        %get3A_233 = vector.shape_cast %get3A_232 : vector<1x16xf32> to vector<16xf32>
        %swap3A_234 = arith.index_cast %scan3A_78 : i32 to index
        %swap3A_235 = arith.constant 272 : index
        %swap3A_236 = tpu.vector_load %arg9[%swap3A_234, %swap3A_235] {strides = array<i32>} : memref<40x768xf32, #tpu.memory_space<vmem>>, vector<1x16xf32>,
        %swap3A_237 = vector.shape_cast %swap3A_236 : vector<1x16xf32> to vector<16xf32>
        %swap3A_238 = vector.shape_cast %get3A_233 : vector<16xf32> to vector<1x16xf32>
        tpu.vector_store %arg9[%swap3A_234, %swap3A_235], %swap3A_238 {add = true, strides = array<i32>} : memref<40x768xf32, #tpu.memory_space<vmem>>, vector<1x16xf32>,
        %get3A_239 = arith.index_cast %scan3A_78 : i32 to index
        %get3A_240 = arith.constant 288 : index
        %get3A_241 = tpu.vector_load %arg11[%get3A_239, %get3A_240] {strides = array<i32>} : memref<40x768xf32, #tpu.memory_space<vmem>>, vector<1x16xf32>,
        %get3A_242 = vector.shape_cast %get3A_241 : vector<1x16xf32> to vector<16xf32>
        %swap3A_243 = arith.index_cast %scan3A_78 : i32 to index
        %swap3A_244 = arith.constant 288 : index
        %swap3A_245 = tpu.vector_load %arg9[%swap3A_243, %swap3A_244] {strides = array<i32>} : memref<40x768xf32, #tpu.memory_space<vmem>>, vector<1x16xf32>,
        %swap3A_246 = vector.shape_cast %swap3A_245 : vector<1x16xf32> to vector<16xf32>
        %swap3A_247 = vector.shape_cast %get3A_242 : vector<16xf32> to vector<1x16xf32>
        tpu.vector_store %arg9[%swap3A_243, %swap3A_244], %swap3A_247 {add = true, strides = array<i32>} : memref<40x768xf32, #tpu.memory_space<vmem>>, vector<1x16xf32>,
        %get3A_248 = arith.index_cast %scan3A_78 : i32 to index
        %get3A_249 = arith.constant 304 : index
        %get3A_250 = tpu.vector_load %arg11[%get3A_248, %get3A_249] {strides = array<i32>} : memref<40x768xf32, #tpu.memory_space<vmem>>, vector<1x16xf32>,
        %get3A_251 = vector.shape_cast %get3A_250 : vector<1x16xf32> to vector<16xf32>
        %swap3A_252 = arith.index_cast %scan3A_78 : i32 to index
        %swap3A_253 = arith.constant 304 : index
        %swap3A_254 = tpu.vector_load %arg9[%swap3A_252, %swap3A_253] {strides = array<i32>} : memref<40x768xf32, #tpu.memory_space<vmem>>, vector<1x16xf32>,
        %swap3A_255 = vector.shape_cast %swap3A_254 : vector<1x16xf32> to vector<16xf32>
        %swap3A_256 = vector.shape_cast %get3A_251 : vector<16xf32> to vector<1x16xf32>
        tpu.vector_store %arg9[%swap3A_252, %swap3A_253], %swap3A_256 {add = true, strides = array<i32>} : memref<40x768xf32, #tpu.memory_space<vmem>>, vector<1x16xf32>,
        %get3A_257 = arith.index_cast %scan3A_78 : i32 to index
        %get3A_258 = arith.constant 320 : index
        %get3A_259 = tpu.vector_load %arg11[%get3A_257, %get3A_258] {strides = array<i32>} : memref<40x768xf32, #tpu.memory_space<vmem>>, vector<1x16xf32>,
        %get3A_260 = vector.shape_cast %get3A_259 : vector<1x16xf32> to vector<16xf32>
        %swap3A_261 = arith.index_cast %scan3A_78 : i32 to index
        %swap3A_262 = arith.constant 320 : index
        %swap3A_263 = tpu.vector_load %arg9[%swap3A_261, %swap3A_262] {strides = array<i32>} : memref<40x768xf32, #tpu.memory_space<vmem>>, vector<1x16xf32>,
        %swap3A_264 = vector.shape_cast %swap3A_263 : vector<1x16xf32> to vector<16xf32>
        %swap3A_265 = vector.shape_cast %get3A_260 : vector<16xf32> to vector<1x16xf32>
        tpu.vector_store %arg9[%swap3A_261, %swap3A_262], %swap3A_265 {add = true, strides = array<i32>} : memref<40x768xf32, #tpu.memory_space<vmem>>, vector<1x16xf32>,
        %get3A_266 = arith.index_cast %scan3A_78 : i32 to index
        %get3A_267 = arith.constant 336 : index
        %get3A_268 = tpu.vector_load %arg11[%get3A_266, %get3A_267] {strides = array<i32>} : memref<40x768xf32, #tpu.memory_space<vmem>>, vector<1x16xf32>,
        %get3A_269 = vector.shape_cast %get3A_268 : vector<1x16xf32> to vector<16xf32>
        %swap3A_270 = arith.index_cast %scan3A_78 : i32 to index
        %swap3A_271 = arith.constant 336 : index
        %swap3A_272 = tpu.vector_load %arg9[%swap3A_270, %swap3A_271] {strides = array<i32>} : memref<40x768xf32, #tpu.memory_space<vmem>>, vector<1x16xf32>,
        %swap3A_273 = vector.shape_cast %swap3A_272 : vector<1x16xf32> to vector<16xf32>
        %swap3A_274 = vector.shape_cast %get3A_269 : vector<16xf32> to vector<1x16xf32>
        tpu.vector_store %arg9[%swap3A_270, %swap3A_271], %swap3A_274 {add = true, strides = array<i32>} : memref<40x768xf32, #tpu.memory_space<vmem>>, vector<1x16xf32>,
        %get3A_275 = arith.index_cast %scan3A_78 : i32 to index
        %get3A_276 = arith.constant 352 : index
        %get3A_277 = tpu.vector_load %arg11[%get3A_275, %get3A_276] {strides = array<i32>} : memref<40x768xf32, #tpu.memory_space<vmem>>, vector<1x16xf32>,
        %get3A_278 = vector.shape_cast %get3A_277 : vector<1x16xf32> to vector<16xf32>
        %swap3A_279 = arith.index_cast %scan3A_78 : i32 to index
        %swap3A_280 = arith.constant 352 : index
        %swap3A_281 = tpu.vector_load %arg9[%swap3A_279, %swap3A_280] {strides = array<i32>} : memref<40x768xf32, #tpu.memory_space<vmem>>, vector<1x16xf32>,
        %swap3A_282 = vector.shape_cast %swap3A_281 : vector<1x16xf32> to vector<16xf32>
        %swap3A_283 = vector.shape_cast %get3A_278 : vector<16xf32> to vector<1x16xf32>
        tpu.vector_store %arg9[%swap3A_279, %swap3A_280], %swap3A_283 {add = true, strides = array<i32>} : memref<40x768xf32, #tpu.memory_space<vmem>>, vector<1x16xf32>,
        %get3A_284 = arith.index_cast %scan3A_78 : i32 to index
        %get3A_285 = arith.constant 368 : index
        %get3A_286 = tpu.vector_load %arg11[%get3A_284, %get3A_285] {strides = array<i32>} : memref<40x768xf32, #tpu.memory_space<vmem>>, vector<1x16xf32>,
        %get3A_287 = vector.shape_cast %get3A_286 : vector<1x16xf32> to vector<16xf32>
        %swap3A_288 = arith.index_cast %scan3A_78 : i32 to index
        %swap3A_289 = arith.constant 368 : index
        %swap3A_290 = tpu.vector_load %arg9[%swap3A_288, %swap3A_289] {strides = array<i32>} : memref<40x768xf32, #tpu.memory_space<vmem>>, vector<1x16xf32>,
        %swap3A_291 = vector.shape_cast %swap3A_290 : vector<1x16xf32> to vector<16xf32>
        %swap3A_292 = vector.shape_cast %get3A_287 : vector<16xf32> to vector<1x16xf32>
        tpu.vector_store %arg9[%swap3A_288, %swap3A_289], %swap3A_292 {add = true, strides = array<i32>} : memref<40x768xf32, #tpu.memory_space<vmem>>, vector<1x16xf32>,
        %get3A_293 = arith.index_cast %scan3A_78 : i32 to index
        %get3A_294 = arith.constant 384 : index
        %get3A_295 = tpu.vector_load %arg11[%get3A_293, %get3A_294] {strides = array<i32>} : memref<40x768xf32, #tpu.memory_space<vmem>>, vector<1x16xf32>,
        %get3A_296 = vector.shape_cast %get3A_295 : vector<1x16xf32> to vector<16xf32>
        %swap3A_297 = arith.index_cast %scan3A_78 : i32 to index
        %swap3A_298 = arith.constant 384 : index
        %swap3A_299 = tpu.vector_load %arg9[%swap3A_297, %swap3A_298] {strides = array<i32>} : memref<40x768xf32, #tpu.memory_space<vmem>>, vector<1x16xf32>,
        %swap3A_300 = vector.shape_cast %swap3A_299 : vector<1x16xf32> to vector<16xf32>
        %swap3A_301 = vector.shape_cast %get3A_296 : vector<16xf32> to vector<1x16xf32>
        tpu.vector_store %arg9[%swap3A_297, %swap3A_298], %swap3A_301 {add = true, strides = array<i32>} : memref<40x768xf32, #tpu.memory_space<vmem>>, vector<1x16xf32>,
        %get3A_302 = arith.index_cast %scan3A_78 : i32 to index
        %get3A_303 = arith.constant 400 : index
        %get3A_304 = tpu.vector_load %arg11[%get3A_302, %get3A_303] {strides = array<i32>} : memref<40x768xf32, #tpu.memory_space<vmem>>, vector<1x16xf32>,
        %get3A_305 = vector.shape_cast %get3A_304 : vector<1x16xf32> to vector<16xf32>
        %swap3A_306 = arith.index_cast %scan3A_78 : i32 to index
        %swap3A_307 = arith.constant 400 : index
        %swap3A_308 = tpu.vector_load %arg9[%swap3A_306, %swap3A_307] {strides = array<i32>} : memref<40x768xf32, #tpu.memory_space<vmem>>, vector<1x16xf32>,
        %swap3A_309 = vector.shape_cast %swap3A_308 : vector<1x16xf32> to vector<16xf32>
        %swap3A_310 = vector.shape_cast %get3A_305 : vector<16xf32> to vector<1x16xf32>
        tpu.vector_store %arg9[%swap3A_306, %swap3A_307], %swap3A_310 {add = true, strides = array<i32>} : memref<40x768xf32, #tpu.memory_space<vmem>>, vector<1x16xf32>,
        %get3A_311 = arith.index_cast %scan3A_78 : i32 to index
        %get3A_312 = arith.constant 416 : index
        %get3A_313 = tpu.vector_load %arg11[%get3A_311, %get3A_312] {strides = array<i32>} : memref<40x768xf32, #tpu.memory_space<vmem>>, vector<1x16xf32>,
        %get3A_314 = vector.shape_cast %get3A_313 : vector<1x16xf32> to vector<16xf32>
        %swap3A_315 = arith.index_cast %scan3A_78 : i32 to index
        %swap3A_316 = arith.constant 416 : index
        %swap3A_317 = tpu.vector_load %arg9[%swap3A_315, %swap3A_316] {strides = array<i32>} : memref<40x768xf32, #tpu.memory_space<vmem>>, vector<1x16xf32>,
        %swap3A_318 = vector.shape_cast %swap3A_317 : vector<1x16xf32> to vector<16xf32>
        %swap3A_319 = vector.shape_cast %get3A_314 : vector<16xf32> to vector<1x16xf32>
        tpu.vector_store %arg9[%swap3A_315, %swap3A_316], %swap3A_319 {add = true, strides = array<i32>} : memref<40x768xf32, #tpu.memory_space<vmem>>, vector<1x16xf32>,
        %get3A_320 = arith.index_cast %scan3A_78 : i32 to index
        %get3A_321 = arith.constant 432 : index
        %get3A_322 = tpu.vector_load %arg11[%get3A_320, %get3A_321] {strides = array<i32>} : memref<40x768xf32, #tpu.memory_space<vmem>>, vector<1x16xf32>,
        %get3A_323 = vector.shape_cast %get3A_322 : vector<1x16xf32> to vector<16xf32>
        %swap3A_324 = arith.index_cast %scan3A_78 : i32 to index
        %swap3A_325 = arith.constant 432 : index
        %swap3A_326 = tpu.vector_load %arg9[%swap3A_324, %swap3A_325] {strides = array<i32>} : memref<40x768xf32, #tpu.memory_space<vmem>>, vector<1x16xf32>,
        %swap3A_327 = vector.shape_cast %swap3A_326 : vector<1x16xf32> to vector<16xf32>
        %swap3A_328 = vector.shape_cast %get3A_323 : vector<16xf32> to vector<1x16xf32>
        tpu.vector_store %arg9[%swap3A_324, %swap3A_325], %swap3A_328 {add = true, strides = array<i32>} : memref<40x768xf32, #tpu.memory_space<vmem>>, vector<1x16xf32>,
        %get3A_329 = arith.index_cast %scan3A_78 : i32 to index
        %get3A_330 = arith.constant 448 : index
        %get3A_331 = tpu.vector_load %arg11[%get3A_329, %get3A_330] {strides = array<i32>} : memref<40x768xf32, #tpu.memory_space<vmem>>, vector<1x16xf32>,
        %get3A_332 = vector.shape_cast %get3A_331 : vector<1x16xf32> to vector<16xf32>
        %swap3A_333 = arith.index_cast %scan3A_78 : i32 to index
        %swap3A_334 = arith.constant 448 : index
        %swap3A_335 = tpu.vector_load %arg9[%swap3A_333, %swap3A_334] {strides = array<i32>} : memref<40x768xf32, #tpu.memory_space<vmem>>, vector<1x16xf32>,
        %swap3A_336 = vector.shape_cast %swap3A_335 : vector<1x16xf32> to vector<16xf32>
        %swap3A_337 = vector.shape_cast %get3A_332 : vector<16xf32> to vector<1x16xf32>
        tpu.vector_store %arg9[%swap3A_333, %swap3A_334], %swap3A_337 {add = true, strides = array<i32>} : memref<40x768xf32, #tpu.memory_space<vmem>>, vector<1x16xf32>,
        %get3A_338 = arith.index_cast %scan3A_78 : i32 to index
        %get3A_339 = arith.constant 464 : index
        %get3A_340 = tpu.vector_load %arg11[%get3A_338, %get3A_339] {strides = array<i32>} : memref<40x768xf32, #tpu.memory_space<vmem>>, vector<1x16xf32>,
        %get3A_341 = vector.shape_cast %get3A_340 : vector<1x16xf32> to vector<16xf32>
        %swap3A_342 = arith.index_cast %scan3A_78 : i32 to index
        %swap3A_343 = arith.constant 464 : index
        %swap3A_344 = tpu.vector_load %arg9[%swap3A_342, %swap3A_343] {strides = array<i32>} : memref<40x768xf32, #tpu.memory_space<vmem>>, vector<1x16xf32>,
        %swap3A_345 = vector.shape_cast %swap3A_344 : vector<1x16xf32> to vector<16xf32>
        %swap3A_346 = vector.shape_cast %get3A_341 : vector<16xf32> to vector<1x16xf32>
        tpu.vector_store %arg9[%swap3A_342, %swap3A_343], %swap3A_346 {add = true, strides = array<i32>} : memref<40x768xf32, #tpu.memory_space<vmem>>, vector<1x16xf32>,
        %get3A_347 = arith.index_cast %scan3A_78 : i32 to index
        %get3A_348 = arith.constant 480 : index
        %get3A_349 = tpu.vector_load %arg11[%get3A_347, %get3A_348] {strides = array<i32>} : memref<40x768xf32, #tpu.memory_space<vmem>>, vector<1x16xf32>,
        %get3A_350 = vector.shape_cast %get3A_349 : vector<1x16xf32> to vector<16xf32>
        %swap3A_351 = arith.index_cast %scan3A_78 : i32 to index
        %swap3A_352 = arith.constant 480 : index
        %swap3A_353 = tpu.vector_load %arg9[%swap3A_351, %swap3A_352] {strides = array<i32>} : memref<40x768xf32, #tpu.memory_space<vmem>>, vector<1x16xf32>,
        %swap3A_354 = vector.shape_cast %swap3A_353 : vector<1x16xf32> to vector<16xf32>
        %swap3A_355 = vector.shape_cast %get3A_350 : vector<16xf32> to vector<1x16xf32>
        tpu.vector_store %arg9[%swap3A_351, %swap3A_352], %swap3A_355 {add = true, strides = array<i32>} : memref<40x768xf32, #tpu.memory_space<vmem>>, vector<1x16xf32>,
        %get3A_356 = arith.index_cast %scan3A_78 : i32 to index
        %get3A_357 = arith.constant 496 : index
        %get3A_358 = tpu.vector_load %arg11[%get3A_356, %get3A_357] {strides = array<i32>} : memref<40x768xf32, #tpu.memory_space<vmem>>, vector<1x16xf32>,
        %get3A_359 = vector.shape_cast %get3A_358 : vector<1x16xf32> to vector<16xf32>
        %swap3A_360 = arith.index_cast %scan3A_78 : i32 to index
        %swap3A_361 = arith.constant 496 : index
        %swap3A_362 = tpu.vector_load %arg9[%swap3A_360, %swap3A_361] {strides = array<i32>} : memref<40x768xf32, #tpu.memory_space<vmem>>, vector<1x16xf32>,
        %swap3A_363 = vector.shape_cast %swap3A_362 : vector<1x16xf32> to vector<16xf32>
        %swap3A_364 = vector.shape_cast %get3A_359 : vector<16xf32> to vector<1x16xf32>
        tpu.vector_store %arg9[%swap3A_360, %swap3A_361], %swap3A_364 {add = true, strides = array<i32>} : memref<40x768xf32, #tpu.memory_space<vmem>>, vector<1x16xf32>,
        %get3A_365 = arith.index_cast %scan3A_78 : i32 to index
        %get3A_366 = arith.constant 512 : index
        %get3A_367 = tpu.vector_load %arg11[%get3A_365, %get3A_366] {strides = array<i32>} : memref<40x768xf32, #tpu.memory_space<vmem>>, vector<1x16xf32>,
        %get3A_368 = vector.shape_cast %get3A_367 : vector<1x16xf32> to vector<16xf32>
        %swap3A_369 = arith.index_cast %scan3A_78 : i32 to index
        %swap3A_370 = arith.constant 512 : index
        %swap3A_371 = tpu.vector_load %arg9[%swap3A_369, %swap3A_370] {strides = array<i32>} : memref<40x768xf32, #tpu.memory_space<vmem>>, vector<1x16xf32>,
        %swap3A_372 = vector.shape_cast %swap3A_371 : vector<1x16xf32> to vector<16xf32>
        %swap3A_373 = vector.shape_cast %get3A_368 : vector<16xf32> to vector<1x16xf32>
        tpu.vector_store %arg9[%swap3A_369, %swap3A_370], %swap3A_373 {add = true, strides = array<i32>} : memref<40x768xf32, #tpu.memory_space<vmem>>, vector<1x16xf32>,
        %get3A_374 = arith.index_cast %scan3A_78 : i32 to index
        %get3A_375 = arith.constant 528 : index
        %get3A_376 = tpu.vector_load %arg11[%get3A_374, %get3A_375] {strides = array<i32>} : memref<40x768xf32, #tpu.memory_space<vmem>>, vector<1x16xf32>,
        %get3A_377 = vector.shape_cast %get3A_376 : vector<1x16xf32> to vector<16xf32>
        %swap3A_378 = arith.index_cast %scan3A_78 : i32 to index
        %swap3A_379 = arith.constant 528 : index
        %swap3A_380 = tpu.vector_load %arg9[%swap3A_378, %swap3A_379] {strides = array<i32>} : memref<40x768xf32, #tpu.memory_space<vmem>>, vector<1x16xf32>,
        %swap3A_381 = vector.shape_cast %swap3A_380 : vector<1x16xf32> to vector<16xf32>
        %swap3A_382 = vector.shape_cast %get3A_377 : vector<16xf32> to vector<1x16xf32>
        tpu.vector_store %arg9[%swap3A_378, %swap3A_379], %swap3A_382 {add = true, strides = array<i32>} : memref<40x768xf32, #tpu.memory_space<vmem>>, vector<1x16xf32>,
        %get3A_383 = arith.index_cast %scan3A_78 : i32 to index
        %get3A_384 = arith.constant 544 : index
        %get3A_385 = tpu.vector_load %arg11[%get3A_383, %get3A_384] {strides = array<i32>} : memref<40x768xf32, #tpu.memory_space<vmem>>, vector<1x16xf32>,
        %get3A_386 = vector.shape_cast %get3A_385 : vector<1x16xf32> to vector<16xf32>
        %swap3A_387 = arith.index_cast %scan3A_78 : i32 to index
        %swap3A_388 = arith.constant 544 : index
        %swap3A_389 = tpu.vector_load %arg9[%swap3A_387, %swap3A_388] {strides = array<i32>} : memref<40x768xf32, #tpu.memory_space<vmem>>, vector<1x16xf32>,
        %swap3A_390 = vector.shape_cast %swap3A_389 : vector<1x16xf32> to vector<16xf32>
        %swap3A_391 = vector.shape_cast %get3A_386 : vector<16xf32> to vector<1x16xf32>
        tpu.vector_store %arg9[%swap3A_387, %swap3A_388], %swap3A_391 {add = true, strides = array<i32>} : memref<40x768xf32, #tpu.memory_space<vmem>>, vector<1x16xf32>,
        %get3A_392 = arith.index_cast %scan3A_78 : i32 to index
        %get3A_393 = arith.constant 560 : index
        %get3A_394 = tpu.vector_load %arg11[%get3A_392, %get3A_393] {strides = array<i32>} : memref<40x768xf32, #tpu.memory_space<vmem>>, vector<1x16xf32>,
        %get3A_395 = vector.shape_cast %get3A_394 : vector<1x16xf32> to vector<16xf32>
        %swap3A_396 = arith.index_cast %scan3A_78 : i32 to index
        %swap3A_397 = arith.constant 560 : index
        %swap3A_398 = tpu.vector_load %arg9[%swap3A_396, %swap3A_397] {strides = array<i32>} : memref<40x768xf32, #tpu.memory_space<vmem>>, vector<1x16xf32>,
        %swap3A_399 = vector.shape_cast %swap3A_398 : vector<1x16xf32> to vector<16xf32>
        %swap3A_400 = vector.shape_cast %get3A_395 : vector<16xf32> to vector<1x16xf32>
        tpu.vector_store %arg9[%swap3A_396, %swap3A_397], %swap3A_400 {add = true, strides = array<i32>} : memref<40x768xf32, #tpu.memory_space<vmem>>, vector<1x16xf32>,
        %get3A_401 = arith.index_cast %scan3A_78 : i32 to index
        %get3A_402 = arith.constant 576 : index
        %get3A_403 = tpu.vector_load %arg11[%get3A_401, %get3A_402] {strides = array<i32>} : memref<40x768xf32, #tpu.memory_space<vmem>>, vector<1x16xf32>,
        %get3A_404 = vector.shape_cast %get3A_403 : vector<1x16xf32> to vector<16xf32>
        %swap3A_405 = arith.index_cast %scan3A_78 : i32 to index
        %swap3A_406 = arith.constant 576 : index
        %swap3A_407 = tpu.vector_load %arg9[%swap3A_405, %swap3A_406] {strides = array<i32>} : memref<40x768xf32, #tpu.memory_space<vmem>>, vector<1x16xf32>,
        %swap3A_408 = vector.shape_cast %swap3A_407 : vector<1x16xf32> to vector<16xf32>
        %swap3A_409 = vector.shape_cast %get3A_404 : vector<16xf32> to vector<1x16xf32>
        tpu.vector_store %arg9[%swap3A_405, %swap3A_406], %swap3A_409 {add = true, strides = array<i32>} : memref<40x768xf32, #tpu.memory_space<vmem>>, vector<1x16xf32>,
        %get3A_410 = arith.index_cast %scan3A_78 : i32 to index
        %get3A_411 = arith.constant 592 : index
        %get3A_412 = tpu.vector_load %arg11[%get3A_410, %get3A_411] {strides = array<i32>} : memref<40x768xf32, #tpu.memory_space<vmem>>, vector<1x16xf32>,
        %get3A_413 = vector.shape_cast %get3A_412 : vector<1x16xf32> to vector<16xf32>
        %swap3A_414 = arith.index_cast %scan3A_78 : i32 to index
        %swap3A_415 = arith.constant 592 : index
        %swap3A_416 = tpu.vector_load %arg9[%swap3A_414, %swap3A_415] {strides = array<i32>} : memref<40x768xf32, #tpu.memory_space<vmem>>, vector<1x16xf32>,
        %swap3A_417 = vector.shape_cast %swap3A_416 : vector<1x16xf32> to vector<16xf32>
        %swap3A_418 = vector.shape_cast %get3A_413 : vector<16xf32> to vector<1x16xf32>
        tpu.vector_store %arg9[%swap3A_414, %swap3A_415], %swap3A_418 {add = true, strides = array<i32>} : memref<40x768xf32, #tpu.memory_space<vmem>>, vector<1x16xf32>,
        %get3A_419 = arith.index_cast %scan3A_78 : i32 to index
        %get3A_420 = arith.constant 608 : index
        %get3A_421 = tpu.vector_load %arg11[%get3A_419, %get3A_420] {strides = array<i32>} : memref<40x768xf32, #tpu.memory_space<vmem>>, vector<1x16xf32>,
        %get3A_422 = vector.shape_cast %get3A_421 : vector<1x16xf32> to vector<16xf32>
        %swap3A_423 = arith.index_cast %scan3A_78 : i32 to index
        %swap3A_424 = arith.constant 608 : index
        %swap3A_425 = tpu.vector_load %arg9[%swap3A_423, %swap3A_424] {strides = array<i32>} : memref<40x768xf32, #tpu.memory_space<vmem>>, vector<1x16xf32>,
        %swap3A_426 = vector.shape_cast %swap3A_425 : vector<1x16xf32> to vector<16xf32>
        %swap3A_427 = vector.shape_cast %get3A_422 : vector<16xf32> to vector<1x16xf32>
        tpu.vector_store %arg9[%swap3A_423, %swap3A_424], %swap3A_427 {add = true, strides = array<i32>} : memref<40x768xf32, #tpu.memory_space<vmem>>, vector<1x16xf32>,
        %get3A_428 = arith.index_cast %scan3A_78 : i32 to index
        %get3A_429 = arith.constant 624 : index
        %get3A_430 = tpu.vector_load %arg11[%get3A_428, %get3A_429] {strides = array<i32>} : memref<40x768xf32, #tpu.memory_space<vmem>>, vector<1x16xf32>,
        %get3A_431 = vector.shape_cast %get3A_430 : vector<1x16xf32> to vector<16xf32>
        %swap3A_432 = arith.index_cast %scan3A_78 : i32 to index
        %swap3A_433 = arith.constant 624 : index
        %swap3A_434 = tpu.vector_load %arg9[%swap3A_432, %swap3A_433] {strides = array<i32>} : memref<40x768xf32, #tpu.memory_space<vmem>>, vector<1x16xf32>,
        %swap3A_435 = vector.shape_cast %swap3A_434 : vector<1x16xf32> to vector<16xf32>
        %swap3A_436 = vector.shape_cast %get3A_431 : vector<16xf32> to vector<1x16xf32>
        tpu.vector_store %arg9[%swap3A_432, %swap3A_433], %swap3A_436 {add = true, strides = array<i32>} : memref<40x768xf32, #tpu.memory_space<vmem>>, vector<1x16xf32>,
        %get3A_437 = arith.index_cast %scan3A_78 : i32 to index
        %get3A_438 = arith.constant 640 : index
        %get3A_439 = tpu.vector_load %arg11[%get3A_437, %get3A_438] {strides = array<i32>} : memref<40x768xf32, #tpu.memory_space<vmem>>, vector<1x16xf32>,
        %get3A_440 = vector.shape_cast %get3A_439 : vector<1x16xf32> to vector<16xf32>
        %swap3A_441 = arith.index_cast %scan3A_78 : i32 to index
        %swap3A_442 = arith.constant 640 : index
        %swap3A_443 = tpu.vector_load %arg9[%swap3A_441, %swap3A_442] {strides = array<i32>} : memref<40x768xf32, #tpu.memory_space<vmem>>, vector<1x16xf32>,
        %swap3A_444 = vector.shape_cast %swap3A_443 : vector<1x16xf32> to vector<16xf32>
        %swap3A_445 = vector.shape_cast %get3A_440 : vector<16xf32> to vector<1x16xf32>
        tpu.vector_store %arg9[%swap3A_441, %swap3A_442], %swap3A_445 {add = true, strides = array<i32>} : memref<40x768xf32, #tpu.memory_space<vmem>>, vector<1x16xf32>,
        %get3A_446 = arith.index_cast %scan3A_78 : i32 to index
        %get3A_447 = arith.constant 656 : index
        %get3A_448 = tpu.vector_load %arg11[%get3A_446, %get3A_447] {strides = array<i32>} : memref<40x768xf32, #tpu.memory_space<vmem>>, vector<1x16xf32>,
        %get3A_449 = vector.shape_cast %get3A_448 : vector<1x16xf32> to vector<16xf32>
        %swap3A_450 = arith.index_cast %scan3A_78 : i32 to index
        %swap3A_451 = arith.constant 656 : index
        %swap3A_452 = tpu.vector_load %arg9[%swap3A_450, %swap3A_451] {strides = array<i32>} : memref<40x768xf32, #tpu.memory_space<vmem>>, vector<1x16xf32>,
        %swap3A_453 = vector.shape_cast %swap3A_452 : vector<1x16xf32> to vector<16xf32>
        %swap3A_454 = vector.shape_cast %get3A_449 : vector<16xf32> to vector<1x16xf32>
        tpu.vector_store %arg9[%swap3A_450, %swap3A_451], %swap3A_454 {add = true, strides = array<i32>} : memref<40x768xf32, #tpu.memory_space<vmem>>, vector<1x16xf32>,
        %get3A_455 = arith.index_cast %scan3A_78 : i32 to index
        %get3A_456 = arith.constant 672 : index
        %get3A_457 = tpu.vector_load %arg11[%get3A_455, %get3A_456] {strides = array<i32>} : memref<40x768xf32, #tpu.memory_space<vmem>>, vector<1x16xf32>,
        %get3A_458 = vector.shape_cast %get3A_457 : vector<1x16xf32> to vector<16xf32>
        %swap3A_459 = arith.index_cast %scan3A_78 : i32 to index
        %swap3A_460 = arith.constant 672 : index
        %swap3A_461 = tpu.vector_load %arg9[%swap3A_459, %swap3A_460] {strides = array<i32>} : memref<40x768xf32, #tpu.memory_space<vmem>>, vector<1x16xf32>,
        %swap3A_462 = vector.shape_cast %swap3A_461 : vector<1x16xf32> to vector<16xf32>
        %swap3A_463 = vector.shape_cast %get3A_458 : vector<16xf32> to vector<1x16xf32>
        tpu.vector_store %arg9[%swap3A_459, %swap3A_460], %swap3A_463 {add = true, strides = array<i32>} : memref<40x768xf32, #tpu.memory_space<vmem>>, vector<1x16xf32>,
        %get3A_464 = arith.index_cast %scan3A_78 : i32 to index
        %get3A_465 = arith.constant 688 : index
        %get3A_466 = tpu.vector_load %arg11[%get3A_464, %get3A_465] {strides = array<i32>} : memref<40x768xf32, #tpu.memory_space<vmem>>, vector<1x16xf32>,
        %get3A_467 = vector.shape_cast %get3A_466 : vector<1x16xf32> to vector<16xf32>
        %swap3A_468 = arith.index_cast %scan3A_78 : i32 to index
        %swap3A_469 = arith.constant 688 : index
        %swap3A_470 = tpu.vector_load %arg9[%swap3A_468, %swap3A_469] {strides = array<i32>} : memref<40x768xf32, #tpu.memory_space<vmem>>, vector<1x16xf32>,
        %swap3A_471 = vector.shape_cast %swap3A_470 : vector<1x16xf32> to vector<16xf32>
        %swap3A_472 = vector.shape_cast %get3A_467 : vector<16xf32> to vector<1x16xf32>
        tpu.vector_store %arg9[%swap3A_468, %swap3A_469], %swap3A_472 {add = true, strides = array<i32>} : memref<40x768xf32, #tpu.memory_space<vmem>>, vector<1x16xf32>,
        %get3A_473 = arith.index_cast %scan3A_78 : i32 to index
        %get3A_474 = arith.constant 704 : index
        %get3A_475 = tpu.vector_load %arg11[%get3A_473, %get3A_474] {strides = array<i32>} : memref<40x768xf32, #tpu.memory_space<vmem>>, vector<1x16xf32>,
        %get3A_476 = vector.shape_cast %get3A_475 : vector<1x16xf32> to vector<16xf32>
        %swap3A_477 = arith.index_cast %scan3A_78 : i32 to index
        %swap3A_478 = arith.constant 704 : index
        %swap3A_479 = tpu.vector_load %arg9[%swap3A_477, %swap3A_478] {strides = array<i32>} : memref<40x768xf32, #tpu.memory_space<vmem>>, vector<1x16xf32>,
        %swap3A_480 = vector.shape_cast %swap3A_479 : vector<1x16xf32> to vector<16xf32>
        %swap3A_481 = vector.shape_cast %get3A_476 : vector<16xf32> to vector<1x16xf32>
        tpu.vector_store %arg9[%swap3A_477, %swap3A_478], %swap3A_481 {add = true, strides = array<i32>} : memref<40x768xf32, #tpu.memory_space<vmem>>, vector<1x16xf32>,
        %get3A_482 = arith.index_cast %scan3A_78 : i32 to index
        %get3A_483 = arith.constant 720 : index
        %get3A_484 = tpu.vector_load %arg11[%get3A_482, %get3A_483] {strides = array<i32>} : memref<40x768xf32, #tpu.memory_space<vmem>>, vector<1x16xf32>,
        %get3A_485 = vector.shape_cast %get3A_484 : vector<1x16xf32> to vector<16xf32>
        %swap3A_486 = arith.index_cast %scan3A_78 : i32 to index
        %swap3A_487 = arith.constant 720 : index
        %swap3A_488 = tpu.vector_load %arg9[%swap3A_486, %swap3A_487] {strides = array<i32>} : memref<40x768xf32, #tpu.memory_space<vmem>>, vector<1x16xf32>,
        %swap3A_489 = vector.shape_cast %swap3A_488 : vector<1x16xf32> to vector<16xf32>
        %swap3A_490 = vector.shape_cast %get3A_485 : vector<16xf32> to vector<1x16xf32>
        tpu.vector_store %arg9[%swap3A_486, %swap3A_487], %swap3A_490 {add = true, strides = array<i32>} : memref<40x768xf32, #tpu.memory_space<vmem>>, vector<1x16xf32>,
        %get3A_491 = arith.index_cast %scan3A_78 : i32 to index
        %get3A_492 = arith.constant 736 : index
        %get3A_493 = tpu.vector_load %arg11[%get3A_491, %get3A_492] {strides = array<i32>} : memref<40x768xf32, #tpu.memory_space<vmem>>, vector<1x16xf32>,
        %get3A_494 = vector.shape_cast %get3A_493 : vector<1x16xf32> to vector<16xf32>
        %swap3A_495 = arith.index_cast %scan3A_78 : i32 to index
        %swap3A_496 = arith.constant 736 : index
        %swap3A_497 = tpu.vector_load %arg9[%swap3A_495, %swap3A_496] {strides = array<i32>} : memref<40x768xf32, #tpu.memory_space<vmem>>, vector<1x16xf32>,
        %swap3A_498 = vector.shape_cast %swap3A_497 : vector<1x16xf32> to vector<16xf32>
        %swap3A_499 = vector.shape_cast %get3A_494 : vector<16xf32> to vector<1x16xf32>
        tpu.vector_store %arg9[%swap3A_495, %swap3A_496], %swap3A_499 {add = true, strides = array<i32>} : memref<40x768xf32, #tpu.memory_space<vmem>>, vector<1x16xf32>,
        %get3A_500 = arith.index_cast %scan3A_78 : i32 to index
        %get3A_501 = arith.constant 752 : index
        %get3A_502 = tpu.vector_load %arg11[%get3A_500, %get3A_501] {strides = array<i32>} : memref<40x768xf32, #tpu.memory_space<vmem>>, vector<1x16xf32>,
        %get3A_503 = vector.shape_cast %get3A_502 : vector<1x16xf32> to vector<16xf32>
        %swap3A_504 = arith.index_cast %scan3A_78 : i32 to index
        %swap3A_505 = arith.constant 752 : index
        %swap3A_506 = tpu.vector_load %arg9[%swap3A_504, %swap3A_505] {strides = array<i32>} : memref<40x768xf32, #tpu.memory_space<vmem>>, vector<1x16xf32>,
        %swap3A_507 = vector.shape_cast %swap3A_506 : vector<1x16xf32> to vector<16xf32>
        %swap3A_508 = vector.shape_cast %get3A_503 : vector<16xf32> to vector<1x16xf32>
        tpu.vector_store %arg9[%swap3A_504, %swap3A_505], %swap3A_508 {add = true, strides = array<i32>} : memref<40x768xf32, #tpu.memory_space<vmem>>, vector<1x16xf32>,
      }
      %scan3A_42 = arith.constant 40 : i32
      %mul3A_43 = arith.constant 40 : i32
      %mul3A_44 = arith.muli %add3A_21, %mul3A_43 : i32
      %add3A_45 = arith.addi %mul3A_2, %mul3A_44 : i32
      "tpu.region"() ({
        %run_scoped3A = tpu.sem_alloc : memref<!tpu.dma_semaphore, #tpu.memory_space<semaphore_mem>>
        %dma_start3A_78 = arith.constant 0 : i32
        %dma_start3A_79 = tpu.memref_slice %arg6[%add3A_45, %dma_start3A_78] : memref<51200x768xf32, #tpu.memory_space<hbm>> -> memref<40x768xf32, #tpu.memory_space<hbm>>
        %dma_start3A_80 = arith.constant 0 : i32
        %dma_start3A_81 = tpu.memref_slice %arg6[%add3A_45, %dma_start3A_80] : memref<51200x768xf32, #tpu.memory_space<hbm>> -> memref<40x768xf32, #tpu.memory_space<hbm>>
        tpu.enqueue_dma source(%arg9 : memref<40x768xf32, #tpu.memory_space<vmem>>) target(%dma_start3A_81 : memref<40x768xf32, #tpu.memory_space<hbm>>) target_semaphore(%run_scoped3A : memref<!tpu.dma_semaphore, #tpu.memory_space<semaphore_mem>>)
        %dma_wait3A_82 = arith.constant 0 : i32
        %dma_wait3A_83 = tpu.memref_slice %arg6[%add3A_45, %dma_wait3A_82] : memref<51200x768xf32, #tpu.memory_space<hbm>> -> memref<40x768xf32, #tpu.memory_space<hbm>>
        %dma_wait3A_84 = arith.constant 0 : i32
        %dma_wait3A_85 = tpu.memref_slice %arg6[%add3A_45, %dma_wait3A_84] : memref<51200x768xf32, #tpu.memory_space<hbm>> -> memref<40x768xf32, #tpu.memory_space<hbm>>
        tpu.wait_dma2 semaphore(%run_scoped3A : memref<!tpu.dma_semaphore, #tpu.memory_space<semaphore_mem>>) src(%arg9 : memref<40x768xf32, #tpu.memory_space<vmem>>) dst(%dma_wait3A_85 : memref<40x768xf32, #tpu.memory_space<hbm>>)
        tpu.yield
      }) : () -> ()
      %mul3A_46 = arith.constant 2 : i32
      %mul3A_47 = arith.muli %scan3A_17, %mul3A_46 : i32
      %add3A_48 = arith.constant 1 : i32
      %add3A_49 = arith.addi %mul3A_47, %add3A_48 : i32
      %add3A_50 = arith.constant 1 : i32
      %add3A_51 = arith.addi %add3A_49, %add3A_50 : i32
      %lt3A_52 = arith.constant 40 : i32
      %lt3A_53 = arith.cmpi slt, %add3A_51, %lt3A_52 : i32
      %convert_element_type3A_54 = arith.extui %lt3A_53 : i1 to i32
      %cond3A_55 = arith.constant 0 : i32
      %cond3A_56 = arith.cmpi ne, %convert_element_type3A_54, %cond3A_55 : i32
      scf.if %cond3A_56 {
        %add3A_78 = arith.constant 1 : i32
        %add3A_79 = arith.addi %add3A_49, %add3A_78 : i32
        %mul3A_80 = arith.constant 40 : i32
        %mul3A_81 = arith.muli %add3A_79, %mul3A_80 : i32
        %mul3A_82 = arith.constant 40 : i32
        %mul3A_83 = arith.muli %add3A_79, %mul3A_82 : i32
        %dma_start3A_84 = tpu.memref_slice %arg7[%mul3A_81] : memref<1600xi32, #tpu.memory_space<vmem>> -> memref<40xi32, #tpu.memory_space<vmem>>
        %dma_start3A_85 = arith.constant 0 : i32
        %dma_start3A_86 = arith.constant 0 : i32
        %dma_start3A_87 = tpu.memref_slice %arg4[%dma_start3A_85, %dma_start3A_86] : memref<100000x768xf32, #tpu.memory_space<hbm>> -> memref<100000x768xf32, #tpu.memory_space<hbm>>
        tpu.enqueue_indirect_dma source(%dma_start3A_87 : memref<100000x768xf32, #tpu.memory_space<hbm>>) target(%arg9 : memref<40x768xf32, #tpu.memory_space<vmem>>) offsets(%dma_start3A_84 : memref<40xi32, #tpu.memory_space<vmem>>) semaphore(%arg13 : memref<!tpu.dma_semaphore, #tpu.memory_space<semaphore_mem>>)
        %dma_start3A_88 = tpu.memref_slice %arg8[%mul3A_83] : memref<1600xi32, #tpu.memory_space<vmem>> -> memref<40xi32, #tpu.memory_space<vmem>>
        %dma_start3A_89 = arith.constant 0 : i32
        %dma_start3A_90 = arith.constant 0 : i32
        %dma_start3A_91 = tpu.memref_slice %arg5[%dma_start3A_89, %dma_start3A_90] : memref<100000x768xf32, #tpu.memory_space<hbm>> -> memref<100000x768xf32, #tpu.memory_space<hbm>>
        tpu.enqueue_indirect_dma source(%dma_start3A_91 : memref<100000x768xf32, #tpu.memory_space<hbm>>) target(%arg11 : memref<40x768xf32, #tpu.memory_space<vmem>>) offsets(%dma_start3A_88 : memref<40xi32, #tpu.memory_space<vmem>>) semaphore(%arg15 : memref<!tpu.dma_semaphore, #tpu.memory_space<semaphore_mem>>)
      } else {
      }
      %mul3A_57 = arith.constant 40 : i32
      %mul3A_58 = arith.muli %add3A_49, %mul3A_57 : i32
      %mul3A_59 = arith.constant 40 : i32
      %mul3A_60 = arith.muli %add3A_49, %mul3A_59 : i32
      %dma_wait3A_61 = tpu.memref_slice %arg7[%mul3A_58] : memref<1600xi32, #tpu.memory_space<vmem>> -> memref<40xi32, #tpu.memory_space<vmem>>
      %dma_wait3A_62 = arith.constant 0 : i32
      %dma_wait3A_63 = arith.constant 0 : i32
      %dma_wait3A_64 = tpu.memref_slice %arg4[%dma_wait3A_62, %dma_wait3A_63] : memref<100000x768xf32, #tpu.memory_space<hbm>> -> memref<100000x768xf32, #tpu.memory_space<hbm>>
      tpu.wait_indirect_dma semaphore(%arg14 : memref<!tpu.dma_semaphore, #tpu.memory_space<semaphore_mem>>) src(%dma_wait3A_64 : memref<100000x768xf32, #tpu.memory_space<hbm>>) dst(%arg10 : memref<40x768xf32, #tpu.memory_space<vmem>>)
      %dma_wait3A_65 = tpu.memref_slice %arg8[%mul3A_60] : memref<1600xi32, #tpu.memory_space<vmem>> -> memref<40xi32, #tpu.memory_space<vmem>>
      %dma_wait3A_66 = arith.constant 0 : i32
      %dma_wait3A_67 = arith.constant 0 : i32
      %dma_wait3A_68 = tpu.memref_slice %arg5[%dma_wait3A_66, %dma_wait3A_67] : memref<100000x768xf32, #tpu.memory_space<hbm>> -> memref<100000x768xf32, #tpu.memory_space<hbm>>
      tpu.wait_indirect_dma semaphore(%arg16 : memref<!tpu.dma_semaphore, #tpu.memory_space<semaphore_mem>>) src(%dma_wait3A_68 : memref<100000x768xf32, #tpu.memory_space<hbm>>) dst(%arg12 : memref<40x768xf32, #tpu.memory_space<vmem>>)
      %scan3A_69 = arith.constant 0 : i32
      %scan3A_70 = arith.constant 0 : i32
      %scan3A_71 = arith.constant 40 : i32
      %scan3A_72 = arith.addi %scan3A_70, %scan3A_71 : i32
      %scan3A_73 = arith.constant 1 : i32
      scf.for %scan3A_78 = %scan3A_70 to %scan3A_72 step %scan3A_73  : i32 {
        %get3A = arith.index_cast %scan3A_78 : i32 to index
        %get3A_79 = arith.constant 0 : index
        %get3A_80 = tpu.vector_load %arg12[%get3A, %get3A_79] {strides = array<i32>} : memref<40x768xf32, #tpu.memory_space<vmem>>, vector<1x16xf32>,
        %get3A_81 = vector.shape_cast %get3A_80 : vector<1x16xf32> to vector<16xf32>
        %swap3A = arith.index_cast %scan3A_78 : i32 to index
        %swap3A_82 = arith.constant 0 : index
        %swap3A_83 = tpu.vector_load %arg10[%swap3A, %swap3A_82] {strides = array<i32>} : memref<40x768xf32, #tpu.memory_space<vmem>>, vector<1x16xf32>,
        %swap3A_84 = vector.shape_cast %swap3A_83 : vector<1x16xf32> to vector<16xf32>
        %swap3A_85 = vector.shape_cast %get3A_81 : vector<16xf32> to vector<1x16xf32>
        tpu.vector_store %arg10[%swap3A, %swap3A_82], %swap3A_85 {add = true, strides = array<i32>} : memref<40x768xf32, #tpu.memory_space<vmem>>, vector<1x16xf32>,
        %get3A_86 = arith.index_cast %scan3A_78 : i32 to index
        %get3A_87 = arith.constant 16 : index
        %get3A_88 = tpu.vector_load %arg12[%get3A_86, %get3A_87] {strides = array<i32>} : memref<40x768xf32, #tpu.memory_space<vmem>>, vector<1x16xf32>,
        %get3A_89 = vector.shape_cast %get3A_88 : vector<1x16xf32> to vector<16xf32>
        %swap3A_90 = arith.index_cast %scan3A_78 : i32 to index
        %swap3A_91 = arith.constant 16 : index
        %swap3A_92 = tpu.vector_load %arg10[%swap3A_90, %swap3A_91] {strides = array<i32>} : memref<40x768xf32, #tpu.memory_space<vmem>>, vector<1x16xf32>,
        %swap3A_93 = vector.shape_cast %swap3A_92 : vector<1x16xf32> to vector<16xf32>
        %swap3A_94 = vector.shape_cast %get3A_89 : vector<16xf32> to vector<1x16xf32>
        tpu.vector_store %arg10[%swap3A_90, %swap3A_91], %swap3A_94 {add = true, strides = array<i32>} : memref<40x768xf32, #tpu.memory_space<vmem>>, vector<1x16xf32>,
        %get3A_95 = arith.index_cast %scan3A_78 : i32 to index
        %get3A_96 = arith.constant 32 : index
        %get3A_97 = tpu.vector_load %arg12[%get3A_95, %get3A_96] {strides = array<i32>} : memref<40x768xf32, #tpu.memory_space<vmem>>, vector<1x16xf32>,
        %get3A_98 = vector.shape_cast %get3A_97 : vector<1x16xf32> to vector<16xf32>
        %swap3A_99 = arith.index_cast %scan3A_78 : i32 to index
        %swap3A_100 = arith.constant 32 : index
        %swap3A_101 = tpu.vector_load %arg10[%swap3A_99, %swap3A_100] {strides = array<i32>} : memref<40x768xf32, #tpu.memory_space<vmem>>, vector<1x16xf32>,
        %swap3A_102 = vector.shape_cast %swap3A_101 : vector<1x16xf32> to vector<16xf32>
        %swap3A_103 = vector.shape_cast %get3A_98 : vector<16xf32> to vector<1x16xf32>
        tpu.vector_store %arg10[%swap3A_99, %swap3A_100], %swap3A_103 {add = true, strides = array<i32>} : memref<40x768xf32, #tpu.memory_space<vmem>>, vector<1x16xf32>,
        %get3A_104 = arith.index_cast %scan3A_78 : i32 to index
        %get3A_105 = arith.constant 48 : index
        %get3A_106 = tpu.vector_load %arg12[%get3A_104, %get3A_105] {strides = array<i32>} : memref<40x768xf32, #tpu.memory_space<vmem>>, vector<1x16xf32>,
        %get3A_107 = vector.shape_cast %get3A_106 : vector<1x16xf32> to vector<16xf32>
        %swap3A_108 = arith.index_cast %scan3A_78 : i32 to index
        %swap3A_109 = arith.constant 48 : index
        %swap3A_110 = tpu.vector_load %arg10[%swap3A_108, %swap3A_109] {strides = array<i32>} : memref<40x768xf32, #tpu.memory_space<vmem>>, vector<1x16xf32>,
        %swap3A_111 = vector.shape_cast %swap3A_110 : vector<1x16xf32> to vector<16xf32>
        %swap3A_112 = vector.shape_cast %get3A_107 : vector<16xf32> to vector<1x16xf32>
        tpu.vector_store %arg10[%swap3A_108, %swap3A_109], %swap3A_112 {add = true, strides = array<i32>} : memref<40x768xf32, #tpu.memory_space<vmem>>, vector<1x16xf32>,
        %get3A_113 = arith.index_cast %scan3A_78 : i32 to index
        %get3A_114 = arith.constant 64 : index
        %get3A_115 = tpu.vector_load %arg12[%get3A_113, %get3A_114] {strides = array<i32>} : memref<40x768xf32, #tpu.memory_space<vmem>>, vector<1x16xf32>,
        %get3A_116 = vector.shape_cast %get3A_115 : vector<1x16xf32> to vector<16xf32>
        %swap3A_117 = arith.index_cast %scan3A_78 : i32 to index
        %swap3A_118 = arith.constant 64 : index
        %swap3A_119 = tpu.vector_load %arg10[%swap3A_117, %swap3A_118] {strides = array<i32>} : memref<40x768xf32, #tpu.memory_space<vmem>>, vector<1x16xf32>,
        %swap3A_120 = vector.shape_cast %swap3A_119 : vector<1x16xf32> to vector<16xf32>
        %swap3A_121 = vector.shape_cast %get3A_116 : vector<16xf32> to vector<1x16xf32>
        tpu.vector_store %arg10[%swap3A_117, %swap3A_118], %swap3A_121 {add = true, strides = array<i32>} : memref<40x768xf32, #tpu.memory_space<vmem>>, vector<1x16xf32>,
        %get3A_122 = arith.index_cast %scan3A_78 : i32 to index
        %get3A_123 = arith.constant 80 : index
        %get3A_124 = tpu.vector_load %arg12[%get3A_122, %get3A_123] {strides = array<i32>} : memref<40x768xf32, #tpu.memory_space<vmem>>, vector<1x16xf32>,
        %get3A_125 = vector.shape_cast %get3A_124 : vector<1x16xf32> to vector<16xf32>
        %swap3A_126 = arith.index_cast %scan3A_78 : i32 to index
        %swap3A_127 = arith.constant 80 : index
        %swap3A_128 = tpu.vector_load %arg10[%swap3A_126, %swap3A_127] {strides = array<i32>} : memref<40x768xf32, #tpu.memory_space<vmem>>, vector<1x16xf32>,
        %swap3A_129 = vector.shape_cast %swap3A_128 : vector<1x16xf32> to vector<16xf32>
        %swap3A_130 = vector.shape_cast %get3A_125 : vector<16xf32> to vector<1x16xf32>
        tpu.vector_store %arg10[%swap3A_126, %swap3A_127], %swap3A_130 {add = true, strides = array<i32>} : memref<40x768xf32, #tpu.memory_space<vmem>>, vector<1x16xf32>,
        %get3A_131 = arith.index_cast %scan3A_78 : i32 to index
        %get3A_132 = arith.constant 96 : index
        %get3A_133 = tpu.vector_load %arg12[%get3A_131, %get3A_132] {strides = array<i32>} : memref<40x768xf32, #tpu.memory_space<vmem>>, vector<1x16xf32>,
        %get3A_134 = vector.shape_cast %get3A_133 : vector<1x16xf32> to vector<16xf32>
        %swap3A_135 = arith.index_cast %scan3A_78 : i32 to index
        %swap3A_136 = arith.constant 96 : index
        %swap3A_137 = tpu.vector_load %arg10[%swap3A_135, %swap3A_136] {strides = array<i32>} : memref<40x768xf32, #tpu.memory_space<vmem>>, vector<1x16xf32>,
        %swap3A_138 = vector.shape_cast %swap3A_137 : vector<1x16xf32> to vector<16xf32>
        %swap3A_139 = vector.shape_cast %get3A_134 : vector<16xf32> to vector<1x16xf32>
        tpu.vector_store %arg10[%swap3A_135, %swap3A_136], %swap3A_139 {add = true, strides = array<i32>} : memref<40x768xf32, #tpu.memory_space<vmem>>, vector<1x16xf32>,
        %get3A_140 = arith.index_cast %scan3A_78 : i32 to index
        %get3A_141 = arith.constant 112 : index
        %get3A_142 = tpu.vector_load %arg12[%get3A_140, %get3A_141] {strides = array<i32>} : memref<40x768xf32, #tpu.memory_space<vmem>>, vector<1x16xf32>,
        %get3A_143 = vector.shape_cast %get3A_142 : vector<1x16xf32> to vector<16xf32>
        %swap3A_144 = arith.index_cast %scan3A_78 : i32 to index
        %swap3A_145 = arith.constant 112 : index
        %swap3A_146 = tpu.vector_load %arg10[%swap3A_144, %swap3A_145] {strides = array<i32>} : memref<40x768xf32, #tpu.memory_space<vmem>>, vector<1x16xf32>,
        %swap3A_147 = vector.shape_cast %swap3A_146 : vector<1x16xf32> to vector<16xf32>
        %swap3A_148 = vector.shape_cast %get3A_143 : vector<16xf32> to vector<1x16xf32>
        tpu.vector_store %arg10[%swap3A_144, %swap3A_145], %swap3A_148 {add = true, strides = array<i32>} : memref<40x768xf32, #tpu.memory_space<vmem>>, vector<1x16xf32>,
        %get3A_149 = arith.index_cast %scan3A_78 : i32 to index
        %get3A_150 = arith.constant 128 : index
        %get3A_151 = tpu.vector_load %arg12[%get3A_149, %get3A_150] {strides = array<i32>} : memref<40x768xf32, #tpu.memory_space<vmem>>, vector<1x16xf32>,
        %get3A_152 = vector.shape_cast %get3A_151 : vector<1x16xf32> to vector<16xf32>
        %swap3A_153 = arith.index_cast %scan3A_78 : i32 to index
        %swap3A_154 = arith.constant 128 : index
        %swap3A_155 = tpu.vector_load %arg10[%swap3A_153, %swap3A_154] {strides = array<i32>} : memref<40x768xf32, #tpu.memory_space<vmem>>, vector<1x16xf32>,
        %swap3A_156 = vector.shape_cast %swap3A_155 : vector<1x16xf32> to vector<16xf32>
        %swap3A_157 = vector.shape_cast %get3A_152 : vector<16xf32> to vector<1x16xf32>
        tpu.vector_store %arg10[%swap3A_153, %swap3A_154], %swap3A_157 {add = true, strides = array<i32>} : memref<40x768xf32, #tpu.memory_space<vmem>>, vector<1x16xf32>,
        %get3A_158 = arith.index_cast %scan3A_78 : i32 to index
        %get3A_159 = arith.constant 144 : index
        %get3A_160 = tpu.vector_load %arg12[%get3A_158, %get3A_159] {strides = array<i32>} : memref<40x768xf32, #tpu.memory_space<vmem>>, vector<1x16xf32>,
        %get3A_161 = vector.shape_cast %get3A_160 : vector<1x16xf32> to vector<16xf32>
        %swap3A_162 = arith.index_cast %scan3A_78 : i32 to index
        %swap3A_163 = arith.constant 144 : index
        %swap3A_164 = tpu.vector_load %arg10[%swap3A_162, %swap3A_163] {strides = array<i32>} : memref<40x768xf32, #tpu.memory_space<vmem>>, vector<1x16xf32>,
        %swap3A_165 = vector.shape_cast %swap3A_164 : vector<1x16xf32> to vector<16xf32>
        %swap3A_166 = vector.shape_cast %get3A_161 : vector<16xf32> to vector<1x16xf32>
        tpu.vector_store %arg10[%swap3A_162, %swap3A_163], %swap3A_166 {add = true, strides = array<i32>} : memref<40x768xf32, #tpu.memory_space<vmem>>, vector<1x16xf32>,
        %get3A_167 = arith.index_cast %scan3A_78 : i32 to index
        %get3A_168 = arith.constant 160 : index
        %get3A_169 = tpu.vector_load %arg12[%get3A_167, %get3A_168] {strides = array<i32>} : memref<40x768xf32, #tpu.memory_space<vmem>>, vector<1x16xf32>,
        %get3A_170 = vector.shape_cast %get3A_169 : vector<1x16xf32> to vector<16xf32>
        %swap3A_171 = arith.index_cast %scan3A_78 : i32 to index
        %swap3A_172 = arith.constant 160 : index
        %swap3A_173 = tpu.vector_load %arg10[%swap3A_171, %swap3A_172] {strides = array<i32>} : memref<40x768xf32, #tpu.memory_space<vmem>>, vector<1x16xf32>,
        %swap3A_174 = vector.shape_cast %swap3A_173 : vector<1x16xf32> to vector<16xf32>
        %swap3A_175 = vector.shape_cast %get3A_170 : vector<16xf32> to vector<1x16xf32>
        tpu.vector_store %arg10[%swap3A_171, %swap3A_172], %swap3A_175 {add = true, strides = array<i32>} : memref<40x768xf32, #tpu.memory_space<vmem>>, vector<1x16xf32>,
        %get3A_176 = arith.index_cast %scan3A_78 : i32 to index
        %get3A_177 = arith.constant 176 : index
        %get3A_178 = tpu.vector_load %arg12[%get3A_176, %get3A_177] {strides = array<i32>} : memref<40x768xf32, #tpu.memory_space<vmem>>, vector<1x16xf32>,
        %get3A_179 = vector.shape_cast %get3A_178 : vector<1x16xf32> to vector<16xf32>
        %swap3A_180 = arith.index_cast %scan3A_78 : i32 to index
        %swap3A_181 = arith.constant 176 : index
        %swap3A_182 = tpu.vector_load %arg10[%swap3A_180, %swap3A_181] {strides = array<i32>} : memref<40x768xf32, #tpu.memory_space<vmem>>, vector<1x16xf32>,
        %swap3A_183 = vector.shape_cast %swap3A_182 : vector<1x16xf32> to vector<16xf32>
        %swap3A_184 = vector.shape_cast %get3A_179 : vector<16xf32> to vector<1x16xf32>
        tpu.vector_store %arg10[%swap3A_180, %swap3A_181], %swap3A_184 {add = true, strides = array<i32>} : memref<40x768xf32, #tpu.memory_space<vmem>>, vector<1x16xf32>,
        %get3A_185 = arith.index_cast %scan3A_78 : i32 to index
        %get3A_186 = arith.constant 192 : index
        %get3A_187 = tpu.vector_load %arg12[%get3A_185, %get3A_186] {strides = array<i32>} : memref<40x768xf32, #tpu.memory_space<vmem>>, vector<1x16xf32>,
        %get3A_188 = vector.shape_cast %get3A_187 : vector<1x16xf32> to vector<16xf32>
        %swap3A_189 = arith.index_cast %scan3A_78 : i32 to index
        %swap3A_190 = arith.constant 192 : index
        %swap3A_191 = tpu.vector_load %arg10[%swap3A_189, %swap3A_190] {strides = array<i32>} : memref<40x768xf32, #tpu.memory_space<vmem>>, vector<1x16xf32>,
        %swap3A_192 = vector.shape_cast %swap3A_191 : vector<1x16xf32> to vector<16xf32>
        %swap3A_193 = vector.shape_cast %get3A_188 : vector<16xf32> to vector<1x16xf32>
        tpu.vector_store %arg10[%swap3A_189, %swap3A_190], %swap3A_193 {add = true, strides = array<i32>} : memref<40x768xf32, #tpu.memory_space<vmem>>, vector<1x16xf32>,
        %get3A_194 = arith.index_cast %scan3A_78 : i32 to index
        %get3A_195 = arith.constant 208 : index
        %get3A_196 = tpu.vector_load %arg12[%get3A_194, %get3A_195] {strides = array<i32>} : memref<40x768xf32, #tpu.memory_space<vmem>>, vector<1x16xf32>,
        %get3A_197 = vector.shape_cast %get3A_196 : vector<1x16xf32> to vector<16xf32>
        %swap3A_198 = arith.index_cast %scan3A_78 : i32 to index
        %swap3A_199 = arith.constant 208 : index
        %swap3A_200 = tpu.vector_load %arg10[%swap3A_198, %swap3A_199] {strides = array<i32>} : memref<40x768xf32, #tpu.memory_space<vmem>>, vector<1x16xf32>,
        %swap3A_201 = vector.shape_cast %swap3A_200 : vector<1x16xf32> to vector<16xf32>
        %swap3A_202 = vector.shape_cast %get3A_197 : vector<16xf32> to vector<1x16xf32>
        tpu.vector_store %arg10[%swap3A_198, %swap3A_199], %swap3A_202 {add = true, strides = array<i32>} : memref<40x768xf32, #tpu.memory_space<vmem>>, vector<1x16xf32>,
        %get3A_203 = arith.index_cast %scan3A_78 : i32 to index
        %get3A_204 = arith.constant 224 : index
        %get3A_205 = tpu.vector_load %arg12[%get3A_203, %get3A_204] {strides = array<i32>} : memref<40x768xf32, #tpu.memory_space<vmem>>, vector<1x16xf32>,
        %get3A_206 = vector.shape_cast %get3A_205 : vector<1x16xf32> to vector<16xf32>
        %swap3A_207 = arith.index_cast %scan3A_78 : i32 to index
        %swap3A_208 = arith.constant 224 : index
        %swap3A_209 = tpu.vector_load %arg10[%swap3A_207, %swap3A_208] {strides = array<i32>} : memref<40x768xf32, #tpu.memory_space<vmem>>, vector<1x16xf32>,
        %swap3A_210 = vector.shape_cast %swap3A_209 : vector<1x16xf32> to vector<16xf32>
        %swap3A_211 = vector.shape_cast %get3A_206 : vector<16xf32> to vector<1x16xf32>
        tpu.vector_store %arg10[%swap3A_207, %swap3A_208], %swap3A_211 {add = true, strides = array<i32>} : memref<40x768xf32, #tpu.memory_space<vmem>>, vector<1x16xf32>,
        %get3A_212 = arith.index_cast %scan3A_78 : i32 to index
        %get3A_213 = arith.constant 240 : index
        %get3A_214 = tpu.vector_load %arg12[%get3A_212, %get3A_213] {strides = array<i32>} : memref<40x768xf32, #tpu.memory_space<vmem>>, vector<1x16xf32>,
        %get3A_215 = vector.shape_cast %get3A_214 : vector<1x16xf32> to vector<16xf32>
        %swap3A_216 = arith.index_cast %scan3A_78 : i32 to index
        %swap3A_217 = arith.constant 240 : index
        %swap3A_218 = tpu.vector_load %arg10[%swap3A_216, %swap3A_217] {strides = array<i32>} : memref<40x768xf32, #tpu.memory_space<vmem>>, vector<1x16xf32>,
        %swap3A_219 = vector.shape_cast %swap3A_218 : vector<1x16xf32> to vector<16xf32>
        %swap3A_220 = vector.shape_cast %get3A_215 : vector<16xf32> to vector<1x16xf32>
        tpu.vector_store %arg10[%swap3A_216, %swap3A_217], %swap3A_220 {add = true, strides = array<i32>} : memref<40x768xf32, #tpu.memory_space<vmem>>, vector<1x16xf32>,
        %get3A_221 = arith.index_cast %scan3A_78 : i32 to index
        %get3A_222 = arith.constant 256 : index
        %get3A_223 = tpu.vector_load %arg12[%get3A_221, %get3A_222] {strides = array<i32>} : memref<40x768xf32, #tpu.memory_space<vmem>>, vector<1x16xf32>,
        %get3A_224 = vector.shape_cast %get3A_223 : vector<1x16xf32> to vector<16xf32>
        %swap3A_225 = arith.index_cast %scan3A_78 : i32 to index
        %swap3A_226 = arith.constant 256 : index
        %swap3A_227 = tpu.vector_load %arg10[%swap3A_225, %swap3A_226] {strides = array<i32>} : memref<40x768xf32, #tpu.memory_space<vmem>>, vector<1x16xf32>,
        %swap3A_228 = vector.shape_cast %swap3A_227 : vector<1x16xf32> to vector<16xf32>
        %swap3A_229 = vector.shape_cast %get3A_224 : vector<16xf32> to vector<1x16xf32>
        tpu.vector_store %arg10[%swap3A_225, %swap3A_226], %swap3A_229 {add = true, strides = array<i32>} : memref<40x768xf32, #tpu.memory_space<vmem>>, vector<1x16xf32>,
        %get3A_230 = arith.index_cast %scan3A_78 : i32 to index
        %get3A_231 = arith.constant 272 : index
        %get3A_232 = tpu.vector_load %arg12[%get3A_230, %get3A_231] {strides = array<i32>} : memref<40x768xf32, #tpu.memory_space<vmem>>, vector<1x16xf32>,
        %get3A_233 = vector.shape_cast %get3A_232 : vector<1x16xf32> to vector<16xf32>
        %swap3A_234 = arith.index_cast %scan3A_78 : i32 to index
        %swap3A_235 = arith.constant 272 : index
        %swap3A_236 = tpu.vector_load %arg10[%swap3A_234, %swap3A_235] {strides = array<i32>} : memref<40x768xf32, #tpu.memory_space<vmem>>, vector<1x16xf32>,
        %swap3A_237 = vector.shape_cast %swap3A_236 : vector<1x16xf32> to vector<16xf32>
        %swap3A_238 = vector.shape_cast %get3A_233 : vector<16xf32> to vector<1x16xf32>
        tpu.vector_store %arg10[%swap3A_234, %swap3A_235], %swap3A_238 {add = true, strides = array<i32>} : memref<40x768xf32, #tpu.memory_space<vmem>>, vector<1x16xf32>,
        %get3A_239 = arith.index_cast %scan3A_78 : i32 to index
        %get3A_240 = arith.constant 288 : index
        %get3A_241 = tpu.vector_load %arg12[%get3A_239, %get3A_240] {strides = array<i32>} : memref<40x768xf32, #tpu.memory_space<vmem>>, vector<1x16xf32>,
        %get3A_242 = vector.shape_cast %get3A_241 : vector<1x16xf32> to vector<16xf32>
        %swap3A_243 = arith.index_cast %scan3A_78 : i32 to index
        %swap3A_244 = arith.constant 288 : index
        %swap3A_245 = tpu.vector_load %arg10[%swap3A_243, %swap3A_244] {strides = array<i32>} : memref<40x768xf32, #tpu.memory_space<vmem>>, vector<1x16xf32>,
        %swap3A_246 = vector.shape_cast %swap3A_245 : vector<1x16xf32> to vector<16xf32>
        %swap3A_247 = vector.shape_cast %get3A_242 : vector<16xf32> to vector<1x16xf32>
        tpu.vector_store %arg10[%swap3A_243, %swap3A_244], %swap3A_247 {add = true, strides = array<i32>} : memref<40x768xf32, #tpu.memory_space<vmem>>, vector<1x16xf32>,
        %get3A_248 = arith.index_cast %scan3A_78 : i32 to index
        %get3A_249 = arith.constant 304 : index
        %get3A_250 = tpu.vector_load %arg12[%get3A_248, %get3A_249] {strides = array<i32>} : memref<40x768xf32, #tpu.memory_space<vmem>>, vector<1x16xf32>,
        %get3A_251 = vector.shape_cast %get3A_250 : vector<1x16xf32> to vector<16xf32>
        %swap3A_252 = arith.index_cast %scan3A_78 : i32 to index
        %swap3A_253 = arith.constant 304 : index
        %swap3A_254 = tpu.vector_load %arg10[%swap3A_252, %swap3A_253] {strides = array<i32>} : memref<40x768xf32, #tpu.memory_space<vmem>>, vector<1x16xf32>,
        %swap3A_255 = vector.shape_cast %swap3A_254 : vector<1x16xf32> to vector<16xf32>
        %swap3A_256 = vector.shape_cast %get3A_251 : vector<16xf32> to vector<1x16xf32>
        tpu.vector_store %arg10[%swap3A_252, %swap3A_253], %swap3A_256 {add = true, strides = array<i32>} : memref<40x768xf32, #tpu.memory_space<vmem>>, vector<1x16xf32>,
        %get3A_257 = arith.index_cast %scan3A_78 : i32 to index
        %get3A_258 = arith.constant 320 : index
        %get3A_259 = tpu.vector_load %arg12[%get3A_257, %get3A_258] {strides = array<i32>} : memref<40x768xf32, #tpu.memory_space<vmem>>, vector<1x16xf32>,
        %get3A_260 = vector.shape_cast %get3A_259 : vector<1x16xf32> to vector<16xf32>
        %swap3A_261 = arith.index_cast %scan3A_78 : i32 to index
        %swap3A_262 = arith.constant 320 : index
        %swap3A_263 = tpu.vector_load %arg10[%swap3A_261, %swap3A_262] {strides = array<i32>} : memref<40x768xf32, #tpu.memory_space<vmem>>, vector<1x16xf32>,
        %swap3A_264 = vector.shape_cast %swap3A_263 : vector<1x16xf32> to vector<16xf32>
        %swap3A_265 = vector.shape_cast %get3A_260 : vector<16xf32> to vector<1x16xf32>
        tpu.vector_store %arg10[%swap3A_261, %swap3A_262], %swap3A_265 {add = true, strides = array<i32>} : memref<40x768xf32, #tpu.memory_space<vmem>>, vector<1x16xf32>,
        %get3A_266 = arith.index_cast %scan3A_78 : i32 to index
        %get3A_267 = arith.constant 336 : index
        %get3A_268 = tpu.vector_load %arg12[%get3A_266, %get3A_267] {strides = array<i32>} : memref<40x768xf32, #tpu.memory_space<vmem>>, vector<1x16xf32>,
        %get3A_269 = vector.shape_cast %get3A_268 : vector<1x16xf32> to vector<16xf32>
        %swap3A_270 = arith.index_cast %scan3A_78 : i32 to index
        %swap3A_271 = arith.constant 336 : index
        %swap3A_272 = tpu.vector_load %arg10[%swap3A_270, %swap3A_271] {strides = array<i32>} : memref<40x768xf32, #tpu.memory_space<vmem>>, vector<1x16xf32>,
        %swap3A_273 = vector.shape_cast %swap3A_272 : vector<1x16xf32> to vector<16xf32>
        %swap3A_274 = vector.shape_cast %get3A_269 : vector<16xf32> to vector<1x16xf32>
        tpu.vector_store %arg10[%swap3A_270, %swap3A_271], %swap3A_274 {add = true, strides = array<i32>} : memref<40x768xf32, #tpu.memory_space<vmem>>, vector<1x16xf32>,
        %get3A_275 = arith.index_cast %scan3A_78 : i32 to index
        %get3A_276 = arith.constant 352 : index
        %get3A_277 = tpu.vector_load %arg12[%get3A_275, %get3A_276] {strides = array<i32>} : memref<40x768xf32, #tpu.memory_space<vmem>>, vector<1x16xf32>,
        %get3A_278 = vector.shape_cast %get3A_277 : vector<1x16xf32> to vector<16xf32>
        %swap3A_279 = arith.index_cast %scan3A_78 : i32 to index
        %swap3A_280 = arith.constant 352 : index
        %swap3A_281 = tpu.vector_load %arg10[%swap3A_279, %swap3A_280] {strides = array<i32>} : memref<40x768xf32, #tpu.memory_space<vmem>>, vector<1x16xf32>,
        %swap3A_282 = vector.shape_cast %swap3A_281 : vector<1x16xf32> to vector<16xf32>
        %swap3A_283 = vector.shape_cast %get3A_278 : vector<16xf32> to vector<1x16xf32>
        tpu.vector_store %arg10[%swap3A_279, %swap3A_280], %swap3A_283 {add = true, strides = array<i32>} : memref<40x768xf32, #tpu.memory_space<vmem>>, vector<1x16xf32>,
        %get3A_284 = arith.index_cast %scan3A_78 : i32 to index
        %get3A_285 = arith.constant 368 : index
        %get3A_286 = tpu.vector_load %arg12[%get3A_284, %get3A_285] {strides = array<i32>} : memref<40x768xf32, #tpu.memory_space<vmem>>, vector<1x16xf32>,
        %get3A_287 = vector.shape_cast %get3A_286 : vector<1x16xf32> to vector<16xf32>
        %swap3A_288 = arith.index_cast %scan3A_78 : i32 to index
        %swap3A_289 = arith.constant 368 : index
        %swap3A_290 = tpu.vector_load %arg10[%swap3A_288, %swap3A_289] {strides = array<i32>} : memref<40x768xf32, #tpu.memory_space<vmem>>, vector<1x16xf32>,
        %swap3A_291 = vector.shape_cast %swap3A_290 : vector<1x16xf32> to vector<16xf32>
        %swap3A_292 = vector.shape_cast %get3A_287 : vector<16xf32> to vector<1x16xf32>
        tpu.vector_store %arg10[%swap3A_288, %swap3A_289], %swap3A_292 {add = true, strides = array<i32>} : memref<40x768xf32, #tpu.memory_space<vmem>>, vector<1x16xf32>,
        %get3A_293 = arith.index_cast %scan3A_78 : i32 to index
        %get3A_294 = arith.constant 384 : index
        %get3A_295 = tpu.vector_load %arg12[%get3A_293, %get3A_294] {strides = array<i32>} : memref<40x768xf32, #tpu.memory_space<vmem>>, vector<1x16xf32>,
        %get3A_296 = vector.shape_cast %get3A_295 : vector<1x16xf32> to vector<16xf32>
        %swap3A_297 = arith.index_cast %scan3A_78 : i32 to index
        %swap3A_298 = arith.constant 384 : index
        %swap3A_299 = tpu.vector_load %arg10[%swap3A_297, %swap3A_298] {strides = array<i32>} : memref<40x768xf32, #tpu.memory_space<vmem>>, vector<1x16xf32>,
        %swap3A_300 = vector.shape_cast %swap3A_299 : vector<1x16xf32> to vector<16xf32>
        %swap3A_301 = vector.shape_cast %get3A_296 : vector<16xf32> to vector<1x16xf32>
        tpu.vector_store %arg10[%swap3A_297, %swap3A_298], %swap3A_301 {add = true, strides = array<i32>} : memref<40x768xf32, #tpu.memory_space<vmem>>, vector<1x16xf32>,
        %get3A_302 = arith.index_cast %scan3A_78 : i32 to index
        %get3A_303 = arith.constant 400 : index
        %get3A_304 = tpu.vector_load %arg12[%get3A_302, %get3A_303] {strides = array<i32>} : memref<40x768xf32, #tpu.memory_space<vmem>>, vector<1x16xf32>,
        %get3A_305 = vector.shape_cast %get3A_304 : vector<1x16xf32> to vector<16xf32>
        %swap3A_306 = arith.index_cast %scan3A_78 : i32 to index
        %swap3A_307 = arith.constant 400 : index
        %swap3A_308 = tpu.vector_load %arg10[%swap3A_306, %swap3A_307] {strides = array<i32>} : memref<40x768xf32, #tpu.memory_space<vmem>>, vector<1x16xf32>,
        %swap3A_309 = vector.shape_cast %swap3A_308 : vector<1x16xf32> to vector<16xf32>
        %swap3A_310 = vector.shape_cast %get3A_305 : vector<16xf32> to vector<1x16xf32>
        tpu.vector_store %arg10[%swap3A_306, %swap3A_307], %swap3A_310 {add = true, strides = array<i32>} : memref<40x768xf32, #tpu.memory_space<vmem>>, vector<1x16xf32>,
        %get3A_311 = arith.index_cast %scan3A_78 : i32 to index
        %get3A_312 = arith.constant 416 : index
        %get3A_313 = tpu.vector_load %arg12[%get3A_311, %get3A_312] {strides = array<i32>} : memref<40x768xf32, #tpu.memory_space<vmem>>, vector<1x16xf32>,
        %get3A_314 = vector.shape_cast %get3A_313 : vector<1x16xf32> to vector<16xf32>
        %swap3A_315 = arith.index_cast %scan3A_78 : i32 to index
        %swap3A_316 = arith.constant 416 : index
        %swap3A_317 = tpu.vector_load %arg10[%swap3A_315, %swap3A_316] {strides = array<i32>} : memref<40x768xf32, #tpu.memory_space<vmem>>, vector<1x16xf32>,
        %swap3A_318 = vector.shape_cast %swap3A_317 : vector<1x16xf32> to vector<16xf32>
        %swap3A_319 = vector.shape_cast %get3A_314 : vector<16xf32> to vector<1x16xf32>
        tpu.vector_store %arg10[%swap3A_315, %swap3A_316], %swap3A_319 {add = true, strides = array<i32>} : memref<40x768xf32, #tpu.memory_space<vmem>>, vector<1x16xf32>,
        %get3A_320 = arith.index_cast %scan3A_78 : i32 to index
        %get3A_321 = arith.constant 432 : index
        %get3A_322 = tpu.vector_load %arg12[%get3A_320, %get3A_321] {strides = array<i32>} : memref<40x768xf32, #tpu.memory_space<vmem>>, vector<1x16xf32>,
        %get3A_323 = vector.shape_cast %get3A_322 : vector<1x16xf32> to vector<16xf32>
        %swap3A_324 = arith.index_cast %scan3A_78 : i32 to index
        %swap3A_325 = arith.constant 432 : index
        %swap3A_326 = tpu.vector_load %arg10[%swap3A_324, %swap3A_325] {strides = array<i32>} : memref<40x768xf32, #tpu.memory_space<vmem>>, vector<1x16xf32>,
        %swap3A_327 = vector.shape_cast %swap3A_326 : vector<1x16xf32> to vector<16xf32>
        %swap3A_328 = vector.shape_cast %get3A_323 : vector<16xf32> to vector<1x16xf32>
        tpu.vector_store %arg10[%swap3A_324, %swap3A_325], %swap3A_328 {add = true, strides = array<i32>} : memref<40x768xf32, #tpu.memory_space<vmem>>, vector<1x16xf32>,
        %get3A_329 = arith.index_cast %scan3A_78 : i32 to index
        %get3A_330 = arith.constant 448 : index
        %get3A_331 = tpu.vector_load %arg12[%get3A_329, %get3A_330] {strides = array<i32>} : memref<40x768xf32, #tpu.memory_space<vmem>>, vector<1x16xf32>,
        %get3A_332 = vector.shape_cast %get3A_331 : vector<1x16xf32> to vector<16xf32>
        %swap3A_333 = arith.index_cast %scan3A_78 : i32 to index
        %swap3A_334 = arith.constant 448 : index
        %swap3A_335 = tpu.vector_load %arg10[%swap3A_333, %swap3A_334] {strides = array<i32>} : memref<40x768xf32, #tpu.memory_space<vmem>>, vector<1x16xf32>,
        %swap3A_336 = vector.shape_cast %swap3A_335 : vector<1x16xf32> to vector<16xf32>
        %swap3A_337 = vector.shape_cast %get3A_332 : vector<16xf32> to vector<1x16xf32>
        tpu.vector_store %arg10[%swap3A_333, %swap3A_334], %swap3A_337 {add = true, strides = array<i32>} : memref<40x768xf32, #tpu.memory_space<vmem>>, vector<1x16xf32>,
        %get3A_338 = arith.index_cast %scan3A_78 : i32 to index
        %get3A_339 = arith.constant 464 : index
        %get3A_340 = tpu.vector_load %arg12[%get3A_338, %get3A_339] {strides = array<i32>} : memref<40x768xf32, #tpu.memory_space<vmem>>, vector<1x16xf32>,
        %get3A_341 = vector.shape_cast %get3A_340 : vector<1x16xf32> to vector<16xf32>
        %swap3A_342 = arith.index_cast %scan3A_78 : i32 to index
        %swap3A_343 = arith.constant 464 : index
        %swap3A_344 = tpu.vector_load %arg10[%swap3A_342, %swap3A_343] {strides = array<i32>} : memref<40x768xf32, #tpu.memory_space<vmem>>, vector<1x16xf32>,
        %swap3A_345 = vector.shape_cast %swap3A_344 : vector<1x16xf32> to vector<16xf32>
        %swap3A_346 = vector.shape_cast %get3A_341 : vector<16xf32> to vector<1x16xf32>
        tpu.vector_store %arg10[%swap3A_342, %swap3A_343], %swap3A_346 {add = true, strides = array<i32>} : memref<40x768xf32, #tpu.memory_space<vmem>>, vector<1x16xf32>,
        %get3A_347 = arith.index_cast %scan3A_78 : i32 to index
        %get3A_348 = arith.constant 480 : index
        %get3A_349 = tpu.vector_load %arg12[%get3A_347, %get3A_348] {strides = array<i32>} : memref<40x768xf32, #tpu.memory_space<vmem>>, vector<1x16xf32>,
        %get3A_350 = vector.shape_cast %get3A_349 : vector<1x16xf32> to vector<16xf32>
        %swap3A_351 = arith.index_cast %scan3A_78 : i32 to index
        %swap3A_352 = arith.constant 480 : index
        %swap3A_353 = tpu.vector_load %arg10[%swap3A_351, %swap3A_352] {strides = array<i32>} : memref<40x768xf32, #tpu.memory_space<vmem>>, vector<1x16xf32>,
        %swap3A_354 = vector.shape_cast %swap3A_353 : vector<1x16xf32> to vector<16xf32>
        %swap3A_355 = vector.shape_cast %get3A_350 : vector<16xf32> to vector<1x16xf32>
        tpu.vector_store %arg10[%swap3A_351, %swap3A_352], %swap3A_355 {add = true, strides = array<i32>} : memref<40x768xf32, #tpu.memory_space<vmem>>, vector<1x16xf32>,
        %get3A_356 = arith.index_cast %scan3A_78 : i32 to index
        %get3A_357 = arith.constant 496 : index
        %get3A_358 = tpu.vector_load %arg12[%get3A_356, %get3A_357] {strides = array<i32>} : memref<40x768xf32, #tpu.memory_space<vmem>>, vector<1x16xf32>,
        %get3A_359 = vector.shape_cast %get3A_358 : vector<1x16xf32> to vector<16xf32>
        %swap3A_360 = arith.index_cast %scan3A_78 : i32 to index
        %swap3A_361 = arith.constant 496 : index
        %swap3A_362 = tpu.vector_load %arg10[%swap3A_360, %swap3A_361] {strides = array<i32>} : memref<40x768xf32, #tpu.memory_space<vmem>>, vector<1x16xf32>,
        %swap3A_363 = vector.shape_cast %swap3A_362 : vector<1x16xf32> to vector<16xf32>
        %swap3A_364 = vector.shape_cast %get3A_359 : vector<16xf32> to vector<1x16xf32>
        tpu.vector_store %arg10[%swap3A_360, %swap3A_361], %swap3A_364 {add = true, strides = array<i32>} : memref<40x768xf32, #tpu.memory_space<vmem>>, vector<1x16xf32>,
        %get3A_365 = arith.index_cast %scan3A_78 : i32 to index
        %get3A_366 = arith.constant 512 : index
        %get3A_367 = tpu.vector_load %arg12[%get3A_365, %get3A_366] {strides = array<i32>} : memref<40x768xf32, #tpu.memory_space<vmem>>, vector<1x16xf32>,
        %get3A_368 = vector.shape_cast %get3A_367 : vector<1x16xf32> to vector<16xf32>
        %swap3A_369 = arith.index_cast %scan3A_78 : i32 to index
        %swap3A_370 = arith.constant 512 : index
        %swap3A_371 = tpu.vector_load %arg10[%swap3A_369, %swap3A_370] {strides = array<i32>} : memref<40x768xf32, #tpu.memory_space<vmem>>, vector<1x16xf32>,
        %swap3A_372 = vector.shape_cast %swap3A_371 : vector<1x16xf32> to vector<16xf32>
        %swap3A_373 = vector.shape_cast %get3A_368 : vector<16xf32> to vector<1x16xf32>
        tpu.vector_store %arg10[%swap3A_369, %swap3A_370], %swap3A_373 {add = true, strides = array<i32>} : memref<40x768xf32, #tpu.memory_space<vmem>>, vector<1x16xf32>,
        %get3A_374 = arith.index_cast %scan3A_78 : i32 to index
        %get3A_375 = arith.constant 528 : index
        %get3A_376 = tpu.vector_load %arg12[%get3A_374, %get3A_375] {strides = array<i32>} : memref<40x768xf32, #tpu.memory_space<vmem>>, vector<1x16xf32>,
        %get3A_377 = vector.shape_cast %get3A_376 : vector<1x16xf32> to vector<16xf32>
        %swap3A_378 = arith.index_cast %scan3A_78 : i32 to index
        %swap3A_379 = arith.constant 528 : index
        %swap3A_380 = tpu.vector_load %arg10[%swap3A_378, %swap3A_379] {strides = array<i32>} : memref<40x768xf32, #tpu.memory_space<vmem>>, vector<1x16xf32>,
        %swap3A_381 = vector.shape_cast %swap3A_380 : vector<1x16xf32> to vector<16xf32>
        %swap3A_382 = vector.shape_cast %get3A_377 : vector<16xf32> to vector<1x16xf32>
        tpu.vector_store %arg10[%swap3A_378, %swap3A_379], %swap3A_382 {add = true, strides = array<i32>} : memref<40x768xf32, #tpu.memory_space<vmem>>, vector<1x16xf32>,
        %get3A_383 = arith.index_cast %scan3A_78 : i32 to index
        %get3A_384 = arith.constant 544 : index
        %get3A_385 = tpu.vector_load %arg12[%get3A_383, %get3A_384] {strides = array<i32>} : memref<40x768xf32, #tpu.memory_space<vmem>>, vector<1x16xf32>,
        %get3A_386 = vector.shape_cast %get3A_385 : vector<1x16xf32> to vector<16xf32>
        %swap3A_387 = arith.index_cast %scan3A_78 : i32 to index
        %swap3A_388 = arith.constant 544 : index
        %swap3A_389 = tpu.vector_load %arg10[%swap3A_387, %swap3A_388] {strides = array<i32>} : memref<40x768xf32, #tpu.memory_space<vmem>>, vector<1x16xf32>,
        %swap3A_390 = vector.shape_cast %swap3A_389 : vector<1x16xf32> to vector<16xf32>
        %swap3A_391 = vector.shape_cast %get3A_386 : vector<16xf32> to vector<1x16xf32>
        tpu.vector_store %arg10[%swap3A_387, %swap3A_388], %swap3A_391 {add = true, strides = array<i32>} : memref<40x768xf32, #tpu.memory_space<vmem>>, vector<1x16xf32>,
        %get3A_392 = arith.index_cast %scan3A_78 : i32 to index
        %get3A_393 = arith.constant 560 : index
        %get3A_394 = tpu.vector_load %arg12[%get3A_392, %get3A_393] {strides = array<i32>} : memref<40x768xf32, #tpu.memory_space<vmem>>, vector<1x16xf32>,
        %get3A_395 = vector.shape_cast %get3A_394 : vector<1x16xf32> to vector<16xf32>
        %swap3A_396 = arith.index_cast %scan3A_78 : i32 to index
        %swap3A_397 = arith.constant 560 : index
        %swap3A_398 = tpu.vector_load %arg10[%swap3A_396, %swap3A_397] {strides = array<i32>} : memref<40x768xf32, #tpu.memory_space<vmem>>, vector<1x16xf32>,
        %swap3A_399 = vector.shape_cast %swap3A_398 : vector<1x16xf32> to vector<16xf32>
        %swap3A_400 = vector.shape_cast %get3A_395 : vector<16xf32> to vector<1x16xf32>
        tpu.vector_store %arg10[%swap3A_396, %swap3A_397], %swap3A_400 {add = true, strides = array<i32>} : memref<40x768xf32, #tpu.memory_space<vmem>>, vector<1x16xf32>,
        %get3A_401 = arith.index_cast %scan3A_78 : i32 to index
        %get3A_402 = arith.constant 576 : index
        %get3A_403 = tpu.vector_load %arg12[%get3A_401, %get3A_402] {strides = array<i32>} : memref<40x768xf32, #tpu.memory_space<vmem>>, vector<1x16xf32>,
        %get3A_404 = vector.shape_cast %get3A_403 : vector<1x16xf32> to vector<16xf32>
        %swap3A_405 = arith.index_cast %scan3A_78 : i32 to index
        %swap3A_406 = arith.constant 576 : index
        %swap3A_407 = tpu.vector_load %arg10[%swap3A_405, %swap3A_406] {strides = array<i32>} : memref<40x768xf32, #tpu.memory_space<vmem>>, vector<1x16xf32>,
        %swap3A_408 = vector.shape_cast %swap3A_407 : vector<1x16xf32> to vector<16xf32>
        %swap3A_409 = vector.shape_cast %get3A_404 : vector<16xf32> to vector<1x16xf32>
        tpu.vector_store %arg10[%swap3A_405, %swap3A_406], %swap3A_409 {add = true, strides = array<i32>} : memref<40x768xf32, #tpu.memory_space<vmem>>, vector<1x16xf32>,
        %get3A_410 = arith.index_cast %scan3A_78 : i32 to index
        %get3A_411 = arith.constant 592 : index
        %get3A_412 = tpu.vector_load %arg12[%get3A_410, %get3A_411] {strides = array<i32>} : memref<40x768xf32, #tpu.memory_space<vmem>>, vector<1x16xf32>,
        %get3A_413 = vector.shape_cast %get3A_412 : vector<1x16xf32> to vector<16xf32>
        %swap3A_414 = arith.index_cast %scan3A_78 : i32 to index
        %swap3A_415 = arith.constant 592 : index
        %swap3A_416 = tpu.vector_load %arg10[%swap3A_414, %swap3A_415] {strides = array<i32>} : memref<40x768xf32, #tpu.memory_space<vmem>>, vector<1x16xf32>,
        %swap3A_417 = vector.shape_cast %swap3A_416 : vector<1x16xf32> to vector<16xf32>
        %swap3A_418 = vector.shape_cast %get3A_413 : vector<16xf32> to vector<1x16xf32>
        tpu.vector_store %arg10[%swap3A_414, %swap3A_415], %swap3A_418 {add = true, strides = array<i32>} : memref<40x768xf32, #tpu.memory_space<vmem>>, vector<1x16xf32>,
        %get3A_419 = arith.index_cast %scan3A_78 : i32 to index
        %get3A_420 = arith.constant 608 : index
        %get3A_421 = tpu.vector_load %arg12[%get3A_419, %get3A_420] {strides = array<i32>} : memref<40x768xf32, #tpu.memory_space<vmem>>, vector<1x16xf32>,
        %get3A_422 = vector.shape_cast %get3A_421 : vector<1x16xf32> to vector<16xf32>
        %swap3A_423 = arith.index_cast %scan3A_78 : i32 to index
        %swap3A_424 = arith.constant 608 : index
        %swap3A_425 = tpu.vector_load %arg10[%swap3A_423, %swap3A_424] {strides = array<i32>} : memref<40x768xf32, #tpu.memory_space<vmem>>, vector<1x16xf32>,
        %swap3A_426 = vector.shape_cast %swap3A_425 : vector<1x16xf32> to vector<16xf32>
        %swap3A_427 = vector.shape_cast %get3A_422 : vector<16xf32> to vector<1x16xf32>
        tpu.vector_store %arg10[%swap3A_423, %swap3A_424], %swap3A_427 {add = true, strides = array<i32>} : memref<40x768xf32, #tpu.memory_space<vmem>>, vector<1x16xf32>,
        %get3A_428 = arith.index_cast %scan3A_78 : i32 to index
        %get3A_429 = arith.constant 624 : index
        %get3A_430 = tpu.vector_load %arg12[%get3A_428, %get3A_429] {strides = array<i32>} : memref<40x768xf32, #tpu.memory_space<vmem>>, vector<1x16xf32>,
        %get3A_431 = vector.shape_cast %get3A_430 : vector<1x16xf32> to vector<16xf32>
        %swap3A_432 = arith.index_cast %scan3A_78 : i32 to index
        %swap3A_433 = arith.constant 624 : index
        %swap3A_434 = tpu.vector_load %arg10[%swap3A_432, %swap3A_433] {strides = array<i32>} : memref<40x768xf32, #tpu.memory_space<vmem>>, vector<1x16xf32>,
        %swap3A_435 = vector.shape_cast %swap3A_434 : vector<1x16xf32> to vector<16xf32>
        %swap3A_436 = vector.shape_cast %get3A_431 : vector<16xf32> to vector<1x16xf32>
        tpu.vector_store %arg10[%swap3A_432, %swap3A_433], %swap3A_436 {add = true, strides = array<i32>} : memref<40x768xf32, #tpu.memory_space<vmem>>, vector<1x16xf32>,
        %get3A_437 = arith.index_cast %scan3A_78 : i32 to index
        %get3A_438 = arith.constant 640 : index
        %get3A_439 = tpu.vector_load %arg12[%get3A_437, %get3A_438] {strides = array<i32>} : memref<40x768xf32, #tpu.memory_space<vmem>>, vector<1x16xf32>,
        %get3A_440 = vector.shape_cast %get3A_439 : vector<1x16xf32> to vector<16xf32>
        %swap3A_441 = arith.index_cast %scan3A_78 : i32 to index
        %swap3A_442 = arith.constant 640 : index
        %swap3A_443 = tpu.vector_load %arg10[%swap3A_441, %swap3A_442] {strides = array<i32>} : memref<40x768xf32, #tpu.memory_space<vmem>>, vector<1x16xf32>,
        %swap3A_444 = vector.shape_cast %swap3A_443 : vector<1x16xf32> to vector<16xf32>
        %swap3A_445 = vector.shape_cast %get3A_440 : vector<16xf32> to vector<1x16xf32>
        tpu.vector_store %arg10[%swap3A_441, %swap3A_442], %swap3A_445 {add = true, strides = array<i32>} : memref<40x768xf32, #tpu.memory_space<vmem>>, vector<1x16xf32>,
        %get3A_446 = arith.index_cast %scan3A_78 : i32 to index
        %get3A_447 = arith.constant 656 : index
        %get3A_448 = tpu.vector_load %arg12[%get3A_446, %get3A_447] {strides = array<i32>} : memref<40x768xf32, #tpu.memory_space<vmem>>, vector<1x16xf32>,
        %get3A_449 = vector.shape_cast %get3A_448 : vector<1x16xf32> to vector<16xf32>
        %swap3A_450 = arith.index_cast %scan3A_78 : i32 to index
        %swap3A_451 = arith.constant 656 : index
        %swap3A_452 = tpu.vector_load %arg10[%swap3A_450, %swap3A_451] {strides = array<i32>} : memref<40x768xf32, #tpu.memory_space<vmem>>, vector<1x16xf32>,
        %swap3A_453 = vector.shape_cast %swap3A_452 : vector<1x16xf32> to vector<16xf32>
        %swap3A_454 = vector.shape_cast %get3A_449 : vector<16xf32> to vector<1x16xf32>
        tpu.vector_store %arg10[%swap3A_450, %swap3A_451], %swap3A_454 {add = true, strides = array<i32>} : memref<40x768xf32, #tpu.memory_space<vmem>>, vector<1x16xf32>,
        %get3A_455 = arith.index_cast %scan3A_78 : i32 to index
        %get3A_456 = arith.constant 672 : index
        %get3A_457 = tpu.vector_load %arg12[%get3A_455, %get3A_456] {strides = array<i32>} : memref<40x768xf32, #tpu.memory_space<vmem>>, vector<1x16xf32>,
        %get3A_458 = vector.shape_cast %get3A_457 : vector<1x16xf32> to vector<16xf32>
        %swap3A_459 = arith.index_cast %scan3A_78 : i32 to index
        %swap3A_460 = arith.constant 672 : index
        %swap3A_461 = tpu.vector_load %arg10[%swap3A_459, %swap3A_460] {strides = array<i32>} : memref<40x768xf32, #tpu.memory_space<vmem>>, vector<1x16xf32>,
        %swap3A_462 = vector.shape_cast %swap3A_461 : vector<1x16xf32> to vector<16xf32>
        %swap3A_463 = vector.shape_cast %get3A_458 : vector<16xf32> to vector<1x16xf32>
        tpu.vector_store %arg10[%swap3A_459, %swap3A_460], %swap3A_463 {add = true, strides = array<i32>} : memref<40x768xf32, #tpu.memory_space<vmem>>, vector<1x16xf32>,
        %get3A_464 = arith.index_cast %scan3A_78 : i32 to index
        %get3A_465 = arith.constant 688 : index
        %get3A_466 = tpu.vector_load %arg12[%get3A_464, %get3A_465] {strides = array<i32>} : memref<40x768xf32, #tpu.memory_space<vmem>>, vector<1x16xf32>,
        %get3A_467 = vector.shape_cast %get3A_466 : vector<1x16xf32> to vector<16xf32>
        %swap3A_468 = arith.index_cast %scan3A_78 : i32 to index
        %swap3A_469 = arith.constant 688 : index
        %swap3A_470 = tpu.vector_load %arg10[%swap3A_468, %swap3A_469] {strides = array<i32>} : memref<40x768xf32, #tpu.memory_space<vmem>>, vector<1x16xf32>,
        %swap3A_471 = vector.shape_cast %swap3A_470 : vector<1x16xf32> to vector<16xf32>
        %swap3A_472 = vector.shape_cast %get3A_467 : vector<16xf32> to vector<1x16xf32>
        tpu.vector_store %arg10[%swap3A_468, %swap3A_469], %swap3A_472 {add = true, strides = array<i32>} : memref<40x768xf32, #tpu.memory_space<vmem>>, vector<1x16xf32>,
        %get3A_473 = arith.index_cast %scan3A_78 : i32 to index
        %get3A_474 = arith.constant 704 : index
        %get3A_475 = tpu.vector_load %arg12[%get3A_473, %get3A_474] {strides = array<i32>} : memref<40x768xf32, #tpu.memory_space<vmem>>, vector<1x16xf32>,
        %get3A_476 = vector.shape_cast %get3A_475 : vector<1x16xf32> to vector<16xf32>
        %swap3A_477 = arith.index_cast %scan3A_78 : i32 to index
        %swap3A_478 = arith.constant 704 : index
        %swap3A_479 = tpu.vector_load %arg10[%swap3A_477, %swap3A_478] {strides = array<i32>} : memref<40x768xf32, #tpu.memory_space<vmem>>, vector<1x16xf32>,
        %swap3A_480 = vector.shape_cast %swap3A_479 : vector<1x16xf32> to vector<16xf32>
        %swap3A_481 = vector.shape_cast %get3A_476 : vector<16xf32> to vector<1x16xf32>
        tpu.vector_store %arg10[%swap3A_477, %swap3A_478], %swap3A_481 {add = true, strides = array<i32>} : memref<40x768xf32, #tpu.memory_space<vmem>>, vector<1x16xf32>,
        %get3A_482 = arith.index_cast %scan3A_78 : i32 to index
        %get3A_483 = arith.constant 720 : index
        %get3A_484 = tpu.vector_load %arg12[%get3A_482, %get3A_483] {strides = array<i32>} : memref<40x768xf32, #tpu.memory_space<vmem>>, vector<1x16xf32>,
        %get3A_485 = vector.shape_cast %get3A_484 : vector<1x16xf32> to vector<16xf32>
        %swap3A_486 = arith.index_cast %scan3A_78 : i32 to index
        %swap3A_487 = arith.constant 720 : index
        %swap3A_488 = tpu.vector_load %arg10[%swap3A_486, %swap3A_487] {strides = array<i32>} : memref<40x768xf32, #tpu.memory_space<vmem>>, vector<1x16xf32>,
        %swap3A_489 = vector.shape_cast %swap3A_488 : vector<1x16xf32> to vector<16xf32>
        %swap3A_490 = vector.shape_cast %get3A_485 : vector<16xf32> to vector<1x16xf32>
        tpu.vector_store %arg10[%swap3A_486, %swap3A_487], %swap3A_490 {add = true, strides = array<i32>} : memref<40x768xf32, #tpu.memory_space<vmem>>, vector<1x16xf32>,
        %get3A_491 = arith.index_cast %scan3A_78 : i32 to index
        %get3A_492 = arith.constant 736 : index
        %get3A_493 = tpu.vector_load %arg12[%get3A_491, %get3A_492] {strides = array<i32>} : memref<40x768xf32, #tpu.memory_space<vmem>>, vector<1x16xf32>,
        %get3A_494 = vector.shape_cast %get3A_493 : vector<1x16xf32> to vector<16xf32>
        %swap3A_495 = arith.index_cast %scan3A_78 : i32 to index
        %swap3A_496 = arith.constant 736 : index
        %swap3A_497 = tpu.vector_load %arg10[%swap3A_495, %swap3A_496] {strides = array<i32>} : memref<40x768xf32, #tpu.memory_space<vmem>>, vector<1x16xf32>,
        %swap3A_498 = vector.shape_cast %swap3A_497 : vector<1x16xf32> to vector<16xf32>
        %swap3A_499 = vector.shape_cast %get3A_494 : vector<16xf32> to vector<1x16xf32>
        tpu.vector_store %arg10[%swap3A_495, %swap3A_496], %swap3A_499 {add = true, strides = array<i32>} : memref<40x768xf32, #tpu.memory_space<vmem>>, vector<1x16xf32>,
        %get3A_500 = arith.index_cast %scan3A_78 : i32 to index
        %get3A_501 = arith.constant 752 : index
        %get3A_502 = tpu.vector_load %arg12[%get3A_500, %get3A_501] {strides = array<i32>} : memref<40x768xf32, #tpu.memory_space<vmem>>, vector<1x16xf32>,
        %get3A_503 = vector.shape_cast %get3A_502 : vector<1x16xf32> to vector<16xf32>
        %swap3A_504 = arith.index_cast %scan3A_78 : i32 to index
        %swap3A_505 = arith.constant 752 : index
        %swap3A_506 = tpu.vector_load %arg10[%swap3A_504, %swap3A_505] {strides = array<i32>} : memref<40x768xf32, #tpu.memory_space<vmem>>, vector<1x16xf32>,
        %swap3A_507 = vector.shape_cast %swap3A_506 : vector<1x16xf32> to vector<16xf32>
        %swap3A_508 = vector.shape_cast %get3A_503 : vector<16xf32> to vector<1x16xf32>
        tpu.vector_store %arg10[%swap3A_504, %swap3A_505], %swap3A_508 {add = true, strides = array<i32>} : memref<40x768xf32, #tpu.memory_space<vmem>>, vector<1x16xf32>,
      }
      %scan3A_74 = arith.constant 40 : i32
      %mul3A_75 = arith.constant 40 : i32
      %mul3A_76 = arith.muli %add3A_49, %mul3A_75 : i32
      %add3A_77 = arith.addi %mul3A_2, %mul3A_76 : i32
      "tpu.region"() ({
        %run_scoped3A = tpu.sem_alloc : memref<!tpu.dma_semaphore, #tpu.memory_space<semaphore_mem>>
        %dma_start3A_78 = arith.constant 0 : i32
        %dma_start3A_79 = tpu.memref_slice %arg6[%add3A_77, %dma_start3A_78] : memref<51200x768xf32, #tpu.memory_space<hbm>> -> memref<40x768xf32, #tpu.memory_space<hbm>>
        %dma_start3A_80 = arith.constant 0 : i32
        %dma_start3A_81 = tpu.memref_slice %arg6[%add3A_77, %dma_start3A_80] : memref<51200x768xf32, #tpu.memory_space<hbm>> -> memref<40x768xf32, #tpu.memory_space<hbm>>
        tpu.enqueue_dma source(%arg10 : memref<40x768xf32, #tpu.memory_space<vmem>>) target(%dma_start3A_81 : memref<40x768xf32, #tpu.memory_space<hbm>>) target_semaphore(%run_scoped3A : memref<!tpu.dma_semaphore, #tpu.memory_space<semaphore_mem>>)
        %dma_wait3A_82 = arith.constant 0 : i32
        %dma_wait3A_83 = tpu.memref_slice %arg6[%add3A_77, %dma_wait3A_82] : memref<51200x768xf32, #tpu.memory_space<hbm>> -> memref<40x768xf32, #tpu.memory_space<hbm>>
        %dma_wait3A_84 = arith.constant 0 : i32
        %dma_wait3A_85 = tpu.memref_slice %arg6[%add3A_77, %dma_wait3A_84] : memref<51200x768xf32, #tpu.memory_space<hbm>> -> memref<40x768xf32, #tpu.memory_space<hbm>>
        tpu.wait_dma2 semaphore(%run_scoped3A : memref<!tpu.dma_semaphore, #tpu.memory_space<semaphore_mem>>) src(%arg10 : memref<40x768xf32, #tpu.memory_space<vmem>>) dst(%dma_wait3A_85 : memref<40x768xf32, #tpu.memory_space<hbm>>)
        tpu.yield
      }) : () -> ()
    }
    %scan3A_16 = arith.constant 20 : i32
    return
  }
}

module attributes {stable_mosaic.version = 14 : i64} {
  func.func @_pos_body(%arg0: i32, %arg1: memref<1x512x1xi32, #tpu.memory_space<vmem>>, %arg2: memref<1x512x1xi32, #tpu.memory_space<vmem>>, %arg3: memref<1x64xf32, #tpu.memory_space<vmem>>, %arg4: memref<1x64xf32, #tpu.memory_space<vmem>>, %arg5: memref<8x64xf32, #tpu.memory_space<vmem>>, %arg6: memref<512x64xf32, #tpu.memory_space<vmem>>) attributes {dimension_semantics = [#tpu.dimension_semantics<arbitrary>], iteration_bounds = array<i64: 100>, scalar_prefetch = 0 : i64, scratch_operands = 0 : i64, tpu.core_type = #tpu.core_type<tc>, window_params = [{transform_indices = @transform_0, window_bounds = array<i64: 1, 512, 1>}, {transform_indices = @transform_1, window_bounds = array<i64: 1, 512, 1>}, {pipeline_mode = #tpu.pipeline_mode<synchronous>, transform_indices = @transform_2, window_bounds = array<i64: 1, 64>}, {pipeline_mode = #tpu.pipeline_mode<synchronous>, transform_indices = @transform_3, window_bounds = array<i64: 1, 64>}, {pipeline_mode = #tpu.pipeline_mode<synchronous>, transform_indices = @transform_4, window_bounds = array<i64: 8, 64>}, {transform_indices = @transform_5, window_bounds = array<i64: 512, 64>}]} {
    %get3A = arith.constant 0 : index
    %get3A_0 = arith.constant 0 : index
    %get3A_1 = arith.constant 0 : index
    %get3A_2 = vector.load %arg1[%get3A, %get3A_0, %get3A_1] : memref<1x512x1xi32, #tpu.memory_space<vmem>>, vector<1x512x1xi32>
    %reshape3A = vector.shape_cast %get3A_2 : vector<1x512x1xi32> to vector<512x1xi32>
    %convert_element_type3A = arith.sitofp %reshape3A : vector<512x1xi32> to vector<512x1xf32>
    %get3A_3 = arith.constant 0 : index
    %get3A_4 = arith.constant 0 : index
    %get3A_5 = vector.load %arg3[%get3A_3, %get3A_4] : memref<1x64xf32, #tpu.memory_space<vmem>>, vector<1x64xf32>
    %div3A = vector.broadcast %convert_element_type3A : vector<512x1xf32> to vector<512x64xf32>
    %div3A_6 = vector.broadcast %get3A_5 : vector<1x64xf32> to vector<512x64xf32>
    %div3A_7 = arith.divf %div3A, %div3A_6 : vector<512x64xf32>
    %get3A_8 = arith.constant 0 : index
    %get3A_9 = arith.constant 0 : index
    %get3A_10 = vector.load %arg4[%get3A_8, %get3A_9] : memref<1x64xf32, #tpu.memory_space<vmem>>, vector<1x64xf32>
    %add3A = vector.broadcast %get3A_10 : vector<1x64xf32> to vector<512x64xf32>
    %add3A_11 = arith.addf %div3A_7, %add3A : vector<512x64xf32>
    %sin3A = math.sin %add3A_11 : vector<512x64xf32>
    %get3A_12 = arith.constant 0 : index
    %get3A_13 = arith.constant 0 : index
    %get3A_14 = arith.constant 0 : index
    %get3A_15 = vector.load %arg2[%get3A_12, %get3A_13, %get3A_14] : memref<1x512x1xi32, #tpu.memory_space<vmem>>, vector<1x512x1xi32>
    %reshape3A_16 = vector.shape_cast %get3A_15 : vector<1x512x1xi32> to vector<512x1xi32>
    %iota3A = tpu.iota {dimensions = array<i32: 1>} : vector<512x8xi32>
    %eq3A = vector.broadcast %reshape3A_16 : vector<512x1xi32> to vector<512x8xi32>
    %eq3A_17 = arith.cmpi eq, %eq3A, %iota3A : vector<512x8xi32>
    %convert_element_type3A_18 = arith.extui %eq3A_17 : vector<512x8xi1> to vector<512x8xi32>
    %convert_element_type3A_19 = arith.sitofp %convert_element_type3A_18 : vector<512x8xi32> to vector<512x8xf32>
    %get3A_20 = arith.constant 0 : index
    %get3A_21 = arith.constant 0 : index
    %get3A_22 = vector.load %arg5[%get3A_20, %get3A_21] : memref<8x64xf32, #tpu.memory_space<vmem>>, vector<8x64xf32>
    %dot_general3A = arith.constant dense<0.000000e+00> : vector<512x64xf32>
    %dot_general3A_23 = tpu.matmul %convert_element_type3A_19, %get3A_22, %dot_general3A {dimension_numbers = #tpu.dot_dimension_numbers<[1], [0], [0], [1], [0, 0, 1, 1], [], []>, transpose_lhs_hint = false} : vector<512x8xf32>, vector<8x64xf32>, vector<512x64xf32> -> vector<512x64xf32>
    %add3A_24 = arith.addf %sin3A, %dot_general3A_23 : vector<512x64xf32>
    %swap3A = arith.constant 0 : index
    %swap3A_25 = arith.constant 0 : index
    %swap3A_26 = vector.load %arg6[%swap3A, %swap3A_25] : memref<512x64xf32, #tpu.memory_space<vmem>>, vector<512x64xf32>
    tpu.vector_store %arg6[%swap3A, %swap3A_25], %add3A_24 {strides = array<i32>} : memref<512x64xf32, #tpu.memory_space<vmem>>, vector<512x64xf32>,
    return
  }
  func.func @transform_0(%arg0: i32) -> (i32, i32, i32) {
    %c0_i32 = arith.constant 0 : i32
    %c0_i32_0 = arith.constant 0 : i32
    %c0_i32_1 = arith.constant 0 : i32
    return %arg0, %c0_i32, %c0_i32_0 : i32, i32, i32
  }
  func.func @transform_1(%arg0: i32) -> (i32, i32, i32) {
    %c0_i32 = arith.constant 0 : i32
    %c0_i32_0 = arith.constant 0 : i32
    %c0_i32_1 = arith.constant 0 : i32
    return %arg0, %c0_i32, %c0_i32_0 : i32, i32, i32
  }
  func.func @transform_2(%arg0: i32) -> (i32, i32) {
    %c0_i32 = arith.constant 0 : i32
    %c0_i32_0 = arith.constant 0 : i32
    %c0_i32_1 = arith.constant 0 : i32
    return %c0_i32, %c0_i32_0 : i32, i32
  }
  func.func @transform_3(%arg0: i32) -> (i32, i32) {
    %c0_i32 = arith.constant 0 : i32
    %c0_i32_0 = arith.constant 0 : i32
    %c0_i32_1 = arith.constant 0 : i32
    return %c0_i32, %c0_i32_0 : i32, i32
  }
  func.func @transform_4(%arg0: i32) -> (i32, i32) {
    %c0_i32 = arith.constant 0 : i32
    %c0_i32_0 = arith.constant 0 : i32
    %c0_i32_1 = arith.constant 0 : i32
    return %c0_i32, %c0_i32_0 : i32, i32
  }
  func.func @transform_5(%arg0: i32) -> (i32, i32) {
    %c0_i32 = arith.constant 0 : i32
    %c0_i32_0 = arith.constant 0 : i32
    return %arg0, %c0_i32 : i32, i32
  }
}

</mosaic_0001>

<sc_bundles>
// kernel: kernel.4.cloned.1.call-start
scs
__scs_entry_jumppad:
0x0: {  	(pc) =	sbr.rel $0x88, $3  }
0x1: {  	(tag) =	ssettag $0x0;
	lr =	simm.s32 $0x1  }
0x2: {  	[smem:$0x3F99] =	sst lr;
	_ =	strace $0xD0000000  }
0x3: {  	_ = 	snop  }
0x4: {  	_ = 	snop  }
0x5: {  	_ = 	snop  }
0x6: {  	_ = 	snop  }
0x7: {  	_ = 	snop  }
__scs_overlays_trampoline_lowered:
0x8: {  	[smem:$0x3FA8] =	sst s0  }
0x9: {  	[smem:$0x3FA9] =	sst s1  }
0xa: {  	[smem:$0x3FAA] =	sst s2  }
0xb: {  	[smem:$0x3FAB] =	sst s3  }
0xc: {  	[smem:$0x3FAC] =	sst s4  }
0xd: {  	[smem:$0x3FAD] =	sst s5  }
0xe: {  	[smem:$0x3FAE] =	sst s6  }
0xf: {  	[smem:$0x3FAF] =	sst s7  }
0x10: {  	[smem:$0x3FB0] =	sst s8  }
0x11: {  	[smem:$0x3FB1] =	sst s9;
	s0 =	simm.s32 @!p0 $0x0  }
0x12: {  	s1 =	sld [smem:$0x3F97];
	s0 =	simm.s32 @p0 $0x1  }
0x13: {  	[smem:$0x3FB2] =	sst s0;
	s0 =	simm.s32 @!p1 $0x0  }
0x14: {  	s2 =	sld [smem:$0x3F96];
	s0 =	simm.s32 @p1 $0x1  }
0x15: {  	[smem:$0x3FB3] =	sst s0;
	s0 =	simm.s32 @!p2 $0x0  }
0x16: {  	s3 =	sld [smem:$0x3FDB];
	s0 =	simm.s32 @p2 $0x1  }
0x17: {  	s4 =	simm.s32 $0x1BF5;
	[smem:$0x3FB5] =	sst s0  }
0x18: {  	s0 =	sld [smem:$0x3F98];
	_ =	swait.ge [sflag:s4], $0x0  }
0x19: {  	s7 =	sld [smem:$0x3F99]  }
0x1a: {  	s8 =	sadd.s32 $0xFFFFE003, lr  }
0x1b: {  	s9 =	sadd.s32 $0xFFFFFEF7, lr;
	s5 =	simm.s32 $0xFFFFFFFF;
	p2 =	slt.u32 s8, $0xFFFFF086  }
0x1c: {  	p1 =	slt.u32 s9, $0xF7A;
	s5 =	simm.s32 @!p2 $0x0  }
0x1d: {  	s5 =	simm.s32 @p1 $0x1;
	p0 =	seq.s32 s7, s2  }
0x1e: {  	s7 =	smul.u32 @!p0 $0xF7A, s2;
	p2 =	seq.s32 @!p0 s5, $0x0  }
0x1f: {  	s9 =	smul.u32 $0xF7A, s1;
	s8 =	simm.s32 @!p0 $0x1BF5;
	p2 =	por !p2, p0  }
0x20: {  	[sflag:s8] =	ssyncset.s32 @!p0 $0xFFFFF086;
	s6 =	sadd.s32 @!p0 s3, s7;
	s7 =	simm.s32 @!p0 $0x108  }
0x21: {  	s3 =	sadd.s32 s3, s9;
	s6 =	sadd.s32 @!p0 $0x88, s6;
	s7 =	simm.s32 @p2 $0x1082  }
0x22: {  	[simem:s7], [sflag:s8] =	dma.local @!p0 [hbm:s6], $0xF7A  }
0x23: {  	s9 =	sor.u32 $0xD0000000, s2;
	s6 =	simm.s32 $0x108;
	_ =	swait.ge @!p0 [sflag:s8], $0x0  }
0x24: {  	s3 =	sadd.s32 $0x88, s3;
	s6 =	simm.s32 @!p1 $0x1082;
	[sflag:s4] =	ssyncset.s32 $0xFFFFF086  }
0x25: {  	[simem:s6], [sflag:s4] =	dma.local [hbm:s3], $0xF7A  }
0x26: {  	[smem:$0x3F99] =	sst s1;
	(tag) =	ssettag s2;
	_ =	strace s9  }
0x27: {  	s1 =	sld [smem:$0x3FA9]  }
0x28: {  	s2 =	sld [smem:$0x3FAA]  }
0x29: {  	s4 =	sld [smem:$0x3FAC]  }
0x2a: {  	p0 =	seq.s32 s5, $0x0;
	s5 =	sld [smem:$0x3FAD]  }
0x2b: {  	s6 =	sld [smem:$0x3FAE]  }
0x2c: {  	s7 =	sld [smem:$0x3FAF]  }
0x2d: {  	s3 =	simm.s32 $0x108;
	s8 =	sld [smem:$0x3FB0]  }
0x2e: {  	s3 =	simm.s32 @!p0 $0x1082;
	s9 =	sld [smem:$0x3FB1]  }
0x2f: {  	lr =	sadd.s32 s0, s3;
	s0 =	sld [smem:$0x3FA8]  }
0x30: {  	s3 =	sld [smem:$0x3FAB]  }
0x31: {  	[smem:$0x3FB4] =	sst s10  }
0x32: {  	s10 =	sld [smem:$0x3FB2];
	_ =	sdelay $0x3  }
0x33: {  	p0 =	seq.s32 s10, $0x1;
	s10 =	sld [smem:$0x3FB4];
	_ =	sdelay $0x3  }
0x34: {  	[smem:$0x3FB4] =	sst s10  }
0x35: {  	s10 =	sld [smem:$0x3FB3];
	_ =	sdelay $0x3  }
0x36: {  	p1 =	seq.s32 s10, $0x1;
	s10 =	sld [smem:$0x3FB4];
	_ =	sdelay $0x3  }
0x37: {  	[smem:$0x3FB4] =	sst s10  }
0x38: {  	s10 =	sld [smem:$0x3FB5]  }
0x39: {  	_ = 	snop;
	(pc) =	sbr.ind lr, $3  }
0x3a: {  	_ = 	snop  }
0x3b: {  	_ = 	snop  }
0x3c: {  	p2 =	seq.s32 s10, $0x1;
	s10 =	sld [smem:$0x3FB4]  }
0x3d: {  	_ =	shalt  }
0x3e: {  	_ =	shalt  }
0x3f: {  	_ =	shalt  }
0x40: {  	_ =	shalt  }
0x41: {  	_ =	shalt  }
0x42: {  	_ =	shalt  }
0x43: {  	_ =	shalt  }
0x44: {  	_ =	shalt  }
0x45: {  	_ =	shalt  }
0x46: {  	_ =	shalt  }
0x47: {  	_ =	shalt  }
0x48: {  	_ =	shalt  }
0x49: {  	_ =	shalt  }
0x4a: {  	_ =	shalt  }
0x4b: {  	_ =	shalt  }
0x4c: {  	_ =	shalt  }
0x4d: {  	_ =	shalt  }
0x4e: {  	_ =	shalt  }
0x4f: {  	_ =	shalt  }
0x50: {  	_ =	shalt  }
0x51: {  	_ =	shalt  }
0x52: {  	_ =	shalt  }
0x53: {  	_ =	shalt  }
0x54: {  	_ =	shalt  }
0x55: {  	_ =	shalt  }
0x56: {  	_ =	shalt  }
0x57: {  	_ =	shalt  }
0x58: {  	_ =	shalt  }
0x59: {  	_ =	shalt  }
0x5a: {  	_ =	shalt  }
0x5b: {  	_ =	shalt  }
0x5c: {  	_ =	shalt  }
0x5d: {  	_ =	shalt  }
0x5e: {  	_ =	shalt  }
0x5f: {  	_ =	shalt  }
0x60: {  	_ =	shalt  }
0x61: {  	_ =	shalt  }
0x62: {  	_ =	shalt  }
0x63: {  	_ =	shalt  }
0x64: {  	_ =	shalt  }
0x65: {  	_ =	shalt  }
0x66: {  	_ =	shalt  }
0x67: {  	_ =	shalt  }
0x68: {  	_ =	shalt  }
0x69: {  	_ =	shalt  }
0x6a: {  	_ =	shalt  }
0x6b: {  	_ =	shalt  }
0x6c: {  	_ =	shalt  }
0x6d: {  	_ =	shalt  }
0x6e: {  	_ =	shalt  }
0x6f: {  	_ =	shalt  }
0x70: {  	_ =	shalt  }
0x71: {  	_ =	shalt  }
0x72: {  	_ =	shalt  }
0x73: {  	_ =	shalt  }
0x74: {  	_ =	shalt  }
0x75: {  	_ =	shalt  }
0x76: {  	_ =	shalt  }
0x77: {  	_ =	shalt  }
0x78: {  	_ =	shalt  }
0x79: {  	_ =	shalt  }
0x7a: {  	_ =	shalt  }
0x7b: {  	_ =	shalt  }
0x7c: {  	_ =	shalt  }
0x7d: {  	_ =	shalt  }
0x7e: {  	_ =	shalt  }
0x7f: {  	_ =	shalt  }
0x80: {  	_ =	shalt  }
0x81: {  	_ =	shalt  }
0x82: {  	_ =	shalt  }
0x83: {  	_ =	shalt  }
0x84: {  	_ =	shalt  }
0x85: {  	_ =	shalt  }
0x86: {  	_ =	shalt  }
0x87: {  	_ =	shalt  }
.Lfunc_end0:
.L_simem_size_0:
called_computation.1_lowered:
.L_overlay_start_0:
0x88: {  	s2 =	sld [smem:$0x3FD9]  }
0x89: {  	s3 =	sld [smem:$0x3FFE];
	_ =	sdelay $0x1  }
0x8a: {  	s1 =	srdreg.scid  }
0x8b: {  	s0 =	sand.u32 $0x1, s1  }
0x8c: {  	s14 =	sshll.u32 s0, $0xA;
	s2 =	sadd.s32 s3, s2  }
0x8d: {  	s2 =	sadd.s32 s2, s14  }
0x8e: {  	[smem:$0x3FC0] =	sst s2  }
0x8f: {  	_ = 	snop  }
0x90: {  	s2 =	sld [smem:$0x3FD0];
	_ =	sdelay $0x1  }
0x91: {  	s15 =	sld [smem:$0x3FC5]  }
0x92: {  	s5 =	simm.s32 $0xA;
	s6 =	simm.s32 $0x10;
	s4 =	sld [smem:$0x3FC4]  }
0x93: {  	[smem:s6], [sflag:s5] =	dma.local [hbm:s2], $0x1  }
0x94: {  	_ =	swait.eq [sflag:s5], $0x1  }
0x95: {  	[sflag:s5] =	ssyncset.done $0x0  }
0x96: {  	s16 =	sld [smem:$0x10];
	[sflag:s5] =	ssyncadd.s32 $0xFFFFFFFF  }
0x97: {  	s17 =	sld [smem:$0x11];
	(tm) =	ssettm $0x1  }
0x98: {  	s18 =	sld [smem:$0x3FFB];
	_ =	sdelay $0x3  }
0x99: {  	_ =	strace s18  }
0x9a: {  	s6 =	sld [smem:$0x3FFC];
	_ =	sdelay $0x3  }
0x9b: {  	_ =	strace s6  }
0x9c: {  	s6 =	sld [smem:$0x3FFD];
	_ =	sdelay $0x3  }
0x9d: {  	_ =	strace s6  }
0x9e: {  	_ =	strace $0x8FFFFFFF  }
0x9f: {  	s19 =	sld [smem:$0x3FDB];
	_ =	sdelay $0x1  }
0xa0: {  	s7 =	simm.s32 $_scs_section_size  }
0xa1: {  	s8 =	simm.s32 $_size__tile_overlayer_lowered;
	s9 =	simm.s32 $_tile_overlayer_lowered  }
0xa2: {  	s22 =	simm.s32 $0x1BFF;
	s21 =	sshll.u32 s9, $0x1;
	s6 =	sadd.s32 s7, s19  }
0xa3: {  	s10 =	simm.s32 $0x0;
	s20 =	sshll.u32 s8, $0x1;
	s8 =	sadd.s32 s21, s6  }
0xa4: {  	[timem:s10], [sflag:s22] =	dma.local [hbm:s8], s20  }
0xa5: {  	_ =	swait.ge [sflag:s22], s20  }
0xa6: {  	s7 =	ssub.s32 $0x0, s20;
	[sflag:s22] =	ssyncset.done $0x0  }
0xa7: {  	[sflag:s22] =	ssyncadd.s32 s7;
	_ =	sdelay $0x1  }
0xa8: {  	s23 =	simm.s32 $0x1B8B  }
0xa9: {  	_ =	swait.ge [sflag:s23], $0x1  }
0xaa: {  	[sflag:s23] =	ssyncset.done $0x0  }
0xab: {  	s25 =	simm.s32 $0x1B8E;
	s24 =	sld [smem:$0x3FFE];
	[sflag:s23] =	ssyncadd.s32 $0xFFFFFFFF  }
0xac: {  	s26 =	simm.s32 $execute0_lowered;
	[smem:$0x3FD2] =	sst s25  }
0xad: {  	s8 =	sshll.u32 s26, $0x1;
	_ =	strace $0x80000046;
	[dreg:$0x1] =	wrdreg $0xFFFFFFFF  }
0xae: {  	s28 =	simm.s32 $_size_execute0_lowered;
	s6 =	sadd.s32 s6, s8;
	[dreg:$0x0] =	wrdreg $0x0  }
0xaf: {  	s8 =	sshll.u32 s28, $0x1;
	[dreg:$0x2] =	wrdreg s6  }
0xb0: {  	[dreg:$0x3] =	wrdreg s8  }
0xb1: {  	[dreg:$0x4] =	wrdreg $0xC0  }
0xb2: {  	_ =	task [dreg:s10], $0x5FFFF  }
0xb3: {  	[dreg:$0x1] =	wrdreg $0xFFFFFFFF  }
0xb4: {  	[dreg:$0x0] =	wrdreg $0x60  }
0xb5: {  	[dreg:$0x2] =	wrdreg s17  }
0xb6: {  	[dreg:$0x3] =	wrdreg s24  }
0xb7: {  	[dreg:$0x4] =	wrdreg s15  }
0xb8: {  	[dreg:$0x5] =	wrdreg s4  }
0xb9: {  	[dreg:$0x6] =	wrdreg s16  }
0xba: {  	[dreg:$0x7] =	wrdreg $0x9  }
0xbb: {  	_ =	task.clear_ibuf [dreg:s10], $0x8FFFF;
	_ =	strace $0x90000046  }
0xbc: {  	s29 =	simm.s32 $0x9;
	_ =	strace $0x80000048  }
0xbd: {  	_ =	swait.ge [sflag:s29], $0x1  }
0xbe: {  	[sflag:s29] =	ssyncadd.s32 $0xFFFFFFFF  }
0xbf: {  	_ =	strace $0x90000048  }
0xc0: {  	_ =	sfence  }
0xc1: {  	s30 =	sld [smem:$0x0];
	_ =	sdelay $0x2  }
0xc2: {  	s31 =	sshll.u32 s1, $0xD;
	s1 =	sshrl.u32 s1, $0x2  }
0xc3: {  	s3 =	sand.u32 $0x4000, s31;
	s1 =	sadd.s32 s1, s30  }
0xc4: {  	s0 =	sor.u32 s3, s0;
	s1 =	sshll.u32 s1, $0x11  }
0xc5: {  	s0 =	sor.u32 s1, s0  }
0xc6: {  	s0 =	sadd.s32 $0x8F2B, s0  }
0xc7: {  	[sflag:s0] =	ssyncadd.remote.s32 $0x1  }
0xc8: {  	_ =	sfence.sel $0xFFFF  }
0xc9: {  	[dreg:$0x0] =	wrdreg $0xFFFFFFFF;
	(pc) =	sbr.abs _section_cstart, $3  }
0xca: {  	[dreg:$0x1] =	wrdreg $0xFFFFFFFF  }
0xcb: {  	_ =	task.clear_ibuf [dreg:s10], $0x2FFFF;
	_ =	strace $0x9FFFFFFF  }
0xcc: {  	(tm) =	ssettm $0x7FFFFFFF  }
0xcd: {  	_ =	shalt  }
tec
execute0_lowered:
.L_overlay_start_1:
0x0: {  	(tag) =	ssettag $0x1  }
0x1: {  	s0 =	rddreg [dreg:$0x0]  }
0x2: {  	s2 =	rddreg [dreg:$0x1]  }
0x3: {  	s3 =	srdreg.scid;
	s4 =	stileid.u32  }
0x4: {  	s1 =	rddreg [dreg:$0x2];
	s6 =	simm.s32 $0x0;
	s14 =	simm.s32 $0x5  }
0x5: {  	s16 =	simm.s32 $0xD00;
	s26 =	simm.s32 $0x8500;
	s15 =	simm.s32 $0x1CD00  }
0x6: {  	s13 =	simm.s32 $0x1E500;
	s17 =	simm.s32 $0x1;
	s18 =	simm.s32 $0x3  }
0x7: {  	s19 =	simm.s32 $0x2;
	s20 =	simm.s32 $0x4;
	s22 =	simm.s32 $0x0  }
0x8: {  	s7 =	sand.u32 $0x1, s3;
	s4 =	sshll.u32 s4, $0x1;
	s3 =	rddreg [dreg:$0x3]  }
0x9: {  	[smem:$0x7FF] =	sst s6;
	s10 =	sadd.s32 $0x200, s1;
	s5 =	sor.u32 s7, s4  }
0xa: {  	s4 =	rddreg [dreg:$0x4];
	s7 =	ssub.s32 $0x2, s7;
	_ =	strace $0x80000047  }
0xb: {  	s11 =	sadd.s32 $0x100, s3;
	s5 =	smul.u32 $0x640, s5;
	s9 =	sshrl.u32 s7, $0x1  }
0xc: {  	s12 =	sadd.s32 $0x200, s3;
	s7 =	ssub.s32 s7, s9;
	s9 =	sadd.s32 $0x100, s1  }
0xd: {  	s8 =	sshrl.u32 s5, $0x3;
	s31 =	smax.u32 s7, $0x1;
	s7 =	simm.s32 $0x1D500  }
0xe: {  	v2 =	vlaneseq.u32;
	s2 =	sadd.s32 s8, s2;
	s0 =	sadd.s32 s0, s8;
	[dreg:$0x8] =	wrdreg s31  }
0xf: {  	vm0 =	vmmov $0xffff;
	v1 =	vshrl.u32 v2, $0x3;
	s8 =	simm.s32 $0x1DD00;
	[dreg:$0x6] =	wrdreg s0;
	s30 =	sadd.s32 $0x1200, s2  }
0x10: {  	v0 =	vand.u32 $0x7, v2;
	v2 =	vor.u32 $0x8, v2;
	v1 =	vmul.u32 $0x8, v1;
	s2 =	simm.s32 $0x1BD00;
	s0 =	simm.s32 $0x1C500;
	[dreg:$0x7] =	wrdreg s30  }
.LBB2_1:
0x11: {  	[dreg:$0x9] =	wrdreg s22  }
0x12: {  	s21 =	rddreg [dreg:$0x6]  }
0x13: {  	[tilespmem:s6], [sflag:$0x5] =	stream.linear.gather [hbm4b:s21+s6], $0x640, $0x38;
	[tilespmem:$0x1ED00] =	vst v63  }
0x14: {  	_ =	swait.ge [sflag:s14], $0x640  }
0x15: {  	[sflag:s14] =	ssyncset.done $0x0  }
0x16: {  	s24 =	simm.s32 $0x680;
	s23 =	rddreg [dreg:$0x7];
	[sflag:s14] =	ssyncadd.s32 $0xFFFFF9C0  }
0x17: {  	[tilespmem:s24], [sflag:$0x5] =	stream.linear.gather [hbm4b:s23+s6], $0x640, $0x38;
	[tilespmem:$0x1ED00] =	vst v63  }
0x18: {  	_ =	swait.ge [sflag:s14], $0x640  }
0x19: {  	[sflag:s14] =	ssyncset.done $0x0  }
0x1a: {  	[sflag:s14] =	ssyncadd.s32 $0xFFFFF9C0  }
0x1b: {  	v3 =	vld [tilespmem:$0x0];
	_ =	sdelay $0x4  }
0x1c: {  	v4 =	vshrl.u32 v3, $0x3  }
0x1d: {  	v4 =	vmul.u32 $0x30, v4  }
0x1e: {  	v3 =	vand.u32 $0x7, v3  }
0x1f: {  	v3 =	vor.u32 v3, v4  }
0x20: {  	v4 =	vperm.xlane v3, v0;
	_ =	sdelay $0x1  }
0x21: {  	v4 =	vadd.s32 v1, v4;
	_ =	sdelay $0x3  }
0x22: {  	v3 =	vperm.xlane v3, v2  }
0x23: {  	[tilespmem:s16], [sflag:$0x1] =	stream.indirect_vreg.gather [hbm4b:s1+s6], $0x80, v4, vm0, $0xb8;
	[tilespmem:$0x1ED00] =	vst v63  }
0x24: {  	s25 =	simm.s32 $0x1500;
	v3 =	vadd.s32 v1, v3  }
0x25: {  	[tilespmem:s25], [sflag:$0x1] =	stream.indirect_vreg.gather [hbm4b:s9+s6], $0x80, v4, vm0, $0xb8;
	[tilespmem:$0x1ED00] =	vst v63  }
0x26: {  	s28 =	simm.s32 $0x1D00  }
0x27: {  	[tilespmem:s28], [sflag:$0x1] =	stream.indirect_vreg.gather [hbm4b:s10+s6], $0x80, v4, vm0, $0xb8;
	[tilespmem:$0x1ED00] =	vst v63  }
0x28: {  	s29 =	simm.s32 $0x2500  }
0x29: {  	[tilespmem:s29], [sflag:$0x1] =	stream.indirect_vreg.gather [hbm4b:s1+s6], $0x80, v3, vm0, $0xb8;
	[tilespmem:$0x1ED00] =	vst v63  }
0x2a: {  	s30 =	simm.s32 $0x2D00  }
0x2b: {  	[tilespmem:s30], [sflag:$0x1] =	stream.indirect_vreg.gather [hbm4b:s9+s6], $0x80, v3, vm0, $0xb8;
	[tilespmem:$0x1ED00] =	vst v63  }
0x2c: {  	s31 =	simm.s32 $0x3500  }
0x2d: {  	[tilespmem:s31], [sflag:$0x1] =	stream.indirect_vreg.gather [hbm4b:s10+s6], $0x80, v3, vm0, $0xb8;
	[tilespmem:$0x1ED00] =	vst v63  }
0x2e: {  	v3 =	vld [tilespmem:$0x10];
	_ =	sdelay $0x4  }
0x2f: {  	v59 =	vshrl.u32 v3, $0x3  }
0x30: {  	v4 =	vmul.u32 $0x30, v59  }
0x31: {  	v3 =	vand.u32 $0x7, v3  }
0x32: {  	v3 =	vor.u32 v3, v4  }
0x33: {  	v4 =	vperm.xlane v3, v0;
	_ =	sdelay $0x1  }
0x34: {  	v4 =	vadd.s32 v1, v4;
	_ =	sdelay $0x3  }
0x35: {  	s22 =	simm.s32 $0x3D00;
	v3 =	vperm.xlane v3, v2  }
0x36: {  	[tilespmem:s22], [sflag:$0x1] =	stream.indirect_vreg.gather [hbm4b:s1+s6], $0x80, v4, vm0, $0xb8;
	[tilespmem:$0x1ED00] =	vst v63  }
0x37: {  	s23 =	simm.s32 $0x4500;
	v3 =	vadd.s32 v1, v3  }
0x38: {  	[tilespmem:s23], [sflag:$0x1] =	stream.indirect_vreg.gather [hbm4b:s9+s6], $0x80, v4, vm0, $0xb8;
	[tilespmem:$0x1ED00] =	vst v63  }
0x39: {  	s24 =	simm.s32 $0x4D00  }
0x3a: {  	[tilespmem:s24], [sflag:$0x1] =	stream.indirect_vreg.gather [hbm4b:s10+s6], $0x80, v4, vm0, $0xb8;
	[tilespmem:$0x1ED00] =	vst v63  }
0x3b: {  	s25 =	simm.s32 $0x5500  }
0x3c: {  	[tilespmem:s25], [sflag:$0x1] =	stream.indirect_vreg.gather [hbm4b:s1+s6], $0x80, v3, vm0, $0xb8;
	[tilespmem:$0x1ED00] =	vst v63  }
0x3d: {  	s28 =	simm.s32 $0x5D00  }
0x3e: {  	[tilespmem:s28], [sflag:$0x1] =	stream.indirect_vreg.gather [hbm4b:s9+s6], $0x80, v3, vm0, $0xb8;
	[tilespmem:$0x1ED00] =	vst v63  }
0x3f: {  	s29 =	simm.s32 $0x6500  }
0x40: {  	[tilespmem:s29], [sflag:$0x1] =	stream.indirect_vreg.gather [hbm4b:s10+s6], $0x80, v3, vm0, $0xb8;
	[tilespmem:$0x1ED00] =	vst v63  }
0x41: {  	v3 =	vld.msk [tilespmem:$0x20], $0xff;
	_ =	sdelay $0x4  }
0x42: {  	v60 =	vshrl.u32 v3, $0x3  }
0x43: {  	v4 =	vmul.u32 $0x30, v60  }
0x44: {  	v3 =	vand.u32 $0x7, v3  }
0x45: {  	v3 =	vor.u32 v3, v4  }
0x46: {  	v3 =	vperm.xlane v3, v0;
	_ =	sdelay $0x1  }
0x47: {  	v3 =	vadd.s32 v1, v3;
	_ =	sdelay $0x3  }
0x48: {  	s30 =	simm.s32 $0x6D00  }
0x49: {  	[tilespmem:s30], [sflag:$0x1] =	stream.indirect_vreg.gather [hbm4b:s1+s6], $0x80, v3, vm0, $0xb8;
	[tilespmem:$0x1ED00] =	vst v63  }
0x4a: {  	s31 =	simm.s32 $0x7500  }
0x4b: {  	[tilespmem:s31], [sflag:$0x1] =	stream.indirect_vreg.gather [hbm4b:s9+s6], $0x80, v3, vm0, $0xb8;
	[tilespmem:$0x1ED00] =	vst v63  }
0x4c: {  	s22 =	simm.s32 $0x7D00  }
0x4d: {  	[tilespmem:s22], [sflag:$0x1] =	stream.indirect_vreg.gather [hbm4b:s10+s6], $0x80, v3, vm0, $0xb8;
	[tilespmem:$0x1ED00] =	vst v63  }
0x4e: {  	v3 =	vld [tilespmem:$0x680];
	_ =	sdelay $0x4  }
0x4f: {  	v61 =	vshrl.u32 v3, $0x3  }
0x50: {  	v4 =	vmul.u32 $0x30, v61  }
0x51: {  	v3 =	vand.u32 $0x7, v3  }
0x52: {  	v3 =	vor.u32 v3, v4  }
0x53: {  	v4 =	vperm.xlane v3, v0;
	_ =	sdelay $0x1  }
0x54: {  	v4 =	vadd.s32 v1, v4;
	_ =	sdelay $0x3  }
0x55: {  	s23 =	simm.s32 $0xFD00;
	v3 =	vperm.xlane v3, v2  }
0x56: {  	[tilespmem:s23], [sflag:$0x3] =	stream.indirect_vreg.gather [hbm4b:s3+s6], $0x80, v4, vm0, $0xb8;
	[tilespmem:$0x1ED00] =	vst v63  }
0x57: {  	s24 =	simm.s32 $0x10500;
	v3 =	vadd.s32 v1, v3  }
0x58: {  	[tilespmem:s24], [sflag:$0x3] =	stream.indirect_vreg.gather [hbm4b:s11+s6], $0x80, v4, vm0, $0xb8;
	[tilespmem:$0x1ED00] =	vst v63  }
0x59: {  	s25 =	simm.s32 $0x10D00  }
0x5a: {  	[tilespmem:s25], [sflag:$0x3] =	stream.indirect_vreg.gather [hbm4b:s12+s6], $0x80, v4, vm0, $0xb8;
	[tilespmem:$0x1ED00] =	vst v63  }
0x5b: {  	s28 =	simm.s32 $0x11500  }
0x5c: {  	[tilespmem:s28], [sflag:$0x3] =	stream.indirect_vreg.gather [hbm4b:s3+s6], $0x80, v3, vm0, $0xb8;
	[tilespmem:$0x1ED00] =	vst v63  }
0x5d: {  	s29 =	simm.s32 $0x11D00  }
0x5e: {  	[tilespmem:s29], [sflag:$0x3] =	stream.indirect_vreg.gather [hbm4b:s11+s6], $0x80, v3, vm0, $0xb8;
	[tilespmem:$0x1ED00] =	vst v63  }
0x5f: {  	s30 =	simm.s32 $0x12500  }
0x60: {  	[tilespmem:s30], [sflag:$0x3] =	stream.indirect_vreg.gather [hbm4b:s12+s6], $0x80, v3, vm0, $0xb8;
	[tilespmem:$0x1ED00] =	vst v63  }
0x61: {  	v3 =	vld [tilespmem:$0x690];
	_ =	sdelay $0x4  }
0x62: {  	v62 =	vshrl.u32 v3, $0x3  }
0x63: {  	v4 =	vmul.u32 $0x30, v62  }
0x64: {  	v3 =	vand.u32 $0x7, v3  }
0x65: {  	v3 =	vor.u32 v3, v4  }
0x66: {  	v4 =	vperm.xlane v3, v0;
	_ =	sdelay $0x1  }
0x67: {  	v4 =	vadd.s32 v1, v4;
	_ =	sdelay $0x3  }
0x68: {  	s31 =	simm.s32 $0x12D00;
	v3 =	vperm.xlane v3, v2  }
0x69: {  	[tilespmem:s31], [sflag:$0x3] =	stream.indirect_vreg.gather [hbm4b:s3+s6], $0x80, v4, vm0, $0xb8;
	[tilespmem:$0x1ED00] =	vst v63  }
0x6a: {  	s22 =	simm.s32 $0x13500;
	v3 =	vadd.s32 v1, v3  }
0x6b: {  	[tilespmem:s22], [sflag:$0x3] =	stream.indirect_vreg.gather [hbm4b:s11+s6], $0x80, v4, vm0, $0xb8;
	[tilespmem:$0x1ED00] =	vst v63  }
0x6c: {  	s23 =	simm.s32 $0x13D00  }
0x6d: {  	[tilespmem:s23], [sflag:$0x3] =	stream.indirect_vreg.gather [hbm4b:s12+s6], $0x80, v4, vm0, $0xb8;
	[tilespmem:$0x1ED00] =	vst v63  }
0x6e: {  	s24 =	simm.s32 $0x14500  }
0x6f: {  	[tilespmem:s24], [sflag:$0x3] =	stream.indirect_vreg.gather [hbm4b:s3+s6], $0x80, v3, vm0, $0xb8;
	[tilespmem:$0x1ED00] =	vst v63  }
0x70: {  	s25 =	simm.s32 $0x14D00  }
0x71: {  	[tilespmem:s25], [sflag:$0x3] =	stream.indirect_vreg.gather [hbm4b:s11+s6], $0x80, v3, vm0, $0xb8;
	[tilespmem:$0x1ED00] =	vst v63  }
0x72: {  	s28 =	simm.s32 $0x15500  }
0x73: {  	[tilespmem:s28], [sflag:$0x3] =	stream.indirect_vreg.gather [hbm4b:s12+s6], $0x80, v3, vm0, $0xb8;
	[tilespmem:$0x1ED00] =	vst v63  }
0x74: {  	v3 =	vld.msk [tilespmem:$0x6A0], $0xff;
	_ =	sdelay $0x4  }
0x75: {  	v63 =	vshrl.u32 v3, $0x3  }
0x76: {  	v4 =	vmul.u32 $0x30, v63  }
0x77: {  	v3 =	vand.u32 $0x7, v3  }
0x78: {  	v3 =	vor.u32 v3, v4  }
0x79: {  	v3 =	vperm.xlane v3, v0;
	_ =	sdelay $0x1  }
0x7a: {  	v3 =	vadd.s32 v1, v3;
	_ =	sdelay $0x3  }
0x7b: {  	s29 =	simm.s32 $0x15D00  }
0x7c: {  	[tilespmem:s29], [sflag:$0x3] =	stream.indirect_vreg.gather [hbm4b:s3+s6], $0x80, v3, vm0, $0xb8;
	[tilespmem:$0x1ED00] =	vst v63  }
0x7d: {  	s30 =	simm.s32 $0x16500  }
0x7e: {  	[tilespmem:s30], [sflag:$0x3] =	stream.indirect_vreg.gather [hbm4b:s11+s6], $0x80, v3, vm0, $0xb8;
	[tilespmem:$0x1ED00] =	vst v63  }
0x7f: {  	s21 =	simm.s32 $0x0;
	s31 =	simm.s32 $0x16D00  }
0x80: {  	[tilespmem:s31], [sflag:$0x3] =	stream.indirect_vreg.gather [hbm4b:s12+s6], $0x80, v3, vm0, $0xb8;
	[tilespmem:$0x1ED00] =	vst v63  }
.LBB2_2:
0x81: {  	s23 =	smul.u32 $0x50, s21;
	_ =	sdelay $0x1  }
0x82: {  	v3 =	vld [tilespmem:s23+$0x28];
	_ =	sdelay $0x4  }
0x83: {  	v4 =	vshrl.u32 v3, $0x3  }
0x84: {  	v4 =	vmul.u32 $0x30, v4  }
0x85: {  	v3 =	vand.u32 $0x7, v3  }
0x86: {  	v3 =	vor.u32 v3, v4  }
0x87: {  	v4 =	vperm.xlane v3, v0;
	_ =	sdelay $0x1  }
0x88: {  	v4 =	vadd.s32 v1, v4;
	_ =	sdelay $0x3  }
0x89: {  	s24 =	simm.s32 $0x0;
	v3 =	vperm.xlane v3, v2  }
0x8a: {  	[tilespmem:s26], [sflag:$0x2] =	stream.indirect_vreg.gather [hbm4b:s1+s24], $0x80, v4, vm0, $0xb8;
	[tilespmem:$0x1ED00] =	vst v63  }
0x8b: {  	s22 =	simm.s32 $0x8D00;
	v3 =	vadd.s32 v1, v3  }
0x8c: {  	[tilespmem:s22], [sflag:$0x2] =	stream.indirect_vreg.gather [hbm4b:s9+s24], $0x80, v4, vm0, $0xb8;
	[tilespmem:$0x1ED00] =	vst v63  }
0x8d: {  	s31 =	simm.s32 $0x9500  }
0x8e: {  	[tilespmem:s31], [sflag:$0x2] =	stream.indirect_vreg.gather [hbm4b:s10+s24], $0x80, v4, vm0, $0xb8;
	[tilespmem:$0x1ED00] =	vst v63  }
0x8f: {  	s25 =	simm.s32 $0x9D00  }
0x90: {  	[tilespmem:s25], [sflag:$0x2] =	stream.indirect_vreg.gather [hbm4b:s1+s24], $0x80, v3, vm0, $0xb8;
	[tilespmem:$0x1ED00] =	vst v63  }
0x91: {  	s30 =	simm.s32 $0xA500  }
0x92: {  	[tilespmem:s30], [sflag:$0x2] =	stream.indirect_vreg.gather [hbm4b:s9+s24], $0x80, v3, vm0, $0xb8;
	[tilespmem:$0x1ED00] =	vst v63  }
0x93: {  	s31 =	simm.s32 $0xAD00  }
0x94: {  	[tilespmem:s31], [sflag:$0x2] =	stream.indirect_vreg.gather [hbm4b:s10+s24], $0x80, v3, vm0, $0xb8;
	[tilespmem:$0x1ED00] =	vst v63  }
0x95: {  	v3 =	vld [tilespmem:s23+$0x38];
	_ =	sdelay $0x4  }
0x96: {  	v58 =	vshrl.u32 v3, $0x3  }
0x97: {  	v4 =	vmul.u32 $0x30, v58  }
0x98: {  	v3 =	vand.u32 $0x7, v3  }
0x99: {  	v3 =	vor.u32 v3, v4  }
0x9a: {  	v4 =	vperm.xlane v3, v0;
	_ =	sdelay $0x1  }
0x9b: {  	v4 =	vadd.s32 v1, v4;
	_ =	sdelay $0x3  }
0x9c: {  	s25 =	simm.s32 $0xB500;
	v3 =	vperm.xlane v3, v2  }
0x9d: {  	[tilespmem:s25], [sflag:$0x2] =	stream.indirect_vreg.gather [hbm4b:s1+s24], $0x80, v4, vm0, $0xb8;
	[tilespmem:$0x1ED00] =	vst v63  }
0x9e: {  	s30 =	simm.s32 $0xBD00;
	v3 =	vadd.s32 v1, v3  }
0x9f: {  	[tilespmem:s30], [sflag:$0x2] =	stream.indirect_vreg.gather [hbm4b:s9+s24], $0x80, v4, vm0, $0xb8;
	[tilespmem:$0x1ED00] =	vst v63  }
0xa0: {  	s31 =	simm.s32 $0xC500  }
0xa1: {  	[tilespmem:s31], [sflag:$0x2] =	stream.indirect_vreg.gather [hbm4b:s10+s24], $0x80, v4, vm0, $0xb8;
	[tilespmem:$0x1ED00] =	vst v63  }
0xa2: {  	s25 =	simm.s32 $0xCD00  }
0xa3: {  	[tilespmem:s25], [sflag:$0x2] =	stream.indirect_vreg.gather [hbm4b:s1+s24], $0x80, v3, vm0, $0xb8;
	[tilespmem:$0x1ED00] =	vst v63  }
0xa4: {  	s30 =	simm.s32 $0xD500  }
0xa5: {  	[tilespmem:s30], [sflag:$0x2] =	stream.indirect_vreg.gather [hbm4b:s9+s24], $0x80, v3, vm0, $0xb8;
	[tilespmem:$0x1ED00] =	vst v63  }
0xa6: {  	s31 =	simm.s32 $0xDD00  }
0xa7: {  	[tilespmem:s31], [sflag:$0x2] =	stream.indirect_vreg.gather [hbm4b:s10+s24], $0x80, v3, vm0, $0xb8;
	[tilespmem:$0x1ED00] =	vst v63  }
0xa8: {  	v3 =	vld.msk [tilespmem:s23+$0x48], $0xff;
	_ =	sdelay $0x4  }
0xa9: {  	v59 =	vshrl.u32 v3, $0x3  }
0xaa: {  	v4 =	vmul.u32 $0x30, v59  }
0xab: {  	v3 =	vand.u32 $0x7, v3  }
0xac: {  	v3 =	vor.u32 v3, v4  }
0xad: {  	v3 =	vperm.xlane v3, v0;
	_ =	sdelay $0x1  }
0xae: {  	v3 =	vadd.s32 v1, v3;
	_ =	sdelay $0x3  }
0xaf: {  	s25 =	simm.s32 $0xE500  }
0xb0: {  	[tilespmem:s25], [sflag:$0x2] =	stream.indirect_vreg.gather [hbm4b:s1+s24], $0x80, v3, vm0, $0xb8;
	[tilespmem:$0x1ED00] =	vst v63  }
0xb1: {  	s30 =	simm.s32 $0xED00  }
0xb2: {  	[tilespmem:s30], [sflag:$0x2] =	stream.indirect_vreg.gather [hbm4b:s9+s24], $0x80, v3, vm0, $0xb8;
	[tilespmem:$0x1ED00] =	vst v63  }
0xb3: {  	s31 =	simm.s32 $0xF500  }
0xb4: {  	[tilespmem:s31], [sflag:$0x2] =	stream.indirect_vreg.gather [hbm4b:s10+s24], $0x80, v3, vm0, $0xb8;
	[tilespmem:$0x1ED00] =	vst v63  }
0xb5: {  	v3 =	vld [tilespmem:s23+$0x6A8];
	_ =	sdelay $0x4  }
0xb6: {  	v60 =	vshrl.u32 v3, $0x3  }
0xb7: {  	v4 =	vmul.u32 $0x30, v60  }
0xb8: {  	v3 =	vand.u32 $0x7, v3  }
0xb9: {  	v3 =	vor.u32 v3, v4  }
0xba: {  	v4 =	vperm.xlane v3, v0;
	_ =	sdelay $0x1  }
0xbb: {  	v4 =	vadd.s32 v1, v4;
	_ =	sdelay $0x3  }
0xbc: {  	s25 =	simm.s32 $0x17500;
	v3 =	vperm.xlane v3, v2  }
0xbd: {  	[tilespmem:s25], [sflag:$0x4] =	stream.indirect_vreg.gather [hbm4b:s3+s24], $0x80, v4, vm0, $0xb8;
	[tilespmem:$0x1ED00] =	vst v63  }
0xbe: {  	s30 =	simm.s32 $0x17D00;
	v3 =	vadd.s32 v1, v3  }
0xbf: {  	[tilespmem:s30], [sflag:$0x4] =	stream.indirect_vreg.gather [hbm4b:s11+s24], $0x80, v4, vm0, $0xb8;
	[tilespmem:$0x1ED00] =	vst v63  }
0xc0: {  	s31 =	simm.s32 $0x18500  }
0xc1: {  	[tilespmem:s31], [sflag:$0x4] =	stream.indirect_vreg.gather [hbm4b:s12+s24], $0x80, v4, vm0, $0xb8;
	[tilespmem:$0x1ED00] =	vst v63  }
0xc2: {  	s25 =	simm.s32 $0x18D00  }
0xc3: {  	[tilespmem:s25], [sflag:$0x4] =	stream.indirect_vreg.gather [hbm4b:s3+s24], $0x80, v3, vm0, $0xb8;
	[tilespmem:$0x1ED00] =	vst v63  }
0xc4: {  	s30 =	simm.s32 $0x19500  }
0xc5: {  	[tilespmem:s30], [sflag:$0x4] =	stream.indirect_vreg.gather [hbm4b:s11+s24], $0x80, v3, vm0, $0xb8;
	[tilespmem:$0x1ED00] =	vst v63  }
0xc6: {  	s31 =	simm.s32 $0x19D00  }
0xc7: {  	[tilespmem:s31], [sflag:$0x4] =	stream.indirect_vreg.gather [hbm4b:s12+s24], $0x80, v3, vm0, $0xb8;
	[tilespmem:$0x1ED00] =	vst v63  }
0xc8: {  	v3 =	vld [tilespmem:s23+$0x6B8];
	_ =	sdelay $0x4  }
0xc9: {  	v61 =	vshrl.u32 v3, $0x3  }
0xca: {  	v4 =	vmul.u32 $0x30, v61  }
0xcb: {  	v3 =	vand.u32 $0x7, v3  }
0xcc: {  	v3 =	vor.u32 v3, v4  }
0xcd: {  	v4 =	vperm.xlane v3, v0;
	_ =	sdelay $0x1  }
0xce: {  	v4 =	vadd.s32 v1, v4;
	_ =	sdelay $0x3  }
0xcf: {  	s25 =	simm.s32 $0x1A500;
	v3 =	vperm.xlane v3, v2  }
0xd0: {  	[tilespmem:s25], [sflag:$0x4] =	stream.indirect_vreg.gather [hbm4b:s3+s24], $0x80, v4, vm0, $0xb8;
	[tilespmem:$0x1ED00] =	vst v63  }
0xd1: {  	s30 =	simm.s32 $0x1AD00;
	v3 =	vadd.s32 v1, v3  }
0xd2: {  	[tilespmem:s30], [sflag:$0x4] =	stream.indirect_vreg.gather [hbm4b:s11+s24], $0x80, v4, vm0, $0xb8;
	[tilespmem:$0x1ED00] =	vst v63  }
0xd3: {  	s31 =	simm.s32 $0x1B500  }
0xd4: {  	[tilespmem:s31], [sflag:$0x4] =	stream.indirect_vreg.gather [hbm4b:s12+s24], $0x80, v4, vm0, $0xb8;
	[tilespmem:$0x1ED00] =	vst v63  }
0xd5: {  	_ = 	snop  }
0xd6: {  	[tilespmem:s2], [sflag:$0x4] =	stream.indirect_vreg.gather [hbm4b:s3+s24], $0x80, v3, vm0, $0xb8;
	[tilespmem:$0x1ED00] =	vst v63  }
0xd7: {  	_ = 	snop  }
0xd8: {  	[tilespmem:s0], [sflag:$0x4] =	stream.indirect_vreg.gather [hbm4b:s11+s24], $0x80, v3, vm0, $0xb8;
	[tilespmem:$0x1ED00] =	vst v63  }
0xd9: {  	_ = 	snop  }
0xda: {  	[tilespmem:s15], [sflag:$0x4] =	stream.indirect_vreg.gather [hbm4b:s12+s24], $0x80, v3, vm0, $0xb8;
	[tilespmem:$0x1ED00] =	vst v63  }
0xdb: {  	v3 =	vld.msk [tilespmem:s23+$0x6C8], $0xff;
	_ =	sdelay $0x4  }
0xdc: {  	v62 =	vshrl.u32 v3, $0x3  }
0xdd: {  	v4 =	vmul.u32 $0x30, v62  }
0xde: {  	v3 =	vand.u32 $0x7, v3  }
0xdf: {  	v3 =	vor.u32 v3, v4  }
0xe0: {  	v3 =	vperm.xlane v3, v0;
	_ =	sdelay $0x1  }
0xe1: {  	v3 =	vadd.s32 v1, v3;
	_ =	sdelay $0x4  }
0xe2: {  	[tilespmem:s7], [sflag:$0x4] =	stream.indirect_vreg.gather [hbm4b:s3+s24], $0x80, v3, vm0, $0xb8;
	[tilespmem:$0x1ED00] =	vst v63  }
0xe3: {  	_ = 	snop  }
0xe4: {  	[tilespmem:s8], [sflag:$0x4] =	stream.indirect_vreg.gather [hbm4b:s11+s24], $0x80, v3, vm0, $0xb8;
	[tilespmem:$0x1ED00] =	vst v63  }
0xe5: {  	_ = 	snop  }
0xe6: {  	[tilespmem:s13], [sflag:$0x4] =	stream.indirect_vreg.gather [hbm4b:s12+s24], $0x80, v3, vm0, $0xb8;
	[tilespmem:$0x1ED00] =	vst v63  }
0xe7: {  	_ =	swait.ge [sflag:s17], $0x7800  }
0xe8: {  	[sflag:s17] =	ssyncset.done $0x0  }
0xe9: {  	s25 =	simm.s32 $0x0;
	[sflag:s17] =	ssyncadd.s32 $0xFFFF8800  }
0xea: {  	s22 =	smul.u32 $0x1800, s25;
	_ =	swait.ge [sflag:s18], $0x7800  }
0xeb: {  	s25 =	sand.u32 $0x380, s24;
	[sflag:s18] =	ssyncset.done $0x0  }
0xec: {  	s25 =	sor.u32 s25, s22;
	[sflag:s18] =	ssyncadd.s32 $0xFFFF8800  }
0xed: {  	v3 =	vld [tilespmem:s25+$0xFD10]  }
0xee: {  	v63 =	vld [tilespmem:s25+$0xFD60]  }
0xef: {  	v5 =	vld [tilespmem:s25+$0xFD40]  }
0xf0: {  	v6 =	vld [tilespmem:s25+$0xFD00]  }
0xf1: {  	v7 =	vld [tilespmem:s25+$0x10160]  }
0xf2: {  	v8 =	vld [tilespmem:s25+$0xFD70]  }
0xf3: {  	v9 =	vld [tilespmem:s25+$0x10110]  }
0xf4: {  	v10 =	vld [tilespmem:s25+$0xFD20]  }
0xf5: {  	v11 =	vld [tilespmem:s25+$0xFD50]  }
0xf6: {  	v12 =	vld [tilespmem:s25+$0x10140]  }
0xf7: {  	v13 =	vld [tilespmem:s25+$0x10170]  }
0xf8: {  	v14 =	vld [tilespmem:s25+$0x10120]  }
0xf9: {  	v15 =	vld [tilespmem:s25+$0xFD30]  }
0xfa: {  	v16 =	vld [tilespmem:s25+$0x10150]  }
0xfb: {  	v17 =	vld [tilespmem:s25+$0x10100]  }
0xfc: {  	v18 =	vld [tilespmem:s25+$0x10130]  }
0xfd: {  	[tilespmem:s25+$0x1170] =	vst.add.f32.msk $0xffff, v13  }
0xfe: {  	[tilespmem:s25+$0x1160] =	vst.add.f32.msk $0xffff, v7  }
0xff: {  	[tilespmem:s25+$0x1150] =	vst.add.f32.msk $0xffff, v16  }
0x100: {  	[tilespmem:s25+$0x1140] =	vst.add.f32.msk $0xffff, v12  }
0x101: {  	[tilespmem:s25+$0x1130] =	vst.add.f32.msk $0xffff, v18  }
0x102: {  	[tilespmem:s25+$0xD70] =	vst.add.f32.msk $0xffff, v8  }
0x103: {  	[tilespmem:s25+$0x1120] =	vst.add.f32.msk $0xffff, v14  }
0x104: {  	[tilespmem:s25+$0xD50] =	vst.add.f32.msk $0xffff, v11  }
0x105: {  	[tilespmem:s25+$0x1100] =	vst.add.f32.msk $0xffff, v17  }
0x106: {  	[tilespmem:s25+$0xD60] =	vst.add.f32.msk $0xffff, v63  }
0x107: {  	[tilespmem:s25+$0x1110] =	vst.add.f32.msk $0xffff, v9  }
0x108: {  	[tilespmem:s25+$0xD40] =	vst.add.f32.msk $0xffff, v5  }
0x109: {  	[tilespmem:s25+$0xD10] =	vst.add.f32.msk $0xffff, v3  }
0x10a: {  	[tilespmem:s25+$0xD30] =	vst.add.f32.msk $0xffff, v15  }
0x10b: {  	[tilespmem:s25+$0xD20] =	vst.add.f32.msk $0xffff, v10  }
0x10c: {  	s22 =	sadd.s32 $0x800, s25;
	[tilespmem:s25+$0xD00] =	vst.add.f32.msk $0xffff, v6  }
0x10d: {  	v3 =	vld [tilespmem:s22+$0xFD00];
	_ =	sdelay $0x4  }
0x10e: {  	[tilespmem:s25+$0x1500] =	vst.add.f32.msk $0xffff, v3  }
0x10f: {  	v3 =	vld [tilespmem:s22+$0xFD10];
	_ =	sdelay $0x4  }
0x110: {  	[tilespmem:s25+$0x1510] =	vst.add.f32.msk $0xffff, v3  }
0x111: {  	v3 =	vld [tilespmem:s22+$0xFD20];
	_ =	sdelay $0x4  }
0x112: {  	[tilespmem:s25+$0x1520] =	vst.add.f32.msk $0xffff, v3  }
0x113: {  	v3 =	vld [tilespmem:s22+$0xFD30];
	_ =	sdelay $0x4  }
0x114: {  	[tilespmem:s25+$0x1530] =	vst.add.f32.msk $0xffff, v3  }
0x115: {  	v3 =	vld [tilespmem:s22+$0xFD40];
	_ =	sdelay $0x4  }
0x116: {  	[tilespmem:s25+$0x1540] =	vst.add.f32.msk $0xffff, v3  }
0x117: {  	v3 =	vld [tilespmem:s22+$0xFD50];
	_ =	sdelay $0x4  }
0x118: {  	[tilespmem:s25+$0x1550] =	vst.add.f32.msk $0xffff, v3  }
0x119: {  	v3 =	vld [tilespmem:s22+$0xFD60];
	_ =	sdelay $0x4  }
0x11a: {  	[tilespmem:s25+$0x1560] =	vst.add.f32.msk $0xffff, v3  }
0x11b: {  	v3 =	vld [tilespmem:s22+$0xFD70];
	_ =	sdelay $0x4  }
0x11c: {  	s30 =	sadd.s32 $0xC00, s25;
	[tilespmem:s25+$0x1570] =	vst.add.f32.msk $0xffff, v3  }
0x11d: {  	v3 =	vld [tilespmem:s30+$0xFD00];
	_ =	sdelay $0x4  }
0x11e: {  	[tilespmem:s25+$0x1900] =	vst.add.f32.msk $0xffff, v3  }
0x11f: {  	v3 =	vld [tilespmem:s30+$0xFD10];
	_ =	sdelay $0x4  }
0x120: {  	[tilespmem:s25+$0x1910] =	vst.add.f32.msk $0xffff, v3  }
0x121: {  	v3 =	vld [tilespmem:s30+$0xFD20];
	_ =	sdelay $0x4  }
0x122: {  	[tilespmem:s25+$0x1920] =	vst.add.f32.msk $0xffff, v3  }
0x123: {  	v3 =	vld [tilespmem:s30+$0xFD30];
	_ =	sdelay $0x4  }
0x124: {  	[tilespmem:s25+$0x1930] =	vst.add.f32.msk $0xffff, v3  }
0x125: {  	v3 =	vld [tilespmem:s30+$0xFD40];
	_ =	sdelay $0x4  }
0x126: {  	[tilespmem:s25+$0x1940] =	vst.add.f32.msk $0xffff, v3  }
0x127: {  	v3 =	vld [tilespmem:s30+$0xFD50];
	_ =	sdelay $0x4  }
0x128: {  	[tilespmem:s25+$0x1950] =	vst.add.f32.msk $0xffff, v3  }
0x129: {  	v3 =	vld [tilespmem:s30+$0xFD60];
	_ =	sdelay $0x4  }
0x12a: {  	[tilespmem:s25+$0x1960] =	vst.add.f32.msk $0xffff, v3  }
0x12b: {  	v3 =	vld [tilespmem:s30+$0xFD70];
	_ =	sdelay $0x4  }
0x12c: {  	s31 =	sadd.s32 $0x1000, s25;
	[tilespmem:s25+$0x1970] =	vst.add.f32.msk $0xffff, v3  }
0x12d: {  	v3 =	vld [tilespmem:s31+$0xFD00];
	_ =	sdelay $0x4  }
0x12e: {  	[tilespmem:s25+$0x1D00] =	vst.add.f32.msk $0xffff, v3  }
0x12f: {  	v3 =	vld [tilespmem:s31+$0xFD10];
	_ =	sdelay $0x4  }
0x130: {  	[tilespmem:s25+$0x1D10] =	vst.add.f32.msk $0xffff, v3  }
0x131: {  	v3 =	vld [tilespmem:s31+$0xFD20];
	_ =	sdelay $0x4  }
0x132: {  	[tilespmem:s25+$0x1D20] =	vst.add.f32.msk $0xffff, v3  }
0x133: {  	v3 =	vld [tilespmem:s31+$0xFD30];
	_ =	sdelay $0x4  }
0x134: {  	[tilespmem:s25+$0x1D30] =	vst.add.f32.msk $0xffff, v3  }
0x135: {  	v3 =	vld [tilespmem:s31+$0xFD40];
	_ =	sdelay $0x4  }
0x136: {  	[tilespmem:s25+$0x1D40] =	vst.add.f32.msk $0xffff, v3  }
0x137: {  	v3 =	vld [tilespmem:s31+$0xFD50];
	_ =	sdelay $0x4  }
0x138: {  	[tilespmem:s25+$0x1D50] =	vst.add.f32.msk $0xffff, v3  }
0x139: {  	v3 =	vld [tilespmem:s31+$0xFD60];
	_ =	sdelay $0x4  }
0x13a: {  	[tilespmem:s25+$0x1D60] =	vst.add.f32.msk $0xffff, v3  }
0x13b: {  	v3 =	vld [tilespmem:s31+$0xFD70];
	_ =	sdelay $0x4  }
0x13c: {  	s29 =	sadd.s32 $0x1400, s25;
	[tilespmem:s25+$0x1D70] =	vst.add.f32.msk $0xffff, v3  }
0x13d: {  	v3 =	vld [tilespmem:s29+$0xFD00];
	_ =	sdelay $0x4  }
0x13e: {  	[tilespmem:s25+$0x2100] =	vst.add.f32.msk $0xffff, v3  }
0x13f: {  	v3 =	vld [tilespmem:s29+$0xFD10];
	_ =	sdelay $0x4  }
0x140: {  	s28 =	simm.s32 $0x1;
	s22 =	sadd.s32 $0x28, s23;
	[tilespmem:s25+$0x2110] =	vst.add.f32.msk $0xffff, v3  }
.LBB2_3:
0x141: {  	p0 =	sne.s32 s28, $0x27  }
0x142: {  	v3 =	vld [tilespmem:s29+$0xFD20];
	s24 =	sadd.s32 $0x80, s24;
	s30 =	smov.u32 s28;
	s28 =	sadd.s32 $0x1, s28  }
0x143: {  	_ =	sdelay $0x1  }
0x144: {  	s30 =	sshrl.u32 s30, $0x3  }
0x145: {  	s30 =	smul.u32 $0x1800, s30  }
0x146: {  	s31 =	sand.u32 $0x380, s24;
	[tilespmem:s25+$0x2120] =	vst.add.f32.msk $0xffff, v3  }
0x147: {  	s30 =	sor.u32 s31, s30;
	v3 =	vld [tilespmem:s29+$0xFD30]  }
0x148: {  	v4 =	vld [tilespmem:s30+$0xFD10]  }
0x149: {  	v5 =	vld [tilespmem:s30+$0xFD60]  }
0x14a: {  	v6 =	vld [tilespmem:s30+$0xFD40]  }
0x14b: {  	v7 =	vld [tilespmem:s30+$0xFD00]  }
0x14c: {  	[tilespmem:s25+$0x2130] =	vst.add.f32.msk $0xffff, v3  }
0x14d: {  	v3 =	vld [tilespmem:s29+$0xFD40]  }
0x14e: {  	v8 =	vld [tilespmem:s30+$0x10160]  }
0x14f: {  	v9 =	vld [tilespmem:s30+$0xFD70]  }
0x150: {  	v10 =	vld [tilespmem:s30+$0x10110]  }
0x151: {  	v11 =	vld [tilespmem:s30+$0xFD20]  }
0x152: {  	[tilespmem:s25+$0x2140] =	vst.add.f32.msk $0xffff, v3  }
0x153: {  	v3 =	vld [tilespmem:s29+$0xFD50]  }
0x154: {  	v12 =	vld [tilespmem:s30+$0xFD50]  }
0x155: {  	v13 =	vld [tilespmem:s30+$0x10140]  }
0x156: {  	v14 =	vld [tilespmem:s30+$0x10170]  }
0x157: {  	v15 =	vld [tilespmem:s30+$0x10120]  }
0x158: {  	[tilespmem:s25+$0x2150] =	vst.add.f32.msk $0xffff, v3  }
0x159: {  	v3 =	vld [tilespmem:s29+$0xFD60]  }
0x15a: {  	v16 =	vld [tilespmem:s30+$0xFD30]  }
0x15b: {  	v17 =	vld [tilespmem:s30+$0x10150]  }
0x15c: {  	v18 =	vld [tilespmem:s30+$0x10100]  }
0x15d: {  	v19 =	vld [tilespmem:s30+$0x10130]  }
0x15e: {  	[tilespmem:s25+$0x2160] =	vst.add.f32.msk $0xffff, v3  }
0x15f: {  	v3 =	vld [tilespmem:s29+$0xFD70]  }
0x160: {  	[tilespmem:s30+$0x1170] =	vst.add.f32.msk $0xffff, v14  }
0x161: {  	[tilespmem:s30+$0x1160] =	vst.add.f32.msk $0xffff, v8  }
0x162: {  	[tilespmem:s30+$0x1150] =	vst.add.f32.msk $0xffff, v17  }
0x163: {  	[tilespmem:s30+$0x1140] =	vst.add.f32.msk $0xffff, v13  }
0x164: {  	[tilespmem:s30+$0x1130] =	vst.add.f32.msk $0xffff, v19  }
0x165: {  	[tilespmem:s30+$0xD70] =	vst.add.f32.msk $0xffff, v9  }
0x166: {  	[tilespmem:s30+$0x1120] =	vst.add.f32.msk $0xffff, v15  }
0x167: {  	[tilespmem:s25+$0x2170] =	vst.add.f32.msk $0xffff, v3;
	s25 =	smov.u32 s30  }
0x168: {  	[tilespmem:s25+$0xD50] =	vst.add.f32.msk $0xffff, v12  }
0x169: {  	[tilespmem:s25+$0x1100] =	vst.add.f32.msk $0xffff, v18  }
0x16a: {  	[tilespmem:s25+$0xD60] =	vst.add.f32.msk $0xffff, v5  }
0x16b: {  	[tilespmem:s25+$0x1110] =	vst.add.f32.msk $0xffff, v10  }
0x16c: {  	[tilespmem:s25+$0xD40] =	vst.add.f32.msk $0xffff, v6  }
0x16d: {  	[tilespmem:s25+$0xD10] =	vst.add.f32.msk $0xffff, v4  }
0x16e: {  	[tilespmem:s25+$0xD30] =	vst.add.f32.msk $0xffff, v16  }
0x16f: {  	[tilespmem:s25+$0xD20] =	vst.add.f32.msk $0xffff, v11  }
0x170: {  	s29 =	sadd.s32 $0x800, s25;
	[tilespmem:s25+$0xD00] =	vst.add.f32.msk $0xffff, v7  }
0x171: {  	v3 =	vld [tilespmem:s29+$0xFD00];
	_ =	sdelay $0x4  }
0x172: {  	[tilespmem:s25+$0x1500] =	vst.add.f32.msk $0xffff, v3  }
0x173: {  	v3 =	vld [tilespmem:s29+$0xFD10];
	_ =	sdelay $0x4  }
0x174: {  	[tilespmem:s25+$0x1510] =	vst.add.f32.msk $0xffff, v3  }
0x175: {  	v3 =	vld [tilespmem:s29+$0xFD20];
	_ =	sdelay $0x4  }
0x176: {  	[tilespmem:s25+$0x1520] =	vst.add.f32.msk $0xffff, v3  }
0x177: {  	v3 =	vld [tilespmem:s29+$0xFD30];
	_ =	sdelay $0x4  }
0x178: {  	[tilespmem:s25+$0x1530] =	vst.add.f32.msk $0xffff, v3  }
0x179: {  	v3 =	vld [tilespmem:s29+$0xFD40];
	_ =	sdelay $0x4  }
0x17a: {  	[tilespmem:s25+$0x1540] =	vst.add.f32.msk $0xffff, v3  }
0x17b: {  	v3 =	vld [tilespmem:s29+$0xFD50];
	_ =	sdelay $0x4  }
0x17c: {  	[tilespmem:s25+$0x1550] =	vst.add.f32.msk $0xffff, v3  }
0x17d: {  	v3 =	vld [tilespmem:s29+$0xFD60];
	_ =	sdelay $0x4  }
0x17e: {  	[tilespmem:s25+$0x1560] =	vst.add.f32.msk $0xffff, v3  }
0x17f: {  	v3 =	vld [tilespmem:s29+$0xFD70];
	_ =	sdelay $0x4  }
0x180: {  	s29 =	sadd.s32 $0xC00, s25;
	[tilespmem:s25+$0x1570] =	vst.add.f32.msk $0xffff, v3  }
0x181: {  	v3 =	vld [tilespmem:s29+$0xFD00];
	_ =	sdelay $0x4  }
0x182: {  	[tilespmem:s25+$0x1900] =	vst.add.f32.msk $0xffff, v3  }
0x183: {  	v3 =	vld [tilespmem:s29+$0xFD10];
	_ =	sdelay $0x4  }
0x184: {  	[tilespmem:s25+$0x1910] =	vst.add.f32.msk $0xffff, v3  }
0x185: {  	v3 =	vld [tilespmem:s29+$0xFD20];
	_ =	sdelay $0x4  }
0x186: {  	[tilespmem:s25+$0x1920] =	vst.add.f32.msk $0xffff, v3  }
0x187: {  	v3 =	vld [tilespmem:s29+$0xFD30];
	_ =	sdelay $0x4  }
0x188: {  	[tilespmem:s25+$0x1930] =	vst.add.f32.msk $0xffff, v3  }
0x189: {  	v3 =	vld [tilespmem:s29+$0xFD40];
	_ =	sdelay $0x4  }
0x18a: {  	[tilespmem:s25+$0x1940] =	vst.add.f32.msk $0xffff, v3  }
0x18b: {  	v3 =	vld [tilespmem:s29+$0xFD50];
	_ =	sdelay $0x4  }
0x18c: {  	[tilespmem:s25+$0x1950] =	vst.add.f32.msk $0xffff, v3  }
0x18d: {  	v3 =	vld [tilespmem:s29+$0xFD60];
	_ =	sdelay $0x4  }
0x18e: {  	[tilespmem:s25+$0x1960] =	vst.add.f32.msk $0xffff, v3  }
0x18f: {  	v3 =	vld [tilespmem:s29+$0xFD70];
	_ =	sdelay $0x4  }
0x190: {  	s29 =	sadd.s32 $0x1000, s25;
	[tilespmem:s25+$0x1970] =	vst.add.f32.msk $0xffff, v3  }
0x191: {  	v3 =	vld [tilespmem:s29+$0xFD00];
	_ =	sdelay $0x4  }
0x192: {  	[tilespmem:s25+$0x1D00] =	vst.add.f32.msk $0xffff, v3  }
0x193: {  	v3 =	vld [tilespmem:s29+$0xFD10];
	_ =	sdelay $0x4  }
0x194: {  	[tilespmem:s25+$0x1D10] =	vst.add.f32.msk $0xffff, v3  }
0x195: {  	v3 =	vld [tilespmem:s29+$0xFD20];
	_ =	sdelay $0x4  }
0x196: {  	[tilespmem:s25+$0x1D20] =	vst.add.f32.msk $0xffff, v3  }
0x197: {  	v3 =	vld [tilespmem:s29+$0xFD30];
	_ =	sdelay $0x4  }
0x198: {  	[tilespmem:s25+$0x1D30] =	vst.add.f32.msk $0xffff, v3  }
0x199: {  	v3 =	vld [tilespmem:s29+$0xFD40];
	_ =	sdelay $0x4  }
0x19a: {  	[tilespmem:s25+$0x1D40] =	vst.add.f32.msk $0xffff, v3  }
0x19b: {  	v3 =	vld [tilespmem:s29+$0xFD50];
	_ =	sdelay $0x4  }
0x19c: {  	[tilespmem:s25+$0x1D50] =	vst.add.f32.msk $0xffff, v3  }
0x19d: {  	v3 =	vld [tilespmem:s29+$0xFD60];
	_ =	sdelay $0x4  }
0x19e: {  	[tilespmem:s25+$0x1D60] =	vst.add.f32.msk $0xffff, v3  }
0x19f: {  	v3 =	vld [tilespmem:s29+$0xFD70];
	_ =	sdelay $0x4  }
0x1a0: {  	s29 =	sadd.s32 $0x1400, s25;
	[tilespmem:s25+$0x1D70] =	vst.add.f32.msk $0xffff, v3  }
0x1a1: {  	v3 =	vld [tilespmem:s29+$0xFD00];
	_ =	sdelay $0x4  }
0x1a2: {  	[tilespmem:s25+$0x2100] =	vst.add.f32.msk $0xffff, v3  }
0x1a3: {  	v3 =	vld [tilespmem:s29+$0xFD10]  }
.Ltmp0:
0x1a4: {  	(pc) =	sbr.rel @p0 .LBB2_3-.Ltmp0, $2  }
0x1a5: {  	_ =	sdelay $0x2  }
0x1a6: {  	[tilespmem:s25+$0x2110] =	vst.add.f32.msk $0xffff, v3  }
0x1a7: {  	v3 =	vld [tilespmem:s29+$0xFD20];
	_ =	sdelay $0x4  }
0x1a8: {  	[tilespmem:s25+$0x2120] =	vst.add.f32.msk $0xffff, v3  }
0x1a9: {  	v3 =	vld [tilespmem:s29+$0xFD30];
	_ =	sdelay $0x4  }
0x1aa: {  	[tilespmem:s25+$0x2130] =	vst.add.f32.msk $0xffff, v3  }
0x1ab: {  	v3 =	vld [tilespmem:s29+$0xFD40];
	_ =	sdelay $0x4  }
0x1ac: {  	[tilespmem:s25+$0x2140] =	vst.add.f32.msk $0xffff, v3  }
0x1ad: {  	v3 =	vld [tilespmem:s29+$0xFD50];
	_ =	sdelay $0x4  }
0x1ae: {  	[tilespmem:s25+$0x2150] =	vst.add.f32.msk $0xffff, v3  }
0x1af: {  	v3 =	vld [tilespmem:s29+$0xFD60];
	_ =	sdelay $0x4  }
0x1b0: {  	[tilespmem:s25+$0x2160] =	vst.add.f32.msk $0xffff, v3  }
0x1b1: {  	v3 =	vld [tilespmem:s29+$0xFD70]  }
0x1b2: {  	s24 =	sadd.s32 s5, s23  }
0x1b3: {  	s24 =	sshrl.u32 s24, $0x3  }
0x1b4: {  	s24 =	smul.u32 $0x300, s24  }
0x1b5: {  	p0 =	seq.s32 s21, $0x13  }
.Ltmp1:
0x1b6: {  	s24 =	sadd.s32 s4, s24;
	[tilespmem:s25+$0x2170] =	vst.add.f32.msk $0xffff, v3;
	(pc) =	sbr.rel @p0 .LBB2_6-.Ltmp1, $4  }
0x1b7: {  	[hbm4b:s24+s6] =	stream.linear.scatter [tilespmem:s16], [sflag:$0x5], $0x7800, $0x38;
	[tilespmem:$0x1ED00] =	vst v63  }
0x1b8: {  	_ =	swait.ge [sflag:s14], $0x7800  }
0x1b9: {  	[sflag:s14] =	ssyncset.done $0x0  }
0x1ba: {  	[sflag:s14] =	ssyncadd.s32 $0xFFFF8800  }
0x1bb: {  	v3 =	vld [tilespmem:s23+$0x50];
	_ =	sdelay $0x4  }
0x1bc: {  	v4 =	vshrl.u32 v3, $0x3  }
0x1bd: {  	v4 =	vmul.u32 $0x30, v4  }
0x1be: {  	v3 =	vand.u32 $0x7, v3  }
0x1bf: {  	v3 =	vor.u32 v3, v4  }
0x1c0: {  	v4 =	vperm.xlane v3, v0;
	_ =	sdelay $0x1  }
0x1c1: {  	v4 =	vadd.s32 v1, v4;
	_ =	sdelay $0x3  }
0x1c2: {  	v3 =	vperm.xlane v3, v2  }
0x1c3: {  	[tilespmem:s16], [sflag:$0x1] =	stream.indirect_vreg.gather [hbm4b:s1+s6], $0x80, v4, vm0, $0xb8;
	[tilespmem:$0x1ED00] =	vst v63  }
0x1c4: {  	s24 =	simm.s32 $0x1500;
	v3 =	vadd.s32 v1, v3  }
0x1c5: {  	[tilespmem:s24], [sflag:$0x1] =	stream.indirect_vreg.gather [hbm4b:s9+s6], $0x80, v4, vm0, $0xb8;
	[tilespmem:$0x1ED00] =	vst v63  }
0x1c6: {  	s29 =	simm.s32 $0x1D00  }
0x1c7: {  	[tilespmem:s29], [sflag:$0x1] =	stream.indirect_vreg.gather [hbm4b:s10+s6], $0x80, v4, vm0, $0xb8;
	[tilespmem:$0x1ED00] =	vst v63  }
0x1c8: {  	s30 =	simm.s32 $0x2500  }
0x1c9: {  	[tilespmem:s30], [sflag:$0x1] =	stream.indirect_vreg.gather [hbm4b:s1+s6], $0x80, v3, vm0, $0xb8;
	[tilespmem:$0x1ED00] =	vst v63  }
0x1ca: {  	s31 =	simm.s32 $0x2D00  }
0x1cb: {  	[tilespmem:s31], [sflag:$0x1] =	stream.indirect_vreg.gather [hbm4b:s9+s6], $0x80, v3, vm0, $0xb8;
	[tilespmem:$0x1ED00] =	vst v63  }
0x1cc: {  	s25 =	simm.s32 $0x3500  }
0x1cd: {  	[tilespmem:s25], [sflag:$0x1] =	stream.indirect_vreg.gather [hbm4b:s10+s6], $0x80, v3, vm0, $0xb8;
	[tilespmem:$0x1ED00] =	vst v63  }
0x1ce: {  	v3 =	vld [tilespmem:s23+$0x60];
	_ =	sdelay $0x4  }
0x1cf: {  	v59 =	vshrl.u32 v3, $0x3  }
0x1d0: {  	v4 =	vmul.u32 $0x30, v59  }
0x1d1: {  	v3 =	vand.u32 $0x7, v3  }
0x1d2: {  	v3 =	vor.u32 v3, v4  }
0x1d3: {  	v4 =	vperm.xlane v3, v0;
	_ =	sdelay $0x1  }
0x1d4: {  	v4 =	vadd.s32 v1, v4;
	_ =	sdelay $0x3  }
0x1d5: {  	s28 =	simm.s32 $0x3D00;
	v3 =	vperm.xlane v3, v2  }
0x1d6: {  	[tilespmem:s28], [sflag:$0x1] =	stream.indirect_vreg.gather [hbm4b:s1+s6], $0x80, v4, vm0, $0xb8;
	[tilespmem:$0x1ED00] =	vst v63  }
0x1d7: {  	s29 =	simm.s32 $0x4500;
	v3 =	vadd.s32 v1, v3  }
0x1d8: {  	[tilespmem:s29], [sflag:$0x1] =	stream.indirect_vreg.gather [hbm4b:s9+s6], $0x80, v4, vm0, $0xb8;
	[tilespmem:$0x1ED00] =	vst v63  }
0x1d9: {  	s30 =	simm.s32 $0x4D00  }
0x1da: {  	[tilespmem:s30], [sflag:$0x1] =	stream.indirect_vreg.gather [hbm4b:s10+s6], $0x80, v4, vm0, $0xb8;
	[tilespmem:$0x1ED00] =	vst v63  }
0x1db: {  	s31 =	simm.s32 $0x5500  }
0x1dc: {  	[tilespmem:s31], [sflag:$0x1] =	stream.indirect_vreg.gather [hbm4b:s1+s6], $0x80, v3, vm0, $0xb8;
	[tilespmem:$0x1ED00] =	vst v63  }
0x1dd: {  	s25 =	simm.s32 $0x5D00  }
0x1de: {  	[tilespmem:s25], [sflag:$0x1] =	stream.indirect_vreg.gather [hbm4b:s9+s6], $0x80, v3, vm0, $0xb8;
	[tilespmem:$0x1ED00] =	vst v63  }
0x1df: {  	s28 =	simm.s32 $0x6500  }
0x1e0: {  	[tilespmem:s28], [sflag:$0x1] =	stream.indirect_vreg.gather [hbm4b:s10+s6], $0x80, v3, vm0, $0xb8;
	[tilespmem:$0x1ED00] =	vst v63  }
0x1e1: {  	v3 =	vld.msk [tilespmem:s23+$0x70], $0xff;
	_ =	sdelay $0x4  }
0x1e2: {  	v60 =	vshrl.u32 v3, $0x3  }
0x1e3: {  	v4 =	vmul.u32 $0x30, v60  }
0x1e4: {  	v3 =	vand.u32 $0x7, v3  }
0x1e5: {  	v3 =	vor.u32 v3, v4  }
0x1e6: {  	v3 =	vperm.xlane v3, v0;
	_ =	sdelay $0x1  }
0x1e7: {  	v3 =	vadd.s32 v1, v3;
	_ =	sdelay $0x3  }
0x1e8: {  	s29 =	simm.s32 $0x6D00  }
0x1e9: {  	[tilespmem:s29], [sflag:$0x1] =	stream.indirect_vreg.gather [hbm4b:s1+s6], $0x80, v3, vm0, $0xb8;
	[tilespmem:$0x1ED00] =	vst v63  }
0x1ea: {  	s30 =	simm.s32 $0x7500  }
0x1eb: {  	[tilespmem:s30], [sflag:$0x1] =	stream.indirect_vreg.gather [hbm4b:s9+s6], $0x80, v3, vm0, $0xb8;
	[tilespmem:$0x1ED00] =	vst v63  }
0x1ec: {  	s31 =	simm.s32 $0x7D00  }
0x1ed: {  	[tilespmem:s31], [sflag:$0x1] =	stream.indirect_vreg.gather [hbm4b:s10+s6], $0x80, v3, vm0, $0xb8;
	[tilespmem:$0x1ED00] =	vst v63  }
0x1ee: {  	v3 =	vld [tilespmem:s23+$0x6D0];
	_ =	sdelay $0x4  }
0x1ef: {  	v61 =	vshrl.u32 v3, $0x3  }
0x1f0: {  	v4 =	vmul.u32 $0x30, v61  }
0x1f1: {  	v3 =	vand.u32 $0x7, v3  }
0x1f2: {  	v3 =	vor.u32 v3, v4  }
0x1f3: {  	v4 =	vperm.xlane v3, v0;
	_ =	sdelay $0x1  }
0x1f4: {  	v4 =	vadd.s32 v1, v4;
	_ =	sdelay $0x3  }
0x1f5: {  	s25 =	simm.s32 $0xFD00;
	v3 =	vperm.xlane v3, v2  }
0x1f6: {  	[tilespmem:s25], [sflag:$0x3] =	stream.indirect_vreg.gather [hbm4b:s3+s6], $0x80, v4, vm0, $0xb8;
	[tilespmem:$0x1ED00] =	vst v63  }
0x1f7: {  	s28 =	simm.s32 $0x10500;
	v3 =	vadd.s32 v1, v3  }
0x1f8: {  	[tilespmem:s28], [sflag:$0x3] =	stream.indirect_vreg.gather [hbm4b:s11+s6], $0x80, v4, vm0, $0xb8;
	[tilespmem:$0x1ED00] =	vst v63  }
0x1f9: {  	s29 =	simm.s32 $0x10D00  }
0x1fa: {  	[tilespmem:s29], [sflag:$0x3] =	stream.indirect_vreg.gather [hbm4b:s12+s6], $0x80, v4, vm0, $0xb8;
	[tilespmem:$0x1ED00] =	vst v63  }
0x1fb: {  	s30 =	simm.s32 $0x11500  }
0x1fc: {  	[tilespmem:s30], [sflag:$0x3] =	stream.indirect_vreg.gather [hbm4b:s3+s6], $0x80, v3, vm0, $0xb8;
	[tilespmem:$0x1ED00] =	vst v63  }
0x1fd: {  	s31 =	simm.s32 $0x11D00  }
0x1fe: {  	[tilespmem:s31], [sflag:$0x3] =	stream.indirect_vreg.gather [hbm4b:s11+s6], $0x80, v3, vm0, $0xb8;
	[tilespmem:$0x1ED00] =	vst v63  }
0x1ff: {  	s25 =	simm.s32 $0x12500  }
0x200: {  	[tilespmem:s25], [sflag:$0x3] =	stream.indirect_vreg.gather [hbm4b:s12+s6], $0x80, v3, vm0, $0xb8;
	[tilespmem:$0x1ED00] =	vst v63  }
0x201: {  	v3 =	vld [tilespmem:s23+$0x6E0];
	_ =	sdelay $0x4  }
0x202: {  	v62 =	vshrl.u32 v3, $0x3  }
0x203: {  	v4 =	vmul.u32 $0x30, v62  }
0x204: {  	v3 =	vand.u32 $0x7, v3  }
0x205: {  	v3 =	vor.u32 v3, v4  }
0x206: {  	v4 =	vperm.xlane v3, v0;
	_ =	sdelay $0x1  }
0x207: {  	v4 =	vadd.s32 v1, v4;
	_ =	sdelay $0x3  }
0x208: {  	s28 =	simm.s32 $0x12D00;
	v3 =	vperm.xlane v3, v2  }
0x209: {  	[tilespmem:s28], [sflag:$0x3] =	stream.indirect_vreg.gather [hbm4b:s3+s6], $0x80, v4, vm0, $0xb8;
	[tilespmem:$0x1ED00] =	vst v63  }
0x20a: {  	s29 =	simm.s32 $0x13500;
	v3 =	vadd.s32 v1, v3  }
0x20b: {  	[tilespmem:s29], [sflag:$0x3] =	stream.indirect_vreg.gather [hbm4b:s11+s6], $0x80, v4, vm0, $0xb8;
	[tilespmem:$0x1ED00] =	vst v63  }
0x20c: {  	s30 =	simm.s32 $0x13D00  }
0x20d: {  	[tilespmem:s30], [sflag:$0x3] =	stream.indirect_vreg.gather [hbm4b:s12+s6], $0x80, v4, vm0, $0xb8;
	[tilespmem:$0x1ED00] =	vst v63  }
0x20e: {  	s31 =	simm.s32 $0x14500  }
0x20f: {  	[tilespmem:s31], [sflag:$0x3] =	stream.indirect_vreg.gather [hbm4b:s3+s6], $0x80, v3, vm0, $0xb8;
	[tilespmem:$0x1ED00] =	vst v63  }
0x210: {  	s25 =	simm.s32 $0x14D00  }
0x211: {  	[tilespmem:s25], [sflag:$0x3] =	stream.indirect_vreg.gather [hbm4b:s11+s6], $0x80, v3, vm0, $0xb8;
	[tilespmem:$0x1ED00] =	vst v63  }
0x212: {  	s28 =	simm.s32 $0x15500  }
0x213: {  	[tilespmem:s28], [sflag:$0x3] =	stream.indirect_vreg.gather [hbm4b:s12+s6], $0x80, v3, vm0, $0xb8;
	[tilespmem:$0x1ED00] =	vst v63  }
0x214: {  	v3 =	vld.msk [tilespmem:s23+$0x6F0], $0xff;
	_ =	sdelay $0x4  }
0x215: {  	v63 =	vshrl.u32 v3, $0x3  }
0x216: {  	v4 =	vmul.u32 $0x30, v63  }
0x217: {  	v3 =	vand.u32 $0x7, v3  }
0x218: {  	v3 =	vor.u32 v3, v4  }
0x219: {  	v3 =	vperm.xlane v3, v0;
	_ =	sdelay $0x1  }
0x21a: {  	v3 =	vadd.s32 v1, v3;
	_ =	sdelay $0x3  }
0x21b: {  	s29 =	simm.s32 $0x15D00  }
0x21c: {  	[tilespmem:s29], [sflag:$0x3] =	stream.indirect_vreg.gather [hbm4b:s3+s6], $0x80, v3, vm0, $0xb8;
	[tilespmem:$0x1ED00] =	vst v63  }
0x21d: {  	s30 =	simm.s32 $0x16500  }
0x21e: {  	[tilespmem:s30], [sflag:$0x3] =	stream.indirect_vreg.gather [hbm4b:s11+s6], $0x80, v3, vm0, $0xb8;
	[tilespmem:$0x1ED00] =	vst v63  }
0x21f: {  	s31 =	simm.s32 $0x16D00  }
0x220: {  	[tilespmem:s31], [sflag:$0x3] =	stream.indirect_vreg.gather [hbm4b:s12+s6], $0x80, v3, vm0, $0xb8;
	[tilespmem:$0x1ED00] =	vst v63  }
.LBB2_6:
0x221: {  	_ =	swait.ge [sflag:s19], $0x7800  }
0x222: {  	[sflag:s19] =	ssyncset.done $0x0  }
0x223: {  	s24 =	simm.s32 $0x0;
	[sflag:s19] =	ssyncadd.s32 $0xFFFF8800  }
0x224: {  	s23 =	simm.s32 $0x0;
	s24 =	smul.u32 $0x1800, s24;
	_ =	swait.ge [sflag:s20], $0x7800  }
0x225: {  	s25 =	sand.u32 $0x380, s23;
	[sflag:s20] =	ssyncset.done $0x0  }
0x226: {  	s24 =	sor.u32 s25, s24;
	[sflag:s20] =	ssyncadd.s32 $0xFFFF8800  }
0x227: {  	v3 =	vld [tilespmem:s24+$0x18970]  }
0x228: {  	v6 =	vld [tilespmem:s24+$0x17500]  }
0x229: {  	v7 =	vld [tilespmem:s24+$0x17510]  }
0x22a: {  	v8 =	vld [tilespmem:s24+$0x17520]  }
0x22b: {  	v9 =	vld [tilespmem:s24+$0x17530]  }
0x22c: {  	v10 =	vld [tilespmem:s24+$0x17540]  }
0x22d: {  	v11 =	vld [tilespmem:s24+$0x17550]  }
0x22e: {  	v12 =	vld [tilespmem:s24+$0x17560]  }
0x22f: {  	v13 =	vld [tilespmem:s24+$0x17570]  }
0x230: {  	v14 =	vld [tilespmem:s24+$0x17900]  }
0x231: {  	v15 =	vld [tilespmem:s24+$0x17910]  }
0x232: {  	v16 =	vld [tilespmem:s24+$0x17920]  }
0x233: {  	v17 =	vld [tilespmem:s24+$0x17930]  }
0x234: {  	v18 =	vld [tilespmem:s24+$0x17940]  }
0x235: {  	v19 =	vld [tilespmem:s24+$0x17950]  }
0x236: {  	v20 =	vld [tilespmem:s24+$0x17960]  }
0x237: {  	v21 =	vld [tilespmem:s24+$0x17970]  }
0x238: {  	v22 =	vld [tilespmem:s24+$0x17D00]  }
0x239: {  	v23 =	vld [tilespmem:s24+$0x17D10]  }
0x23a: {  	v24 =	vld [tilespmem:s24+$0x17D20]  }
0x23b: {  	v25 =	vld [tilespmem:s24+$0x17D30]  }
0x23c: {  	v26 =	vld [tilespmem:s24+$0x17D40]  }
0x23d: {  	v27 =	vld [tilespmem:s24+$0x17D50]  }
0x23e: {  	v28 =	vld [tilespmem:s24+$0x17D60]  }
0x23f: {  	v29 =	vld [tilespmem:s24+$0x17D70]  }
0x240: {  	v30 =	vld [tilespmem:s24+$0x18100]  }
0x241: {  	v31 =	vld [tilespmem:s24+$0x18110]  }
0x242: {  	v32 =	vld [tilespmem:s24+$0x18120]  }
0x243: {  	v33 =	vld [tilespmem:s24+$0x18130]  }
0x244: {  	v34 =	vld [tilespmem:s24+$0x18140]  }
0x245: {  	v35 =	vld [tilespmem:s24+$0x18150]  }
0x246: {  	v36 =	vld [tilespmem:s24+$0x18160]  }
0x247: {  	v37 =	vld [tilespmem:s24+$0x18170]  }
0x248: {  	v38 =	vld [tilespmem:s24+$0x18500]  }
0x249: {  	v39 =	vld [tilespmem:s24+$0x18510]  }
0x24a: {  	v40 =	vld [tilespmem:s24+$0x18520]  }
0x24b: {  	v41 =	vld [tilespmem:s24+$0x18530]  }
0x24c: {  	v42 =	vld [tilespmem:s24+$0x18540]  }
0x24d: {  	v43 =	vld [tilespmem:s24+$0x18550]  }
0x24e: {  	v44 =	vld [tilespmem:s24+$0x18560]  }
0x24f: {  	v45 =	vld [tilespmem:s24+$0x18570]  }
0x250: {  	v46 =	vld [tilespmem:s24+$0x18900]  }
0x251: {  	v47 =	vld [tilespmem:s24+$0x18910]  }
0x252: {  	v48 =	vld [tilespmem:s24+$0x18920]  }
0x253: {  	v49 =	vld [tilespmem:s24+$0x18930]  }
0x254: {  	v5 =	vld [tilespmem:s24+$0x18940]  }
0x255: {  	v4 =	vld [tilespmem:s24+$0x18950]  }
0x256: {  	[tilespmem:s24+$0x9970] =	vst.add.f32.msk $0xffff, v3  }
0x257: {  	v3 =	vld [tilespmem:s24+$0x18960]  }
0x258: {  	[tilespmem:s24+$0x8500] =	vst.add.f32.msk $0xffff, v6  }
0x259: {  	[tilespmem:s24+$0x8510] =	vst.add.f32.msk $0xffff, v7  }
0x25a: {  	[tilespmem:s24+$0x8520] =	vst.add.f32.msk $0xffff, v8  }
0x25b: {  	[tilespmem:s24+$0x8530] =	vst.add.f32.msk $0xffff, v9  }
0x25c: {  	[tilespmem:s24+$0x8540] =	vst.add.f32.msk $0xffff, v10  }
0x25d: {  	[tilespmem:s24+$0x8550] =	vst.add.f32.msk $0xffff, v11  }
0x25e: {  	[tilespmem:s24+$0x8560] =	vst.add.f32.msk $0xffff, v12  }
0x25f: {  	[tilespmem:s24+$0x8570] =	vst.add.f32.msk $0xffff, v13  }
0x260: {  	[tilespmem:s24+$0x8900] =	vst.add.f32.msk $0xffff, v14  }
0x261: {  	[tilespmem:s24+$0x8910] =	vst.add.f32.msk $0xffff, v15  }
0x262: {  	[tilespmem:s24+$0x8920] =	vst.add.f32.msk $0xffff, v16  }
0x263: {  	[tilespmem:s24+$0x8930] =	vst.add.f32.msk $0xffff, v17  }
0x264: {  	[tilespmem:s24+$0x8940] =	vst.add.f32.msk $0xffff, v18  }
0x265: {  	[tilespmem:s24+$0x8950] =	vst.add.f32.msk $0xffff, v19  }
0x266: {  	[tilespmem:s24+$0x8960] =	vst.add.f32.msk $0xffff, v20  }
0x267: {  	[tilespmem:s24+$0x8970] =	vst.add.f32.msk $0xffff, v21  }
0x268: {  	[tilespmem:s24+$0x8D00] =	vst.add.f32.msk $0xffff, v22  }
0x269: {  	[tilespmem:s24+$0x8D10] =	vst.add.f32.msk $0xffff, v23  }
0x26a: {  	[tilespmem:s24+$0x8D20] =	vst.add.f32.msk $0xffff, v24  }
0x26b: {  	[tilespmem:s24+$0x8D30] =	vst.add.f32.msk $0xffff, v25  }
0x26c: {  	[tilespmem:s24+$0x8D40] =	vst.add.f32.msk $0xffff, v26  }
0x26d: {  	[tilespmem:s24+$0x8D50] =	vst.add.f32.msk $0xffff, v27  }
0x26e: {  	[tilespmem:s24+$0x8D60] =	vst.add.f32.msk $0xffff, v28  }
0x26f: {  	[tilespmem:s24+$0x8D70] =	vst.add.f32.msk $0xffff, v29  }
0x270: {  	[tilespmem:s24+$0x9100] =	vst.add.f32.msk $0xffff, v30  }
0x271: {  	[tilespmem:s24+$0x9110] =	vst.add.f32.msk $0xffff, v31  }
0x272: {  	[tilespmem:s24+$0x9120] =	vst.add.f32.msk $0xffff, v32  }
0x273: {  	[tilespmem:s24+$0x9130] =	vst.add.f32.msk $0xffff, v33  }
0x274: {  	[tilespmem:s24+$0x9140] =	vst.add.f32.msk $0xffff, v34  }
0x275: {  	[tilespmem:s24+$0x9150] =	vst.add.f32.msk $0xffff, v35  }
0x276: {  	[tilespmem:s24+$0x9160] =	vst.add.f32.msk $0xffff, v36  }
0x277: {  	[tilespmem:s24+$0x9170] =	vst.add.f32.msk $0xffff, v37  }
0x278: {  	[tilespmem:s24+$0x9500] =	vst.add.f32.msk $0xffff, v38  }
0x279: {  	[tilespmem:s24+$0x9510] =	vst.add.f32.msk $0xffff, v39  }
0x27a: {  	[tilespmem:s24+$0x9520] =	vst.add.f32.msk $0xffff, v40  }
0x27b: {  	[tilespmem:s24+$0x9530] =	vst.add.f32.msk $0xffff, v41  }
0x27c: {  	[tilespmem:s24+$0x9540] =	vst.add.f32.msk $0xffff, v42  }
0x27d: {  	[tilespmem:s24+$0x9550] =	vst.add.f32.msk $0xffff, v43  }
0x27e: {  	[tilespmem:s24+$0x9560] =	vst.add.f32.msk $0xffff, v44  }
0x27f: {  	[tilespmem:s24+$0x9570] =	vst.add.f32.msk $0xffff, v45  }
0x280: {  	[tilespmem:s24+$0x9900] =	vst.add.f32.msk $0xffff, v46  }
0x281: {  	[tilespmem:s24+$0x9910] =	vst.add.f32.msk $0xffff, v47  }
0x282: {  	[tilespmem:s24+$0x9920] =	vst.add.f32.msk $0xffff, v48  }
0x283: {  	s28 =	simm.s32 $0x0;
	s25 =	simm.s32 $0x2;
	[tilespmem:s24+$0x9930] =	vst.add.f32.msk $0xffff, v49  }
.LBB2_7:
0x284: {  	p0 =	sne.s32 s25, $0x27;
	s28 =	smul.u32 $0x1800, s28;
	[tilespmem:s24+$0x9940] =	vst.add.f32.msk $0xffff, v5;
	s23 =	sadd.s32 $0x80, s23  }
0x285: {  	s29 =	sand.u32 $0x380, s23;
	[tilespmem:s24+$0x9950] =	vst.add.f32.msk $0xffff, v4  }
0x286: {  	[tilespmem:s24+$0x9960] =	vst.add.f32.msk $0xffff, v3;
	s24 =	sor.u32 s29, s28  }
0x287: {  	v3 =	vld [tilespmem:s24+$0x18970]  }
0x288: {  	v6 =	vld [tilespmem:s24+$0x17500]  }
0x289: {  	v7 =	vld [tilespmem:s24+$0x17510]  }
0x28a: {  	v8 =	vld [tilespmem:s24+$0x17520]  }
0x28b: {  	v9 =	vld [tilespmem:s24+$0x17530]  }
0x28c: {  	[tilespmem:s24+$0x9970] =	vst.add.f32.msk $0xffff, v3  }
0x28d: {  	v10 =	vld [tilespmem:s24+$0x17540]  }
0x28e: {  	v11 =	vld [tilespmem:s24+$0x17550]  }
0x28f: {  	v12 =	vld [tilespmem:s24+$0x17560]  }
0x290: {  	v13 =	vld [tilespmem:s24+$0x17570]  }
0x291: {  	v14 =	vld [tilespmem:s24+$0x17900]  }
0x292: {  	v15 =	vld [tilespmem:s24+$0x17910]  }
0x293: {  	v16 =	vld [tilespmem:s24+$0x17920]  }
0x294: {  	v17 =	vld [tilespmem:s24+$0x17930]  }
0x295: {  	v18 =	vld [tilespmem:s24+$0x17940]  }
0x296: {  	v19 =	vld [tilespmem:s24+$0x17950]  }
0x297: {  	v20 =	vld [tilespmem:s24+$0x17960]  }
0x298: {  	v21 =	vld [tilespmem:s24+$0x17970]  }
0x299: {  	v22 =	vld [tilespmem:s24+$0x17D00]  }
0x29a: {  	v23 =	vld [tilespmem:s24+$0x17D10]  }
0x29b: {  	v24 =	vld [tilespmem:s24+$0x17D20]  }
0x29c: {  	v25 =	vld [tilespmem:s24+$0x17D30]  }
0x29d: {  	v26 =	vld [tilespmem:s24+$0x17D40]  }
0x29e: {  	v27 =	vld [tilespmem:s24+$0x17D50]  }
0x29f: {  	v28 =	vld [tilespmem:s24+$0x17D60]  }
0x2a0: {  	v29 =	vld [tilespmem:s24+$0x17D70]  }
0x2a1: {  	v30 =	vld [tilespmem:s24+$0x18100]  }
0x2a2: {  	v31 =	vld [tilespmem:s24+$0x18110]  }
0x2a3: {  	v32 =	vld [tilespmem:s24+$0x18120]  }
0x2a4: {  	v33 =	vld [tilespmem:s24+$0x18130]  }
0x2a5: {  	v34 =	vld [tilespmem:s24+$0x18140]  }
0x2a6: {  	v35 =	vld [tilespmem:s24+$0x18150]  }
0x2a7: {  	v36 =	vld [tilespmem:s24+$0x18160]  }
0x2a8: {  	v37 =	vld [tilespmem:s24+$0x18170]  }
0x2a9: {  	v38 =	vld [tilespmem:s24+$0x18500]  }
0x2aa: {  	v39 =	vld [tilespmem:s24+$0x18510]  }
0x2ab: {  	v40 =	vld [tilespmem:s24+$0x18520]  }
0x2ac: {  	v41 =	vld [tilespmem:s24+$0x18530]  }
0x2ad: {  	v42 =	vld [tilespmem:s24+$0x18540]  }
0x2ae: {  	v43 =	vld [tilespmem:s24+$0x18550]  }
0x2af: {  	v44 =	vld [tilespmem:s24+$0x18560]  }
0x2b0: {  	v45 =	vld [tilespmem:s24+$0x18570]  }
0x2b1: {  	v46 =	vld [tilespmem:s24+$0x18900]  }
0x2b2: {  	v47 =	vld [tilespmem:s24+$0x18910]  }
0x2b3: {  	v48 =	vld [tilespmem:s24+$0x18920]  }
0x2b4: {  	v49 =	vld [tilespmem:s24+$0x18930]  }
0x2b5: {  	v5 =	vld [tilespmem:s24+$0x18940]  }
0x2b6: {  	v4 =	vld [tilespmem:s24+$0x18950]  }
0x2b7: {  	v3 =	vld [tilespmem:s24+$0x18960]  }
0x2b8: {  	[tilespmem:s24+$0x8500] =	vst.add.f32.msk $0xffff, v6  }
0x2b9: {  	[tilespmem:s24+$0x8510] =	vst.add.f32.msk $0xffff, v7  }
0x2ba: {  	[tilespmem:s24+$0x8520] =	vst.add.f32.msk $0xffff, v8  }
0x2bb: {  	[tilespmem:s24+$0x8530] =	vst.add.f32.msk $0xffff, v9  }
0x2bc: {  	[tilespmem:s24+$0x8540] =	vst.add.f32.msk $0xffff, v10  }
0x2bd: {  	[tilespmem:s24+$0x8550] =	vst.add.f32.msk $0xffff, v11  }
0x2be: {  	[tilespmem:s24+$0x8560] =	vst.add.f32.msk $0xffff, v12  }
0x2bf: {  	[tilespmem:s24+$0x8570] =	vst.add.f32.msk $0xffff, v13  }
0x2c0: {  	[tilespmem:s24+$0x8900] =	vst.add.f32.msk $0xffff, v14  }
0x2c1: {  	[tilespmem:s24+$0x8910] =	vst.add.f32.msk $0xffff, v15  }
0x2c2: {  	[tilespmem:s24+$0x8920] =	vst.add.f32.msk $0xffff, v16  }
0x2c3: {  	[tilespmem:s24+$0x8930] =	vst.add.f32.msk $0xffff, v17  }
0x2c4: {  	[tilespmem:s24+$0x8940] =	vst.add.f32.msk $0xffff, v18  }
0x2c5: {  	[tilespmem:s24+$0x8950] =	vst.add.f32.msk $0xffff, v19  }
0x2c6: {  	[tilespmem:s24+$0x8960] =	vst.add.f32.msk $0xffff, v20  }
0x2c7: {  	[tilespmem:s24+$0x8970] =	vst.add.f32.msk $0xffff, v21  }
0x2c8: {  	[tilespmem:s24+$0x8D00] =	vst.add.f32.msk $0xffff, v22  }
0x2c9: {  	[tilespmem:s24+$0x8D10] =	vst.add.f32.msk $0xffff, v23  }
0x2ca: {  	[tilespmem:s24+$0x8D20] =	vst.add.f32.msk $0xffff, v24  }
0x2cb: {  	[tilespmem:s24+$0x8D30] =	vst.add.f32.msk $0xffff, v25  }
0x2cc: {  	[tilespmem:s24+$0x8D40] =	vst.add.f32.msk $0xffff, v26  }
0x2cd: {  	[tilespmem:s24+$0x8D50] =	vst.add.f32.msk $0xffff, v27  }
0x2ce: {  	[tilespmem:s24+$0x8D60] =	vst.add.f32.msk $0xffff, v28  }
0x2cf: {  	[tilespmem:s24+$0x8D70] =	vst.add.f32.msk $0xffff, v29  }
0x2d0: {  	[tilespmem:s24+$0x9100] =	vst.add.f32.msk $0xffff, v30  }
0x2d1: {  	[tilespmem:s24+$0x9110] =	vst.add.f32.msk $0xffff, v31  }
0x2d2: {  	[tilespmem:s24+$0x9120] =	vst.add.f32.msk $0xffff, v32  }
0x2d3: {  	[tilespmem:s24+$0x9130] =	vst.add.f32.msk $0xffff, v33  }
0x2d4: {  	[tilespmem:s24+$0x9140] =	vst.add.f32.msk $0xffff, v34  }
0x2d5: {  	[tilespmem:s24+$0x9150] =	vst.add.f32.msk $0xffff, v35  }
0x2d6: {  	[tilespmem:s24+$0x9160] =	vst.add.f32.msk $0xffff, v36  }
0x2d7: {  	[tilespmem:s24+$0x9170] =	vst.add.f32.msk $0xffff, v37  }
0x2d8: {  	[tilespmem:s24+$0x9500] =	vst.add.f32.msk $0xffff, v38  }
0x2d9: {  	[tilespmem:s24+$0x9510] =	vst.add.f32.msk $0xffff, v39  }
0x2da: {  	[tilespmem:s24+$0x9520] =	vst.add.f32.msk $0xffff, v40  }
0x2db: {  	[tilespmem:s24+$0x9530] =	vst.add.f32.msk $0xffff, v41  }
0x2dc: {  	[tilespmem:s24+$0x9540] =	vst.add.f32.msk $0xffff, v42  }
0x2dd: {  	[tilespmem:s24+$0x9550] =	vst.add.f32.msk $0xffff, v43  }
0x2de: {  	[tilespmem:s24+$0x9560] =	vst.add.f32.msk $0xffff, v44  }
.Ltmp2:
0x2df: {  	[tilespmem:s24+$0x9570] =	vst.add.f32.msk $0xffff, v45;
	(pc) =	sbr.rel @p0 .LBB2_7-.Ltmp2, $4  }
0x2e0: {  	[tilespmem:s24+$0x9900] =	vst.add.f32.msk $0xffff, v46  }
0x2e1: {  	[tilespmem:s24+$0x9910] =	vst.add.f32.msk $0xffff, v47  }
0x2e2: {  	[tilespmem:s24+$0x9920] =	vst.add.f32.msk $0xffff, v48  }
0x2e3: {  	s28 =	sshrl.u32 s25, $0x3;
	s25 =	sadd.s32 $0x1, s25;
	[tilespmem:s24+$0x9930] =	vst.add.f32.msk $0xffff, v49  }
0x2e4: {  	s25 =	smul.u32 $0x1800, s28;
	[tilespmem:s24+$0x9940] =	vst.add.f32.msk $0xffff, v5;
	s23 =	sadd.s32 $0x80, s23  }
0x2e5: {  	[tilespmem:s24+$0x9950] =	vst.add.f32.msk $0xffff, v4;
	s23 =	sand.u32 $0x380, s23  }
0x2e6: {  	[tilespmem:s24+$0x9960] =	vst.add.f32.msk $0xffff, v3;
	s23 =	sor.u32 s23, s25  }
0x2e7: {  	v3 =	vld [tilespmem:s23+$0x18970]  }
0x2e8: {  	v4 =	vld [tilespmem:s23+$0x17500]  }
0x2e9: {  	v5 =	vld [tilespmem:s23+$0x17510]  }
0x2ea: {  	v6 =	vld [tilespmem:s23+$0x17520]  }
0x2eb: {  	v7 =	vld [tilespmem:s23+$0x17530]  }
0x2ec: {  	v8 =	vld [tilespmem:s23+$0x17550]  }
0x2ed: {  	v9 =	vld [tilespmem:s23+$0x17560]  }
0x2ee: {  	v10 =	vld [tilespmem:s23+$0x17570]  }
0x2ef: {  	v11 =	vld [tilespmem:s23+$0x17900]  }
0x2f0: {  	v12 =	vld [tilespmem:s23+$0x17910]  }
0x2f1: {  	v13 =	vld [tilespmem:s23+$0x17920]  }
0x2f2: {  	v14 =	vld [tilespmem:s23+$0x17930]  }
0x2f3: {  	v15 =	vld [tilespmem:s23+$0x17940]  }
0x2f4: {  	v16 =	vld [tilespmem:s23+$0x17950]  }
0x2f5: {  	v17 =	vld [tilespmem:s23+$0x17960]  }
0x2f6: {  	v18 =	vld [tilespmem:s23+$0x17970]  }
0x2f7: {  	v19 =	vld [tilespmem:s23+$0x17D00]  }
0x2f8: {  	v20 =	vld [tilespmem:s23+$0x17D10]  }
0x2f9: {  	v21 =	vld [tilespmem:s23+$0x17D20]  }
0x2fa: {  	v22 =	vld [tilespmem:s23+$0x17D30]  }
0x2fb: {  	v23 =	vld [tilespmem:s23+$0x17D40]  }
0x2fc: {  	v24 =	vld [tilespmem:s23+$0x17D50]  }
0x2fd: {  	v25 =	vld [tilespmem:s23+$0x17D60]  }
0x2fe: {  	v26 =	vld [tilespmem:s23+$0x17D70]  }
0x2ff: {  	v27 =	vld [tilespmem:s23+$0x18100]  }
0x300: {  	v28 =	vld [tilespmem:s23+$0x18110]  }
0x301: {  	v29 =	vld [tilespmem:s23+$0x18120]  }
0x302: {  	v30 =	vld [tilespmem:s23+$0x18130]  }
0x303: {  	v31 =	vld [tilespmem:s23+$0x18140]  }
0x304: {  	v32 =	vld [tilespmem:s23+$0x18150]  }
0x305: {  	v33 =	vld [tilespmem:s23+$0x18160]  }
0x306: {  	v34 =	vld [tilespmem:s23+$0x18170]  }
0x307: {  	v35 =	vld [tilespmem:s23+$0x18500]  }
0x308: {  	v36 =	vld [tilespmem:s23+$0x18510]  }
0x309: {  	v37 =	vld [tilespmem:s23+$0x18520]  }
0x30a: {  	v38 =	vld [tilespmem:s23+$0x18530]  }
0x30b: {  	v39 =	vld [tilespmem:s23+$0x18540]  }
0x30c: {  	v40 =	vld [tilespmem:s23+$0x18550]  }
0x30d: {  	v41 =	vld [tilespmem:s23+$0x18560]  }
0x30e: {  	v42 =	vld [tilespmem:s23+$0x18570]  }
0x30f: {  	v43 =	vld [tilespmem:s23+$0x18900]  }
0x310: {  	v44 =	vld [tilespmem:s23+$0x18910]  }
0x311: {  	v45 =	vld [tilespmem:s23+$0x18920]  }
0x312: {  	v46 =	vld [tilespmem:s23+$0x18930]  }
0x313: {  	v47 =	vld [tilespmem:s23+$0x18940]  }
0x314: {  	v48 =	vld [tilespmem:s23+$0x18950]  }
0x315: {  	v49 =	vld [tilespmem:s23+$0x18960]  }
0x316: {  	[tilespmem:s23+$0x9970] =	vst.add.f32.msk $0xffff, v3  }
0x317: {  	v3 =	vld [tilespmem:s23+$0x17540]  }
0x318: {  	[tilespmem:s23+$0x8500] =	vst.add.f32.msk $0xffff, v4  }
0x319: {  	[tilespmem:s23+$0x8510] =	vst.add.f32.msk $0xffff, v5  }
0x31a: {  	[tilespmem:s23+$0x8520] =	vst.add.f32.msk $0xffff, v6  }
0x31b: {  	[tilespmem:s23+$0x8530] =	vst.add.f32.msk $0xffff, v7  }
0x31c: {  	[tilespmem:s23+$0x8550] =	vst.add.f32.msk $0xffff, v8  }
0x31d: {  	[tilespmem:s23+$0x8560] =	vst.add.f32.msk $0xffff, v9  }
0x31e: {  	[tilespmem:s23+$0x8570] =	vst.add.f32.msk $0xffff, v10  }
0x31f: {  	[tilespmem:s23+$0x8900] =	vst.add.f32.msk $0xffff, v11  }
0x320: {  	[tilespmem:s23+$0x8910] =	vst.add.f32.msk $0xffff, v12  }
0x321: {  	[tilespmem:s23+$0x8920] =	vst.add.f32.msk $0xffff, v13  }
0x322: {  	[tilespmem:s23+$0x8930] =	vst.add.f32.msk $0xffff, v14  }
0x323: {  	[tilespmem:s23+$0x8940] =	vst.add.f32.msk $0xffff, v15  }
0x324: {  	[tilespmem:s23+$0x8950] =	vst.add.f32.msk $0xffff, v16  }
0x325: {  	[tilespmem:s23+$0x8960] =	vst.add.f32.msk $0xffff, v17  }
0x326: {  	[tilespmem:s23+$0x8970] =	vst.add.f32.msk $0xffff, v18  }
0x327: {  	[tilespmem:s23+$0x8D00] =	vst.add.f32.msk $0xffff, v19  }
0x328: {  	[tilespmem:s23+$0x8D10] =	vst.add.f32.msk $0xffff, v20  }
0x329: {  	[tilespmem:s23+$0x8D20] =	vst.add.f32.msk $0xffff, v21  }
0x32a: {  	[tilespmem:s23+$0x8D30] =	vst.add.f32.msk $0xffff, v22  }
0x32b: {  	[tilespmem:s23+$0x8D40] =	vst.add.f32.msk $0xffff, v23  }
0x32c: {  	[tilespmem:s23+$0x8D50] =	vst.add.f32.msk $0xffff, v24  }
0x32d: {  	[tilespmem:s23+$0x8D60] =	vst.add.f32.msk $0xffff, v25  }
0x32e: {  	[tilespmem:s23+$0x8D70] =	vst.add.f32.msk $0xffff, v26  }
0x32f: {  	[tilespmem:s23+$0x9100] =	vst.add.f32.msk $0xffff, v27  }
0x330: {  	[tilespmem:s23+$0x9110] =	vst.add.f32.msk $0xffff, v28  }
0x331: {  	[tilespmem:s23+$0x9120] =	vst.add.f32.msk $0xffff, v29  }
0x332: {  	[tilespmem:s23+$0x9130] =	vst.add.f32.msk $0xffff, v30  }
0x333: {  	[tilespmem:s23+$0x9140] =	vst.add.f32.msk $0xffff, v31  }
0x334: {  	[tilespmem:s23+$0x9150] =	vst.add.f32.msk $0xffff, v32  }
0x335: {  	[tilespmem:s23+$0x9160] =	vst.add.f32.msk $0xffff, v33  }
0x336: {  	[tilespmem:s23+$0x9170] =	vst.add.f32.msk $0xffff, v34  }
0x337: {  	[tilespmem:s23+$0x9500] =	vst.add.f32.msk $0xffff, v35  }
0x338: {  	[tilespmem:s23+$0x9510] =	vst.add.f32.msk $0xffff, v36  }
0x339: {  	[tilespmem:s23+$0x9520] =	vst.add.f32.msk $0xffff, v37  }
0x33a: {  	[tilespmem:s23+$0x9530] =	vst.add.f32.msk $0xffff, v38  }
0x33b: {  	[tilespmem:s23+$0x9540] =	vst.add.f32.msk $0xffff, v39  }
0x33c: {  	[tilespmem:s23+$0x9550] =	vst.add.f32.msk $0xffff, v40  }
0x33d: {  	[tilespmem:s23+$0x9560] =	vst.add.f32.msk $0xffff, v41  }
0x33e: {  	[tilespmem:s23+$0x9570] =	vst.add.f32.msk $0xffff, v42  }
0x33f: {  	[tilespmem:s23+$0x9900] =	vst.add.f32.msk $0xffff, v43  }
0x340: {  	[tilespmem:s23+$0x9910] =	vst.add.f32.msk $0xffff, v44  }
0x341: {  	[tilespmem:s23+$0x9920] =	vst.add.f32.msk $0xffff, v45  }
0x342: {  	s22 =	sadd.s32 s5, s22;
	[tilespmem:s23+$0x9930] =	vst.add.f32.msk $0xffff, v46  }
0x343: {  	s22 =	sshrl.u32 s22, $0x3;
	[tilespmem:s23+$0x9940] =	vst.add.f32.msk $0xffff, v47  }
0x344: {  	s21 =	sadd.s32 $0x1, s21;
	s22 =	smul.u32 $0x300, s22;
	[tilespmem:s23+$0x9950] =	vst.add.f32.msk $0xffff, v48  }
0x345: {  	p0 =	sne.s32 s21, $0x14;
	[tilespmem:s23+$0x9960] =	vst.add.f32.msk $0xffff, v49  }
.Ltmp3:
0x346: {  	s22 =	sadd.s32 s4, s22;
	[tilespmem:s23+$0x8540] =	vst.add.f32.msk $0xffff, v3;
	(pc) =	sbr.rel @p0 .LBB2_2-.Ltmp3, $4  }
0x347: {  	[hbm4b:s22+s6] =	stream.linear.scatter [tilespmem:s26], [sflag:$0x5], $0x7800, $0x38;
	[tilespmem:$0x1ED00] =	vst v63  }
0x348: {  	_ =	swait.ge [sflag:s14], $0x7800  }
0x349: {  	[sflag:s14] =	ssyncset.done $0x0  }
0x34a: {  	[sflag:s14] =	ssyncadd.s32 $0xFFFF8800  }
0x34b: {  	s22 =	rddreg [dreg:$0x9]  }
0x34c: {  	s21 =	rddreg [dreg:$0x8];
	s22 =	sadd.s32 $0x1, s22  }
0x34d: {  	p0 =	sne.s32 s22, s21  }
.Ltmp4:
0x34e: {  	_ = 	snop;
	(pc) =	sbr.rel @p0 .LBB2_1-.Ltmp4, $1  }
0x34f: {  	_ =	sdelay $0x3  }
0x350: {  	_ =	sfence.sel $0x180000  }
0x351: {  	[bflag:$0x0] =	sbarrier.arrive $0xFFFF  }
0x352: {  	_ =	strace $0x90000047  }
0x353: {  	s0 =	stileid.u32;
	[bflag:$0x2] =	sbarrier.arrive $0xFFFF  }
0x354: {  	p0 =	sne.s32 s0, $0x0;
	s0 =	rddreg [dreg:$0x5]  }
0x355: {  	s0 =	sadd.s32 @!p0 $0x100000, s0  }
0x356: {  	[sflag:s0] =	ssyncadd.tile.s32 @!p0 $0x1;
	_ =	shalt  }
.Lfunc_end2:
_tile_overlayer_lowered:
.L_overlay_start_2:
0x357: {  	(tag) =	ssettag $0x2  }
0x358: {  	s0 =	rddreg [dreg:$0x0];
	s2 =	stileid.u32  }
0x359: {  	s1 =	rddreg [dreg:$0x1];
	p0 =	sne.s32 s2, $0x0  }
0x35a: {  	s3 =	rddreg [dreg:$0x2];
	[bflag:$0x3] =	sbarrier.arrive $0xFFFF;
	s2 =	simm.s32 @!p0 $0x1C05  }
0x35b: {  	[timem:s3], [sflag:s2] =	dma.local @!p0 [hbm:s0], s1  }
0x35c: {  	s0 =	simm.s32 @!p0 $0x5  }
0x35d: {  	_ =	swait.ge @!p0 [sflag:s0], s1  }
0x35e: {  	s1 =	ssub.s32 @!p0 $0x0, s1;
	[sflag:s0] =	ssyncset.done @!p0 $0x0  }
0x35f: {  	[sflag:s0] =	ssyncadd.s32 @!p0 s1  }
0x360: {  	[bflag:$0x3] =	sbarrier.arrive $0xFFFF  }
0x361: {  	_ =	shalt  }

// kernel: sparse-core-data-format-call.cloned.1.call-start
scs
called_computation_lowered:
.L_overlay_start_0:
0x0: {  	s2 =	sld [smem:$0x3FD9]  }
0x1: {  	s3 =	sld [smem:$0x3FFE];
	_ =	sdelay $0x1  }
0x2: {  	s1 =	srdreg.scid  }
0x3: {  	s0 =	sand.u32 $0x1, s1  }
0x4: {  	s15 =	sshll.u32 s0, $0xA;
	s2 =	sadd.s32 s3, s2  }
0x5: {  	s2 =	sadd.s32 s2, s15  }
0x6: {  	[smem:$0x3FC0] =	sst s2  }
0x7: {  	_ = 	snop  }
0x8: {  	s2 =	sld [smem:$0x3FD0];
	_ =	sdelay $0x2  }
0x9: {  	s16 =	simm.s32 $0xA;
	s4 =	simm.s32 $0x10  }
0xa: {  	[smem:s4], [sflag:s16] =	dma.local [hbm:s2], $0x1  }
0xb: {  	_ =	swait.eq [sflag:s16], $0x1  }
0xc: {  	[sflag:s16] =	ssyncset.done $0x0  }
0xd: {  	[sflag:s16] =	ssyncadd.s32 $0xFFFFFFFF  }
0xe: {  	s17 =	sld [smem:$0x10];
	(tm) =	ssettm $0x1  }
0xf: {  	s18 =	sld [smem:$0x3FFB];
	_ =	sdelay $0x3  }
0x10: {  	_ =	strace s18  }
0x11: {  	s3 =	sld [smem:$0x3FFC];
	_ =	sdelay $0x3  }
0x12: {  	_ =	strace s3  }
0x13: {  	s3 =	sld [smem:$0x3FFD];
	_ =	sdelay $0x3  }
0x14: {  	_ =	strace s3  }
0x15: {  	_ =	strace $0x8FFFFFFF  }
0x16: {  	s19 =	sld [smem:$0x3FDB];
	_ =	sdelay $0x1  }
0x17: {  	s20 =	simm.s32 $_scs_section_size  }
0x18: {  	s5 =	simm.s32 $_size__tile_overlayer_lowered;
	s6 =	simm.s32 $_tile_overlayer_lowered  }
0x19: {  	s23 =	simm.s32 $0x1BFF;
	s22 =	sshll.u32 s6, $0x1;
	s3 =	sadd.s32 s20, s19  }
0x1a: {  	s7 =	simm.s32 $0x0;
	s21 =	sshll.u32 s5, $0x1;
	s5 =	sadd.s32 s22, s3  }
0x1b: {  	[timem:s7], [sflag:s23] =	dma.local [hbm:s5], s21  }
0x1c: {  	_ =	swait.ge [sflag:s23], s21  }
0x1d: {  	s4 =	ssub.s32 $0x0, s21;
	[sflag:s23] =	ssyncset.done $0x0  }
0x1e: {  	[sflag:s23] =	ssyncadd.s32 s4;
	_ =	sdelay $0x1  }
0x1f: {  	s24 =	simm.s32 $0x1B8B  }
0x20: {  	_ =	swait.ge [sflag:s24], $0x1  }
0x21: {  	[sflag:s24] =	ssyncset.done $0x0  }
0x22: {  	s26 =	simm.s32 $0x1B8E;
	s25 =	sld [smem:$0x3FFE];
	[sflag:s24] =	ssyncadd.s32 $0xFFFFFFFF  }
0x23: {  	s27 =	simm.s32 $execute0_lowered;
	[smem:$0x3FD2] =	sst s26  }
0x24: {  	s5 =	sshll.u32 s27, $0x1;
	_ =	strace $0x80000049;
	[dreg:$0x1] =	wrdreg $0xFFFFFFFF  }
0x25: {  	s28 =	simm.s32 $_size_execute0_lowered;
	s3 =	sadd.s32 s3, s5;
	[dreg:$0x0] =	wrdreg $0x0  }
0x26: {  	s5 =	sshll.u32 s28, $0x1;
	[dreg:$0x2] =	wrdreg s3  }
0x27: {  	[dreg:$0x3] =	wrdreg s5  }
0x28: {  	[dreg:$0x4] =	wrdreg $0xC0  }
0x29: {  	_ =	task [dreg:s7], $0x5FFFF  }
0x2a: {  	[dreg:$0x1] =	wrdreg $0xFFFFFFFF  }
0x2b: {  	[dreg:$0x0] =	wrdreg $0x60  }
0x2c: {  	[dreg:$0x2] =	wrdreg s25  }
0x2d: {  	[dreg:$0x3] =	wrdreg s17  }
0x2e: {  	[dreg:$0x4] =	wrdreg $0x9  }
0x2f: {  	_ =	task.clear_ibuf [dreg:s7], $0x5FFFF;
	_ =	strace $0x90000049  }
0x30: {  	s29 =	simm.s32 $0x9;
	_ =	strace $0x8000004B  }
0x31: {  	_ =	swait.ge [sflag:s29], $0x1  }
0x32: {  	[sflag:s29] =	ssyncadd.s32 $0xFFFFFFFF  }
0x33: {  	_ =	strace $0x9000004B  }
0x34: {  	_ =	sfence  }
0x35: {  	s30 =	sld [smem:$0x0];
	_ =	sdelay $0x2  }
0x36: {  	s31 =	sshll.u32 s1, $0xD;
	s1 =	sshrl.u32 s1, $0x2  }
0x37: {  	s3 =	sand.u32 $0x4000, s31;
	s1 =	sadd.s32 s1, s30  }
0x38: {  	s0 =	sor.u32 s3, s0;
	s1 =	sshll.u32 s1, $0x11  }
0x39: {  	s0 =	sor.u32 s1, s0  }
0x3a: {  	s0 =	sadd.s32 $0x8F2B, s0  }
0x3b: {  	[sflag:s0] =	ssyncadd.remote.s32 $0x1  }
0x3c: {  	_ =	sfence.sel $0xFFFF  }
0x3d: {  	[dreg:$0x0] =	wrdreg $0xFFFFFFFF;
	(pc) =	sbr.abs _section_cstart, $3  }
0x3e: {  	[dreg:$0x1] =	wrdreg $0xFFFFFFFF  }
0x3f: {  	_ =	task.clear_ibuf [dreg:s7], $0x2FFFF;
	_ =	strace $0x9FFFFFFF  }
0x40: {  	(tm) =	ssettm $0x7FFFFFFF  }
0x41: {  	_ =	shalt  }
tec
execute0_lowered:
.L_overlay_start_1:
0x0: {  	(tag) =	ssettag $0x1  }
0x1: {  	s0 =	stileid.u32  }
0x2: {  	s1 =	srdreg.scid;
	s2 =	sshll.u32 s0, $0x7  }
0x3: {  	s7 =	rddreg [dreg:$0x0];
	s3 =	sshll.u32 s1, $0x4;
	s1 =	sand.u32 $0x380, s2  }
0x4: {  	s8 =	simm.s32 $0x2;
	s30 =	sand.u32 $0x10, s3;
	s31 =	ssub.s32 $0x400, s1  }
0x5: {  	s16 =	simm.s32 $0x0;
	s2 =	sor.u32 s0, s30;
	s4 =	sand.u32 $0x380, s31  }
0x6: {  	s2 =	sshrl.u32 s2, $0x3;
	p0 =	sne.s32 s4, $0x0;
	s4 =	simm.s32 $0x1  }
0x7: {  	s3 =	sshrl.u32 s31, $0xA;
	s5 =	ssub.s32 $0x35, s2;
	s4 =	simm.s32 @!p0 $0x0  }
0x8: {  	s9 =	simm.s32 $0x1800;
	s5 =	sshrl.u32 s5, $0x2;
	s3 =	sadd.s32 s4, s3  }
0x9: {  	s10 =	simm.s32 $0x0;
	s15 =	simm.s32 $0x0;
	s6 =	smul.u32 s3, s5  }
.Ltmp0:
0xa: {  	s17 =	simm.s32 $0x0;
	s4 =	rddreg [dreg:$0x1];
	(pc) =	sbr.rel .LBB1_1-.Ltmp0, $4  }
0xb: {  	s11 =	simm.s32 $0x0;
	s14 =	simm.s32 $0x0;
	s3 =	rddreg [dreg:$0x2]  }
0xc: {  	_ =	strace $0x8000004A;
	s5 =	simm.s32 $0x1;
	s6 =	smul.u32 $0x6, s6  }
0xd: {  	s7 =	sadd.s32 $0x1200, s7;
	s13 =	smov.u32 s1;
	[sflag:s5] =	ssyncpa.u1 $0x0  }
0xe: {  	s12 =	smov.u32 s2;
	[sflag:s8] =	ssyncpa.u1 $0x0;
	s8 =	sor.u32 $0x1, s6  }
.LBB1_4:
0xf: {  	_ =	sdelay $0x2  }
0x10: {  	s21 =	sshrl.u32 s17, $0x3  }
0x11: {  	[tilespmem:v0+s20+$0xFFFFFFD0 ss:$0x1] =	vst.idx.msk $0xffff, v7;
	s22 =	sshll.u32 s16, $0x3;
	s21 =	smul.u32 $0x1800, s21  }
0x12: {  	v56 =	vld.idx.msk [tilespmem:v1+s19+$0x0 ss:$0x1], $0xffff;
	[tilespmem:v0+s20+$0xFFFFFFE0 ss:$0x1] =	vst.idx.msk $0xffff, v5;
	s27 =	sshll.u32 s17, $0x7;
	s22 =	sand.u32 $0xFFFFFC00, s22  }
0x13: {  	v57 =	vld.idx.msk [tilespmem:v1+s19+$0xFFFFFF90 ss:$0x1], $0xffff;
	[tilespmem:v0+s20+$0xFFFFFFF0 ss:$0x1] =	vst.idx.msk $0xffff, v4;
	s17 =	sand.u32 $0x380, s27;
	s21 =	sadd.s32 s21, s22  }
0x14: {  	v58 =	vld.idx.msk [tilespmem:v1+s19+$0xFFFFFFA0 ss:$0x1], $0xffff;
	[tilespmem:v0+s20+$0x0 ss:$0x1] =	vst.idx.msk $0xffff, v2;
	s28 =	sand.u32 $0x7F, s16;
	s17 =	sor.u32 s17, s21  }
0x15: {  	v59 =	vld.idx.msk [tilespmem:v1+s19+$0xFFFFFFB0 ss:$0x1], $0xffff;
	[tilespmem:v0+s20+$0x10 ss:$0x1] =	vst.idx.msk $0xffff, v3;
	s16 =	sor.u32 s28, s17  }
0x16: {  	v60 =	vld.idx.msk [tilespmem:v1+s19+$0xFFFFFFC0 ss:$0x1], $0xffff;
	[tilespmem:v0+s20+$0x20 ss:$0x1] =	vst.idx.msk $0xffff, v6;
	s29 =	smulhi.u32 $0xAAAAAAAB, s16  }
0x17: {  	v61 =	vld.idx.msk [tilespmem:v1+s19+$0xFFFFFFD0 ss:$0x1], $0xffff;
	[tilespmem:v0+s19+$0x30 ss:$0x1] =	vst.idx.msk $0xffff, v56;
	s17 =	smulhi.u32 $0xAAAAAAAB, s17  }
0x18: {  	v62 =	vld.idx.msk [tilespmem:v1+s19+$0xFFFFFFE0 ss:$0x1], $0xffff;
	[tilespmem:v0+s19+$0xFFFFFFC0 ss:$0x1] =	vst.idx.msk $0xffff, v57;
	s20 =	sshrl.u32 s29, $0x9  }
0x19: {  	v63 =	vld.idx.msk [tilespmem:v1+s19+$0xFFFFFFF0 ss:$0x1], $0xffff;
	[tilespmem:v0+s19+$0xFFFFFFD0 ss:$0x1] =	vst.idx.msk $0xffff, v58;
	s17 =	sshrl.u32 s17, $0x9;
	s20 =	smul.u32 $0x300, s20  }
0x1a: {  	s15 =	smul.u32 $0x18000, s15;
	[tilespmem:v0+s19+$0xFFFFFFE0 ss:$0x1] =	vst.idx.msk $0xffff, v59;
	s17 =	sand.u32 $0x3FF, s17  }
0x1b: {  	[tilespmem:v0+s19+$0xFFFFFFF0 ss:$0x1] =	vst.idx.msk $0xffff, v60;
	s17 =	smul.u32 $0x60, s17;
	s16 =	ssub.s32 s16, s20  }
0x1c: {  	s15 =	sadd.s32 s4, s15;
	[tilespmem:v0+s19+$0x0 ss:$0x1] =	vst.idx.msk $0xffff, v61;
	s20 =	sand.u32 $0x7, s16  }
0x1d: {  	[tilespmem:v0+s19+$0x10 ss:$0x1] =	vst.idx.msk $0xffff, v62;
	s15 =	sadd.s32 s17, s15;
	s16 =	sshrl.u32 s16, $0x3;
	s30 =	sshll.u32 s20, $0x12  }
0x1e: {  	[tilespmem:v0+s19+$0x20 ss:$0x1] =	vst.idx.msk $0xffff, v63;
	s15 =	sadd.s32 s16, s15;
	s31 =	sor.u32 $0x400, s30  }
0x1f: {  	[hbm4b:s15+s31] =	stream.strided.scatter [tilespmem:s18], [sflag:$0x2], $0x4000, s9, s31, $0x38;
	[tilespmem:$0x10000] =	vst v63  }
.LBB1_5:
0x20: {  	s18 =	sadd.s32 $0x80, s11  }
0x21: {  	s15 =	sadd.s32 $0x4, s12;
	s19 =	smov.u32 s12;
	p1 =	sgt.s32 s18, $0x2FF  }
0x22: {  	s19 =	smov.u32 @p1 s15  }
0x23: {  	s21 =	smov.u32 s13;
	s15 =	sadd.s32 $0x400, s13;
	p2 =	sgt.s32 s19, $0x31  }
0x24: {  	s21 =	smov.u32 @p2 s15  }
0x25: {  	s18 =	simm.s32 @p1 $0x0;
	p1 =	sgt.s32 s21, $0x3FF  }
0x26: {  	p0 =	slt.u32 s14, $0x2;
	s21 =	smov.u32 @p1 s1;
	p1 =	sne.s32 s14, s8  }
.Ltmp1:
0x27: {  	s20 =	simm.s32 @!p0 $0x2;
	(pc) =	sbr.rel @!p1 .LBB1_6-.Ltmp1, $4  }
0x28: {  	s16 =	smov.u32 s11;
	s17 =	smov.u32 s13;
	_ =	swait.ge @!p0 [sflag:s20], $0x4000  }
0x29: {  	s10 =	sadd.s32 $0x4000, s10;
	[sflag:s20] =	ssyncset.done @!p0 $0x0;
	s11 =	smov.u32 s18  }
0x2a: {  	s19 =	smov.u32 @p2 s2;
	s15 =	smov.u32 s12;
	[sflag:s20] =	ssyncadd.s32 @!p0 $0xFFFFC000  }
0x2b: {  	s12 =	smov.u32 s19;
	s14 =	sadd.s32 $0x1, s14;
	s13 =	smov.u32 s21  }
.LBB1_1:
0x2c: {  	p0 =	sge.u32 s14, s6  }
0x2d: {  	s18 =	sshrl.u32 @!p0 s12, $0x3  }
0x2e: {  	s19 =	sshll.u32 @!p0 s11, $0x3;
	s18 =	smul.u32 @!p0 $0x1800, s18  }
0x2f: {  	s20 =	sshll.u32 @!p0 s12, $0x7;
	s19 =	sand.u32 @!p0 $0xFFFFFC00, s19  }
0x30: {  	s18 =	sadd.s32 @!p0 s18, s19;
	s19 =	sand.u32 @!p0 $0x380, s20  }
0x31: {  	s18 =	sor.u32 @!p0 s19, s18  }
0x32: {  	s19 =	sand.u32 @!p0 $0x7F, s11;
	s20 =	smulhi.u32 @!p0 $0xAAAAAAAB, s18  }
0x33: {  	s18 =	sor.u32 @!p0 s19, s18  }
0x34: {  	s19 =	smulhi.u32 @!p0 $0xAAAAAAAB, s18;
	s20 =	sshrl.u32 @!p0 s20, $0x9  }
0x35: {  	s21 =	smulhi.u32 @!p0 $0x4924925, s20;
	_ =	sdelay $0x1  }
0x36: {  	s19 =	sshrl.u32 @!p0 s19, $0x9;
	s21 =	smul.u32 @!p0 $0x38, s21  }
0x37: {  	s31 =	sadd.s32 $0xFFFFFFFF, s14;
	s19 =	smul.u32 @!p0 $0x300, s19  }
0x38: {  	s22 =	sxor.u32 @!p0 $0xFFFFFFFF, s14;
	s20 =	ssub.s32 @!p0 s20, s21;
	s21 =	smul.u32 @!p0 $0x1500, s13  }
0x39: {  	s22 =	sshll.u32 @!p0 s22, $0xE;
	s18 =	ssub.s32 @!p0 s18, s19;
	s19 =	smul.u32 @!p0 $0x60, s20  }
0x3a: {  	s20 =	sand.u32 @!p0 $0x4000, s22;
	s22 =	sand.u32 @!p0 $0x7, s18;
	s21 =	sadd.s32 @!p0 s7, s21  }
0x3b: {  	s18 =	sshrl.u32 @!p0 s18, $0x3;
	s19 =	sadd.s32 @!p0 s19, s21;
	s21 =	sshll.u32 @!p0 s22, $0x12  }
0x3c: {  	s18 =	sadd.s32 @!p0 s18, s19;
	s19 =	sor.u32 @!p0 $0x80, s21;
	s21 =	simm.s32 @!p0 $0xA800  }
0x3d: {  	[tilespmem:s20], [sflag:$0x1] =	stream.strided.gather @!p0 [hbm4b:s18+s19], $0x4000, s21, s19, $0x38;
	[tilespmem:$0x10000] =	vst v63  }
0x3e: {  	p0 =	sge.u32 s31, s6  }
.Ltmp2:
0x3f: {  	_ = 	snop;
	(pc) =	sbr.rel @p0 .LBB1_5-.Ltmp2, $1  }
0x40: {  	_ =	sdelay $0x3  }
0x41: {  	s18 =	sand.u32 $0x4000, s10  }
0x42: {  	s19 =	sor.u32 $0x70, s18  }
0x43: {  	v1 =	vmov s19;
	_ =	sdelay $0x1  }
0x44: {  	_ =	swait.ge [sflag:s5], $0x4000  }
0x45: {  	[sflag:s5] =	ssyncset.done $0x0  }
0x46: {  	s20 =	simm.s32 $0x0;
	[sflag:s5] =	ssyncadd.s32 $0xFFFFC000  }
0x47: {  	s18 =	sor.u32 $0x8040, s18;
	v6 =	vld.idx.msk [tilespmem:v1+s20+$0x0 ss:$0x1], $0xffff  }
0x48: {  	v0 =	vmov s18;
	v8 =	vld.idx.msk [tilespmem:v1+s20+$0xFFFFFF90 ss:$0x1], $0xffff  }
0x49: {  	v7 =	vld.idx.msk [tilespmem:v1+s20+$0xFFFFFFA0 ss:$0x1], $0xffff  }
0x4a: {  	v5 =	vld.idx.msk [tilespmem:v1+s20+$0xFFFFFFB0 ss:$0x1], $0xffff  }
0x4b: {  	v4 =	vld.idx.msk [tilespmem:v1+s20+$0xFFFFFFC0 ss:$0x1], $0xffff  }
0x4c: {  	s31 =	sshll.u32 s14, $0xE;
	v2 =	vld.idx.msk [tilespmem:v1+s20+$0xFFFFFFD0 ss:$0x1], $0xffff  }
0x4d: {  	s18 =	sand.u32 $0x4000, s31;
	v3 =	vld.idx.msk [tilespmem:v1+s20+$0xFFFFFFE0 ss:$0x1], $0xffff;
	[tilespmem:v0+s20+$0x30 ss:$0x1] =	vst.idx.msk $0xffff, v6  }
0x4e: {  	s21 =	simm.s32 $0x400;
	s19 =	simm.s32 $0x80;
	s18 =	sor.u32 $0x8000, s18;
	[tilespmem:v0+s20+$0xFFFFFFC0 ss:$0x1] =	vst.idx.msk $0xffff, v8;
	v6 =	vld.idx.msk [tilespmem:v1+s20+$0xFFFFFFF0 ss:$0x1], $0xffff  }
.LBB1_3:
0x4f: {  	p0 =	sne.s32 s21, $0xFE00;
	v8 =	vld.idx.msk [tilespmem:v1+s19+$0x0 ss:$0x1], $0xffff;
	[tilespmem:v0+s20+$0xFFFFFFD0 ss:$0x1] =	vst.idx.msk $0xffff, v7  }
0x50: {  	v9 =	vld.idx.msk [tilespmem:v1+s19+$0xFFFFFF90 ss:$0x1], $0xffff;
	[tilespmem:v0+s20+$0xFFFFFFE0 ss:$0x1] =	vst.idx.msk $0xffff, v5  }
0x51: {  	v7 =	vld.idx.msk [tilespmem:v1+s19+$0xFFFFFFA0 ss:$0x1], $0xffff;
	[tilespmem:v0+s20+$0xFFFFFFF0 ss:$0x1] =	vst.idx.msk $0xffff, v4  }
.Ltmp3:
0x52: {  	v5 =	vld.idx.msk [tilespmem:v1+s19+$0xFFFFFFB0 ss:$0x1], $0xffff;
	[tilespmem:v0+s20+$0x0 ss:$0x1] =	vst.idx.msk $0xffff, v2;
	(pc) =	sbr.rel @p0 .LBB1_3-.Ltmp3, $4  }
0x53: {  	v4 =	vld.idx.msk [tilespmem:v1+s19+$0xFFFFFFC0 ss:$0x1], $0xffff;
	[tilespmem:v0+s20+$0x10 ss:$0x1] =	vst.idx.msk $0xffff, v3  }
0x54: {  	v2 =	vld.idx.msk [tilespmem:v1+s19+$0xFFFFFFD0 ss:$0x1], $0xffff;
	[tilespmem:v0+s20+$0x20 ss:$0x1] =	vst.idx.msk $0xffff, v6;
	s20 =	smov.u32 s19  }
0x55: {  	v3 =	vld.idx.msk [tilespmem:v1+s20+$0xFFFFFFE0 ss:$0x1], $0xffff;
	[tilespmem:v0+s20+$0x30 ss:$0x1] =	vst.idx.msk $0xffff, v8  }
0x56: {  	s19 =	sshra.s32 s21, $0x2;
	s21 =	sadd.s32 $0x200, s21;
	[tilespmem:v0+s20+$0xFFFFFFC0 ss:$0x1] =	vst.idx.msk $0xffff, v9;
	v6 =	vld.idx.msk [tilespmem:v1+s20+$0xFFFFFFF0 ss:$0x1], $0xffff  }
.Ltmp4:
0x57: {  	_ = 	snop;
	(pc) =	sbr.rel .LBB1_4-.Ltmp4, $1  }
0x58: {  	_ =	sdelay $0x3  }
.LBB1_6:
0x59: {  	_ =	sfence.sel $0x180000  }
0x5a: {  	s1 =	simm.s32 $0x1;
	[bflag:$0x0] =	sbarrier.arrive $0xFFFF  }
0x5b: {  	s31 =	simm.s32 $0x2;
	[sflag:s1] =	ssyncpa.u1 $0x1  }
0x5c: {  	[sflag:s31] =	ssyncpa.u1 $0x1  }
0x5d: {  	p0 =	sne.s32 s0, $0x0;
	_ =	strace $0x9000004A  }
0x5e: {  	s0 =	sadd.s32 @!p0 $0x100000, s3;
	[bflag:$0x2] =	sbarrier.arrive $0xFFFF  }
0x5f: {  	[sflag:s0] =	ssyncadd.tile.s32 @!p0 $0x1;
	_ =	shalt  }
.Lfunc_end1:
_tile_overlayer_lowered:
.L_overlay_start_2:
0x60: {  	(tag) =	ssettag $0x2  }
0x61: {  	s0 =	rddreg [dreg:$0x0];
	s2 =	stileid.u32  }
0x62: {  	s1 =	rddreg [dreg:$0x1];
	p0 =	sne.s32 s2, $0x0  }
0x63: {  	s3 =	rddreg [dreg:$0x2];
	[bflag:$0x3] =	sbarrier.arrive $0xFFFF;
	s2 =	simm.s32 @!p0 $0x1C01  }
0x64: {  	[timem:s3], [sflag:s2] =	dma.local @!p0 [hbm:s0], s1  }
0x65: {  	s0 =	simm.s32 @!p0 $0x1  }
0x66: {  	_ =	swait.ge @!p0 [sflag:s0], s1  }
0x67: {  	s1 =	ssub.s32 @!p0 $0x0, s1;
	[sflag:s0] =	ssyncset.done @!p0 $0x0  }
0x68: {  	[sflag:s0] =	ssyncadd.s32 @!p0 s1  }
0x69: {  	[bflag:$0x3] =	sbarrier.arrive $0xFFFF  }
0x6a: {  	_ =	shalt  }

</sc_bundles>
